<compile_context>
chip_gen: v7x
topology: tpu7x:2x2x1
jax: 0.10.2.dev20260603
libtpu: 0.0.44.dev20260713+nightly
codegen_flags: <defaults>
</compile_context>

<pallas_src>
import jax
import jax.numpy as jnp
from jax import lax
from jax.experimental import pallas as pl
from jax.experimental.pallas import tpu as pltpu
from jax.experimental.pallas import tpu_sc as plsc

N = 10000
E = 320000
D = 128
NC = 2
NS = 16
NW = NC * NS
PER_W = E // NW
K = 100
CHUNKS = PER_W // K
NB = 2
IDXB = CHUNKS // NB
NPAD = 10112
RPT = NPAD // NS
CW = 128


def _make_agg():
  mesh = plsc.VectorSubcoreMesh(core_axis_name="c", subcore_axis_name="s")
  scratch = [
      pltpu.VMEM_SHARED((NPAD, D), jnp.float32),
      pltpu.VMEM((IDXB, K), jnp.int32),
      pltpu.VMEM((IDXB, K), jnp.int32),
      pltpu.VMEM((K, D), jnp.float32),
      pltpu.VMEM((K, D), jnp.float32),
      pltpu.SemaphoreType.DMA,
      pltpu.SemaphoreType.DMA,
  ]

  def body(h_hbm, src_hbm, dst_hbm, zeros_hbm, out_hbm,
           acc, sidx, didx, rows0, rows1, sem0, sem1):
    c = lax.axis_index("c")
    s = lax.axis_index("s")
    wid = s * NC + c
    pltpu.sync_copy(zeros_hbm.at[pl.ds(s * RPT, RPT)],
                    acc.at[pl.ds(s * RPT, RPT)])
    plsc.subcore_barrier()

    for b in range(NB):
      pltpu.sync_copy(src_hbm.at[wid, b], sidx)
      pltpu.sync_copy(dst_hbm.at[wid, b], didx)
      pltpu.async_copy(h_hbm.at[sidx.at[0]], rows0, sem0)

      def step(g, carry):
        pltpu.async_copy(h_hbm.at[sidx.at[2 * g + 1]], rows1, sem1)
        pltpu.make_async_copy(h_hbm.at[sidx.at[0]], rows0, sem0).wait()
        pltpu.sync_copy(rows0, acc.at[didx.at[2 * g]], add=True)

        @pl.when(g < IDXB // 2 - 1)
        def _():
          pltpu.async_copy(h_hbm.at[sidx.at[2 * g + 2]], rows0, sem0)

        pltpu.make_async_copy(h_hbm.at[sidx.at[0]], rows1, sem1).wait()
        pltpu.sync_copy(rows1, acc.at[didx.at[2 * g + 1]], add=True)
        return carry

      lax.fori_loop(0, IDXB // 2, step, 0)
    plsc.subcore_barrier()
    pltpu.sync_copy(acc.at[pl.ds(s * RPT, RPT)],
                    out_hbm.at[c, pl.ds(s * RPT, RPT)])

  return pl.kernel(body,
                   out_type=jax.ShapeDtypeStruct((NC, NPAD, D), jnp.float32),
                   mesh=mesh, scratch_types=scratch)


def _make_cnt():
  mesh = plsc.VectorSubcoreMesh(core_axis_name="c", subcore_axis_name="s")
  scratch = [
      pltpu.VMEM_SHARED((NPAD, CW), jnp.float32),
      pltpu.VMEM((IDXB, K), jnp.int32),
      pltpu.VMEM((K, CW), jnp.float32),
      pltpu.SemaphoreType.DMA,
      pltpu.SemaphoreType.DMA,
  ]

  def body(dst_hbm, zeros_hbm, ones_hbm, out_hbm, accc, didx, ones_v,
           csem0, csem1):
    c = lax.axis_index("c")
    s = lax.axis_index("s")
    wid = s * NC + c
    pltpu.sync_copy(zeros_hbm.at[pl.ds(s * RPT, RPT)],
                    accc.at[pl.ds(s * RPT, RPT)])
    pltpu.sync_copy(ones_hbm, ones_v)
    plsc.subcore_barrier()

    for b in range(NB):
      pltpu.sync_copy(dst_hbm.at[wid, b], didx)

      def step(g, carry2):
        a = pltpu.async_copy(ones_v, accc.at[didx.at[2 * g]], csem0,
                             add=True)
        d = pltpu.async_copy(ones_v, accc.at[didx.at[2 * g + 1]], csem1,
                             add=True)
        a.wait()
        d.wait()
        return carry2

      lax.fori_loop(0, IDXB // 2, step, 0)
    plsc.subcore_barrier()
    pltpu.sync_copy(accc.at[pl.ds(s * RPT, RPT)],
                    out_hbm.at[c, pl.ds(s * RPT, RPT)])

  return pl.kernel(body,
                   out_type=jax.ShapeDtypeStruct((NC, NPAD, CW), jnp.float32),
                   mesh=mesh, scratch_types=scratch)


_agg = _make_agg()
_cnt = _make_cnt()


def _make_tc_layer(relu: bool):
  R = 2000

  def body(p_ref, c_ref, h_ref, wl_ref, wr_ref, b_ref, o_ref):
    agg = p_ref[0] + p_ref[1]
    cnt = c_ref[0, :, 0:1] + c_ref[1, :, 0:1]
    mean = agg / jnp.maximum(cnt, 1.0)
    acc = jnp.dot(mean, wl_ref[...], preferred_element_type=jnp.float32)
    acc += jnp.dot(h_ref[...], wr_ref[...], preferred_element_type=jnp.float32)
    acc += b_ref[...]
    if relu:
      acc = jnp.maximum(acc, 0.0)
    o_ref[...] = acc

  return pl.pallas_call(
      body,
      grid=(N // R,),
      in_specs=[
          pl.BlockSpec((NC, R, D), lambda i: (0, i, 0)),
          pl.BlockSpec((NC, R, 8), lambda i: (0, i, 0)),
          pl.BlockSpec((R, D), lambda i: (i, 0)),
          pl.BlockSpec((D, D), lambda i: (0, 0)),
          pl.BlockSpec((D, D), lambda i: (0, 0)),
          pl.BlockSpec((1, D), lambda i: (0, 0)),
      ],
      out_specs=pl.BlockSpec((R, D), lambda i: (i, 0)),
      out_shape=jax.ShapeDtypeStruct((N, D), jnp.float32),
  )


_tc_mid = _make_tc_layer(True)
_tc_last = _make_tc_layer(False)


def kernel(x, edge_index, Wl0, Wr0, b0, Wl1, Wr1, b1, Wl2, Wr2, b2):
  ei = edge_index.astype(jnp.int32)
  src4d = ei[0].reshape(NW, NB, IDXB, K)
  dst4d = ei[1].reshape(NW, NB, IDXB, K)
  zeros = jnp.zeros((NPAD, D), jnp.float32)
  ones = jnp.ones((K, CW), jnp.float32)

  cntp = _cnt(dst4d, zeros, ones)[:, :, :8]
  p0 = _agg(x, src4d, dst4d, zeros)
  h1 = _tc_mid(p0, cntp, x, Wl0, Wr0, b0.reshape(1, D))
  p1 = _agg(h1, src4d, dst4d, zeros)
  h2 = _tc_mid(p1, cntp, h1, Wl1, Wr1, b1.reshape(1, D))
  p2 = _agg(h2, src4d, dst4d, zeros)
  return _tc_last(p2, cntp, h2, Wl2, Wr2, b2.reshape(1, D))

# --- scband reference (transcript-rebuilt; emitter-appended) ---
"""Pipeline reference for scband-graph-sage-66864050864375 (READ-ONLY COPY).

The authoritative reference and input builder live on the scoring server;
editing this copy changes nothing except your own understanding.
"""

import jax, jax.numpy as jnp
import numpy as np

N = 10000
E = 320000
D_IN = 128
HIDDEN = [128, 128]
D_OUT = 128


def sage_conv(x, src, dst, Wl, Wr, b, num_nodes):
    # PyG-style SAGEConv with mean aggregation:
    # out = lin_l(mean_{j in N(i)} x_j) + lin_r(x_i)
    msg = x[src]  # gather source node features per edge
    agg = jax.ops.segment_sum(msg, dst, num_segments=num_nodes)
    cnt = jax.ops.segment_sum(jnp.ones((src.shape[0], 1), x.dtype), dst, num_segments=num_nodes)
    mean = agg / jnp.maximum(cnt, 1.0)
    return mean @ Wl + x @ Wr + b


def setup_inputs(seed: int = 0) -> dict:
    key = jax.random.key(seed)
    ks = jax.random.split(key, 12)
    x = jax.random.normal(ks[0], (N, D_IN), dtype=jnp.float32)
    edge_index = jax.random.randint(ks[1], (2, E), 0, N, dtype=jnp.int64)
    dims = [D_IN] + HIDDEN + [D_OUT]
    params = {}
    ki = 2
    for i in range(len(dims) - 1):
        fan_in, fan_out = dims[i], dims[i + 1]
        params[f"Wl{i}"] = jax.random.normal(ks[ki], (fan_in, fan_out), dtype=jnp.float32) * 0.05
        params[f"Wr{i}"] = jax.random.normal(ks[ki + 1], (fan_in, fan_out), dtype=jnp.float32) * 0.05
        params[f"b{i}"] = jnp.zeros((fan_out,), dtype=jnp.float32)
        ki += 2
    out = {"x": x, "edge_index": edge_index}
    out.update(params)
    return out


def reference(x, edge_index, Wl0, Wr0, b0, Wl1, Wr1, b1, Wl2, Wr2, b2):
    src = edge_index[0]
    dst = edge_index[1]
    # eval mode: dropout is identity
    h = sage_conv(x, src, dst, Wl0, Wr0, b0, N)
    h = jax.nn.relu(h)
    h = sage_conv(h, src, dst, Wl1, Wr1, b1, N)
    h = jax.nn.relu(h)
    h = sage_conv(h, src, dst, Wl2, Wr2, b2, N)
    return h

if __name__ == "__main__":
    import jax
    _d = setup_inputs()
    print(jax.jit(kernel)(*tuple(_d.values())))

</pallas_src>

<mosaic_0001>
#map = affine_map<(d0, d1) -> (0, 0)>
#map1 = affine_map<(d0, d1) -> (0, 0, 0, 0)>
#map2 = affine_map<(d0, d1) -> (0, 0, 0)>
module attributes {stable_mosaic.version = 14 : i64} {
  func.func @body(%arg0: i32, %arg1: i32, %arg2: memref<10000x128xf32, #tpu.memory_space<hbm>>, %arg3: memref<32x2x50x100xi32, #tpu.memory_space<hbm>>, %arg4: memref<32x2x50x100xi32, #tpu.memory_space<hbm>>, %arg5: memref<10112x128xf32, #tpu.memory_space<hbm>>, %arg6: memref<2x10112x128xf32, #tpu.memory_space<hbm>>, %arg7: memref<10112x128xf32, #tpu.memory_space<vmem_shared>>, %arg8: memref<50x100xi32, #tpu.memory_space<vmem>>, %arg9: memref<50x100xi32, #tpu.memory_space<vmem>>, %arg10: memref<100x128xf32, #tpu.memory_space<vmem>>, %arg11: memref<100x128xf32, #tpu.memory_space<vmem>>, %arg12: memref<!tpu.dma_semaphore, #tpu.memory_space<semaphore_mem>>, %arg13: memref<!tpu.dma_semaphore, #tpu.memory_space<semaphore_mem>>) attributes {dimension_semantics = [#tpu.dimension_semantics<core_parallel>, #tpu.dimension_semantics<subcore_parallel>], iteration_bounds = array<i64: 2, 16>, scalar_prefetch = 0 : i64, scratch_operands = 7 : i64, tpu.core_type = #tpu.core_type<sc_vector_subcore>, window_params = [{transform_indices = #map}, {transform_indices = #map1}, {transform_indices = #map1}, {transform_indices = #map}, {transform_indices = #map2}]} {
    %mul3A = arith.constant 2 : i32
    %mul3A_0 = arith.muli %arg1, %mul3A : i32
    %add3A = arith.addi %mul3A_0, %arg0 : i32
    %mul3A_1 = arith.constant 632 : i32
    %mul3A_2 = arith.muli %arg1, %mul3A_1 : i32
    %mul3A_3 = arith.constant 632 : i32
    %mul3A_4 = arith.muli %arg1, %mul3A_3 : i32
    "tpu.region"() ({
      %run_scoped3A_37 = tpu.sem_alloc : memref<!tpu.dma_semaphore, #tpu.memory_space<semaphore_mem>>
      %dma_start3A_38 = arith.constant 0 : i32
      %dma_start3A_39 = tpu.memref_slice %arg7[%mul3A_4, %dma_start3A_38] : memref<10112x128xf32, #tpu.memory_space<vmem_shared>> -> memref<632x128xf32, #tpu.memory_space<vmem_shared>>
      %dma_start3A_40 = arith.constant 0 : i32
      %dma_start3A_41 = tpu.memref_slice %arg5[%mul3A_2, %dma_start3A_40] : memref<10112x128xf32, #tpu.memory_space<hbm>> -> memref<632x128xf32, #tpu.memory_space<hbm>>
      tpu.enqueue_dma source(%dma_start3A_41 : memref<632x128xf32, #tpu.memory_space<hbm>>) target(%dma_start3A_39 : memref<632x128xf32, #tpu.memory_space<vmem_shared>>) target_semaphore(%run_scoped3A_37 : memref<!tpu.dma_semaphore, #tpu.memory_space<semaphore_mem>>)
      %dma_wait3A = arith.constant 0 : i32
      %dma_wait3A_42 = tpu.memref_slice %arg7[%mul3A_4, %dma_wait3A] : memref<10112x128xf32, #tpu.memory_space<vmem_shared>> -> memref<632x128xf32, #tpu.memory_space<vmem_shared>>
      %dma_wait3A_43 = arith.constant 0 : i32
      %dma_wait3A_44 = tpu.memref_slice %arg5[%mul3A_2, %dma_wait3A_43] : memref<10112x128xf32, #tpu.memory_space<hbm>> -> memref<632x128xf32, #tpu.memory_space<hbm>>
      tpu.wait_dma2 semaphore(%run_scoped3A_37 : memref<!tpu.dma_semaphore, #tpu.memory_space<semaphore_mem>>) src(%dma_wait3A_44 : memref<632x128xf32, #tpu.memory_space<hbm>>) dst(%dma_wait3A_42 : memref<632x128xf32, #tpu.memory_space<vmem_shared>>)
      tpu.yield
    }) : () -> ()
    %barrier3A = arith.constant 0 : index
    tpu.barrier barrier_id(%barrier3A)
    %run_scoped3A = arith.constant 0 : i32
    "tpu.region"() ({
      %run_scoped3A_37 = tpu.sem_alloc : memref<!tpu.dma_semaphore, #tpu.memory_space<semaphore_mem>>
      %dma_start3A_38 = arith.constant 0 : i32
      %dma_start3A_39 = arith.constant 0 : i32
      %dma_start3A_40 = tpu.memref_slice %arg3[%add3A, %run_scoped3A, %dma_start3A_38, %dma_start3A_39] : memref<32x2x50x100xi32, #tpu.memory_space<hbm>> -> memref<1x1x50x100xi32, #tpu.memory_space<hbm>>
      %dma_start3A_41 = tpu.memref_squeeze %dma_start3A_40 : memref<1x1x50x100xi32, #tpu.memory_space<hbm>> -> memref<50x100xi32, #tpu.memory_space<hbm>>
      %dma_start3A_42 = arith.constant 0 : i32
      %dma_start3A_43 = arith.constant 0 : i32
      %dma_start3A_44 = tpu.memref_slice %arg3[%add3A, %run_scoped3A, %dma_start3A_42, %dma_start3A_43] : memref<32x2x50x100xi32, #tpu.memory_space<hbm>> -> memref<1x1x50x100xi32, #tpu.memory_space<hbm>>
      %dma_start3A_45 = tpu.memref_squeeze %dma_start3A_44 : memref<1x1x50x100xi32, #tpu.memory_space<hbm>> -> memref<50x100xi32, #tpu.memory_space<hbm>>
      tpu.enqueue_dma source(%dma_start3A_45 : memref<50x100xi32, #tpu.memory_space<hbm>>) target(%arg8 : memref<50x100xi32, #tpu.memory_space<vmem>>) target_semaphore(%run_scoped3A_37 : memref<!tpu.dma_semaphore, #tpu.memory_space<semaphore_mem>>)
      %dma_wait3A = arith.constant 0 : i32
      %dma_wait3A_46 = arith.constant 0 : i32
      %dma_wait3A_47 = tpu.memref_slice %arg3[%add3A, %run_scoped3A, %dma_wait3A, %dma_wait3A_46] : memref<32x2x50x100xi32, #tpu.memory_space<hbm>> -> memref<1x1x50x100xi32, #tpu.memory_space<hbm>>
      %dma_wait3A_48 = tpu.memref_squeeze %dma_wait3A_47 : memref<1x1x50x100xi32, #tpu.memory_space<hbm>> -> memref<50x100xi32, #tpu.memory_space<hbm>>
      %dma_wait3A_49 = arith.constant 0 : i32
      %dma_wait3A_50 = arith.constant 0 : i32
      %dma_wait3A_51 = tpu.memref_slice %arg3[%add3A, %run_scoped3A, %dma_wait3A_49, %dma_wait3A_50] : memref<32x2x50x100xi32, #tpu.memory_space<hbm>> -> memref<1x1x50x100xi32, #tpu.memory_space<hbm>>
      %dma_wait3A_52 = tpu.memref_squeeze %dma_wait3A_51 : memref<1x1x50x100xi32, #tpu.memory_space<hbm>> -> memref<50x100xi32, #tpu.memory_space<hbm>>
      tpu.wait_dma2 semaphore(%run_scoped3A_37 : memref<!tpu.dma_semaphore, #tpu.memory_space<semaphore_mem>>) src(%dma_wait3A_52 : memref<50x100xi32, #tpu.memory_space<hbm>>) dst(%arg8 : memref<50x100xi32, #tpu.memory_space<vmem>>)
      tpu.yield
    }) : () -> ()
    %run_scoped3A_5 = arith.constant 0 : i32
    "tpu.region"() ({
      %run_scoped3A_37 = tpu.sem_alloc : memref<!tpu.dma_semaphore, #tpu.memory_space<semaphore_mem>>
      %dma_start3A_38 = arith.constant 0 : i32
      %dma_start3A_39 = arith.constant 0 : i32
      %dma_start3A_40 = tpu.memref_slice %arg4[%add3A, %run_scoped3A_5, %dma_start3A_38, %dma_start3A_39] : memref<32x2x50x100xi32, #tpu.memory_space<hbm>> -> memref<1x1x50x100xi32, #tpu.memory_space<hbm>>
      %dma_start3A_41 = tpu.memref_squeeze %dma_start3A_40 : memref<1x1x50x100xi32, #tpu.memory_space<hbm>> -> memref<50x100xi32, #tpu.memory_space<hbm>>
      %dma_start3A_42 = arith.constant 0 : i32
      %dma_start3A_43 = arith.constant 0 : i32
      %dma_start3A_44 = tpu.memref_slice %arg4[%add3A, %run_scoped3A_5, %dma_start3A_42, %dma_start3A_43] : memref<32x2x50x100xi32, #tpu.memory_space<hbm>> -> memref<1x1x50x100xi32, #tpu.memory_space<hbm>>
      %dma_start3A_45 = tpu.memref_squeeze %dma_start3A_44 : memref<1x1x50x100xi32, #tpu.memory_space<hbm>> -> memref<50x100xi32, #tpu.memory_space<hbm>>
      tpu.enqueue_dma source(%dma_start3A_45 : memref<50x100xi32, #tpu.memory_space<hbm>>) target(%arg9 : memref<50x100xi32, #tpu.memory_space<vmem>>) target_semaphore(%run_scoped3A_37 : memref<!tpu.dma_semaphore, #tpu.memory_space<semaphore_mem>>)
      %dma_wait3A = arith.constant 0 : i32
      %dma_wait3A_46 = arith.constant 0 : i32
      %dma_wait3A_47 = tpu.memref_slice %arg4[%add3A, %run_scoped3A_5, %dma_wait3A, %dma_wait3A_46] : memref<32x2x50x100xi32, #tpu.memory_space<hbm>> -> memref<1x1x50x100xi32, #tpu.memory_space<hbm>>
      %dma_wait3A_48 = tpu.memref_squeeze %dma_wait3A_47 : memref<1x1x50x100xi32, #tpu.memory_space<hbm>> -> memref<50x100xi32, #tpu.memory_space<hbm>>
      %dma_wait3A_49 = arith.constant 0 : i32
      %dma_wait3A_50 = arith.constant 0 : i32
      %dma_wait3A_51 = tpu.memref_slice %arg4[%add3A, %run_scoped3A_5, %dma_wait3A_49, %dma_wait3A_50] : memref<32x2x50x100xi32, #tpu.memory_space<hbm>> -> memref<1x1x50x100xi32, #tpu.memory_space<hbm>>
      %dma_wait3A_52 = tpu.memref_squeeze %dma_wait3A_51 : memref<1x1x50x100xi32, #tpu.memory_space<hbm>> -> memref<50x100xi32, #tpu.memory_space<hbm>>
      tpu.wait_dma2 semaphore(%run_scoped3A_37 : memref<!tpu.dma_semaphore, #tpu.memory_space<semaphore_mem>>) src(%dma_wait3A_52 : memref<50x100xi32, #tpu.memory_space<hbm>>) dst(%arg9 : memref<50x100xi32, #tpu.memory_space<vmem>>)
      tpu.yield
    }) : () -> ()
    %dma_start3A = arith.constant 0 : i32
    %dma_start3A_6 = arith.constant 0 : i32
    %dma_start3A_7 = tpu.memref_slice %arg8[%dma_start3A, %dma_start3A_6] : memref<50x100xi32, #tpu.memory_space<vmem>> -> memref<1x100xi32, #tpu.memory_space<vmem>>
    %dma_start3A_8 = tpu.memref_squeeze %dma_start3A_7 : memref<1x100xi32, #tpu.memory_space<vmem>> -> memref<100xi32, #tpu.memory_space<vmem>>
    %dma_start3A_9 = arith.constant 0 : i32
    %dma_start3A_10 = arith.constant 0 : i32
    %dma_start3A_11 = tpu.memref_slice %arg2[%dma_start3A_9, %dma_start3A_10] : memref<10000x128xf32, #tpu.memory_space<hbm>> -> memref<10000x128xf32, #tpu.memory_space<hbm>>
    tpu.enqueue_indirect_dma source(%dma_start3A_11 : memref<10000x128xf32, #tpu.memory_space<hbm>>) target(%arg10 : memref<100x128xf32, #tpu.memory_space<vmem>>) offsets(%dma_start3A_8 : memref<100xi32, #tpu.memory_space<vmem>>) semaphore(%arg12 : memref<!tpu.dma_semaphore, #tpu.memory_space<semaphore_mem>>)
    %scan3A = arith.constant 0 : i32
    %scan3A_12 = arith.constant 0 : i32
    %scan3A_13 = arith.constant 25 : i32
    %scan3A_14 = arith.addi %scan3A_12, %scan3A_13 : i32
    %scan3A_15 = arith.constant 1 : i32
    scf.for %scan3A_37 = %scan3A_12 to %scan3A_14 step %scan3A_15  : i32 {
      %mul3A_38 = arith.constant 2 : i32
      %mul3A_39 = arith.muli %mul3A_38, %scan3A_37 : i32
      %add3A_40 = arith.constant 1 : i32
      %add3A_41 = arith.addi %mul3A_39, %add3A_40 : i32
      %dma_start3A_42 = arith.constant 0 : i32
      %dma_start3A_43 = tpu.memref_slice %arg8[%add3A_41, %dma_start3A_42] : memref<50x100xi32, #tpu.memory_space<vmem>> -> memref<1x100xi32, #tpu.memory_space<vmem>>
      %dma_start3A_44 = tpu.memref_squeeze %dma_start3A_43 : memref<1x100xi32, #tpu.memory_space<vmem>> -> memref<100xi32, #tpu.memory_space<vmem>>
      %dma_start3A_45 = arith.constant 0 : i32
      %dma_start3A_46 = arith.constant 0 : i32
      %dma_start3A_47 = tpu.memref_slice %arg2[%dma_start3A_45, %dma_start3A_46] : memref<10000x128xf32, #tpu.memory_space<hbm>> -> memref<10000x128xf32, #tpu.memory_space<hbm>>
      tpu.enqueue_indirect_dma source(%dma_start3A_47 : memref<10000x128xf32, #tpu.memory_space<hbm>>) target(%arg11 : memref<100x128xf32, #tpu.memory_space<vmem>>) offsets(%dma_start3A_44 : memref<100xi32, #tpu.memory_space<vmem>>) semaphore(%arg13 : memref<!tpu.dma_semaphore, #tpu.memory_space<semaphore_mem>>)
      %dma_wait3A = arith.constant 0 : i32
      %dma_wait3A_48 = arith.constant 0 : i32
      %dma_wait3A_49 = tpu.memref_slice %arg8[%dma_wait3A, %dma_wait3A_48] : memref<50x100xi32, #tpu.memory_space<vmem>> -> memref<1x100xi32, #tpu.memory_space<vmem>>
      %dma_wait3A_50 = tpu.memref_squeeze %dma_wait3A_49 : memref<1x100xi32, #tpu.memory_space<vmem>> -> memref<100xi32, #tpu.memory_space<vmem>>
      %dma_wait3A_51 = arith.constant 0 : i32
      %dma_wait3A_52 = arith.constant 0 : i32
      %dma_wait3A_53 = tpu.memref_slice %arg2[%dma_wait3A_51, %dma_wait3A_52] : memref<10000x128xf32, #tpu.memory_space<hbm>> -> memref<10000x128xf32, #tpu.memory_space<hbm>>
      tpu.wait_indirect_dma semaphore(%arg12 : memref<!tpu.dma_semaphore, #tpu.memory_space<semaphore_mem>>) src(%dma_wait3A_53 : memref<10000x128xf32, #tpu.memory_space<hbm>>) dst(%arg10 : memref<100x128xf32, #tpu.memory_space<vmem>>)
      %mul3A_54 = arith.constant 2 : i32
      %mul3A_55 = arith.muli %mul3A_54, %scan3A_37 : i32
      "tpu.region"() ({
        %run_scoped3A_69 = tpu.sem_alloc : memref<!tpu.dma_semaphore, #tpu.memory_space<semaphore_mem>>
        %dma_start3A_70 = arith.constant 0 : i32
        %dma_start3A_71 = tpu.memref_slice %arg9[%mul3A_55, %dma_start3A_70] : memref<50x100xi32, #tpu.memory_space<vmem>> -> memref<1x100xi32, #tpu.memory_space<vmem>>
        %dma_start3A_72 = tpu.memref_squeeze %dma_start3A_71 : memref<1x100xi32, #tpu.memory_space<vmem>> -> memref<100xi32, #tpu.memory_space<vmem>>
        %dma_start3A_73 = arith.constant 0 : i32
        %dma_start3A_74 = arith.constant 0 : i32
        %dma_start3A_75 = tpu.memref_slice %arg7[%dma_start3A_73, %dma_start3A_74] : memref<10112x128xf32, #tpu.memory_space<vmem_shared>> -> memref<10112x128xf32, #tpu.memory_space<vmem_shared>>
        tpu.enqueue_indirect_dma source(%arg10 : memref<100x128xf32, #tpu.memory_space<vmem>>) target(%dma_start3A_75 : memref<10112x128xf32, #tpu.memory_space<vmem_shared>>) offsets(%dma_start3A_72 : memref<100xi32, #tpu.memory_space<vmem>>) semaphore(%run_scoped3A_69 : memref<!tpu.dma_semaphore, #tpu.memory_space<semaphore_mem>>) {add = true}
        %dma_wait3A_76 = arith.constant 0 : i32
        %dma_wait3A_77 = tpu.memref_slice %arg9[%mul3A_55, %dma_wait3A_76] : memref<50x100xi32, #tpu.memory_space<vmem>> -> memref<1x100xi32, #tpu.memory_space<vmem>>
        %dma_wait3A_78 = tpu.memref_squeeze %dma_wait3A_77 : memref<1x100xi32, #tpu.memory_space<vmem>> -> memref<100xi32, #tpu.memory_space<vmem>>
        %dma_wait3A_79 = arith.constant 0 : i32
        %dma_wait3A_80 = arith.constant 0 : i32
        %dma_wait3A_81 = tpu.memref_slice %arg7[%dma_wait3A_79, %dma_wait3A_80] : memref<10112x128xf32, #tpu.memory_space<vmem_shared>> -> memref<10112x128xf32, #tpu.memory_space<vmem_shared>>
        tpu.wait_indirect_dma semaphore(%run_scoped3A_69 : memref<!tpu.dma_semaphore, #tpu.memory_space<semaphore_mem>>) src(%arg10 : memref<100x128xf32, #tpu.memory_space<vmem>>) dst(%dma_wait3A_81 : memref<10112x128xf32, #tpu.memory_space<vmem_shared>>)
        tpu.yield
      }) : () -> ()
      %lt3A = arith.constant 24 : i32
      %lt3A_56 = arith.cmpi slt, %scan3A_37, %lt3A : i32
      %convert_element_type3A = arith.extui %lt3A_56 : i1 to i32
      %cond3A = arith.constant 0 : i32
      %cond3A_57 = arith.cmpi ne, %convert_element_type3A, %cond3A : i32
      scf.if %cond3A_57 {
        %mul3A_69 = arith.constant 2 : i32
        %mul3A_70 = arith.muli %mul3A_69, %scan3A_37 : i32
        %add3A_71 = arith.constant 2 : i32
        %add3A_72 = arith.addi %mul3A_70, %add3A_71 : i32
        %dma_start3A_73 = arith.constant 0 : i32
        %dma_start3A_74 = tpu.memref_slice %arg8[%add3A_72, %dma_start3A_73] : memref<50x100xi32, #tpu.memory_space<vmem>> -> memref<1x100xi32, #tpu.memory_space<vmem>>
        %dma_start3A_75 = tpu.memref_squeeze %dma_start3A_74 : memref<1x100xi32, #tpu.memory_space<vmem>> -> memref<100xi32, #tpu.memory_space<vmem>>
        %dma_start3A_76 = arith.constant 0 : i32
        %dma_start3A_77 = arith.constant 0 : i32
        %dma_start3A_78 = tpu.memref_slice %arg2[%dma_start3A_76, %dma_start3A_77] : memref<10000x128xf32, #tpu.memory_space<hbm>> -> memref<10000x128xf32, #tpu.memory_space<hbm>>
        tpu.enqueue_indirect_dma source(%dma_start3A_78 : memref<10000x128xf32, #tpu.memory_space<hbm>>) target(%arg10 : memref<100x128xf32, #tpu.memory_space<vmem>>) offsets(%dma_start3A_75 : memref<100xi32, #tpu.memory_space<vmem>>) semaphore(%arg12 : memref<!tpu.dma_semaphore, #tpu.memory_space<semaphore_mem>>)
      } else {
      }
      %dma_wait3A_58 = arith.constant 0 : i32
      %dma_wait3A_59 = arith.constant 0 : i32
      %dma_wait3A_60 = tpu.memref_slice %arg8[%dma_wait3A_58, %dma_wait3A_59] : memref<50x100xi32, #tpu.memory_space<vmem>> -> memref<1x100xi32, #tpu.memory_space<vmem>>
      %dma_wait3A_61 = tpu.memref_squeeze %dma_wait3A_60 : memref<1x100xi32, #tpu.memory_space<vmem>> -> memref<100xi32, #tpu.memory_space<vmem>>
      %dma_wait3A_62 = arith.constant 0 : i32
      %dma_wait3A_63 = arith.constant 0 : i32
      %dma_wait3A_64 = tpu.memref_slice %arg2[%dma_wait3A_62, %dma_wait3A_63] : memref<10000x128xf32, #tpu.memory_space<hbm>> -> memref<10000x128xf32, #tpu.memory_space<hbm>>
      tpu.wait_indirect_dma semaphore(%arg13 : memref<!tpu.dma_semaphore, #tpu.memory_space<semaphore_mem>>) src(%dma_wait3A_64 : memref<10000x128xf32, #tpu.memory_space<hbm>>) dst(%arg11 : memref<100x128xf32, #tpu.memory_space<vmem>>)
      %mul3A_65 = arith.constant 2 : i32
      %mul3A_66 = arith.muli %mul3A_65, %scan3A_37 : i32
      %add3A_67 = arith.constant 1 : i32
      %add3A_68 = arith.addi %mul3A_66, %add3A_67 : i32
      "tpu.region"() ({
        %run_scoped3A_69 = tpu.sem_alloc : memref<!tpu.dma_semaphore, #tpu.memory_space<semaphore_mem>>
        %dma_start3A_70 = arith.constant 0 : i32
        %dma_start3A_71 = tpu.memref_slice %arg9[%add3A_68, %dma_start3A_70] : memref<50x100xi32, #tpu.memory_space<vmem>> -> memref<1x100xi32, #tpu.memory_space<vmem>>
        %dma_start3A_72 = tpu.memref_squeeze %dma_start3A_71 : memref<1x100xi32, #tpu.memory_space<vmem>> -> memref<100xi32, #tpu.memory_space<vmem>>
        %dma_start3A_73 = arith.constant 0 : i32
        %dma_start3A_74 = arith.constant 0 : i32
        %dma_start3A_75 = tpu.memref_slice %arg7[%dma_start3A_73, %dma_start3A_74] : memref<10112x128xf32, #tpu.memory_space<vmem_shared>> -> memref<10112x128xf32, #tpu.memory_space<vmem_shared>>
        tpu.enqueue_indirect_dma source(%arg11 : memref<100x128xf32, #tpu.memory_space<vmem>>) target(%dma_start3A_75 : memref<10112x128xf32, #tpu.memory_space<vmem_shared>>) offsets(%dma_start3A_72 : memref<100xi32, #tpu.memory_space<vmem>>) semaphore(%run_scoped3A_69 : memref<!tpu.dma_semaphore, #tpu.memory_space<semaphore_mem>>) {add = true}
        %dma_wait3A_76 = arith.constant 0 : i32
        %dma_wait3A_77 = tpu.memref_slice %arg9[%add3A_68, %dma_wait3A_76] : memref<50x100xi32, #tpu.memory_space<vmem>> -> memref<1x100xi32, #tpu.memory_space<vmem>>
        %dma_wait3A_78 = tpu.memref_squeeze %dma_wait3A_77 : memref<1x100xi32, #tpu.memory_space<vmem>> -> memref<100xi32, #tpu.memory_space<vmem>>
        %dma_wait3A_79 = arith.constant 0 : i32
        %dma_wait3A_80 = arith.constant 0 : i32
        %dma_wait3A_81 = tpu.memref_slice %arg7[%dma_wait3A_79, %dma_wait3A_80] : memref<10112x128xf32, #tpu.memory_space<vmem_shared>> -> memref<10112x128xf32, #tpu.memory_space<vmem_shared>>
        tpu.wait_indirect_dma semaphore(%run_scoped3A_69 : memref<!tpu.dma_semaphore, #tpu.memory_space<semaphore_mem>>) src(%arg11 : memref<100x128xf32, #tpu.memory_space<vmem>>) dst(%dma_wait3A_81 : memref<10112x128xf32, #tpu.memory_space<vmem_shared>>)
        tpu.yield
      }) : () -> ()
    }
    %scan3A_16 = arith.constant 25 : i32
    %run_scoped3A_17 = arith.constant 1 : i32
    "tpu.region"() ({
      %run_scoped3A_37 = tpu.sem_alloc : memref<!tpu.dma_semaphore, #tpu.memory_space<semaphore_mem>>
      %dma_start3A_38 = arith.constant 0 : i32
      %dma_start3A_39 = arith.constant 0 : i32
      %dma_start3A_40 = tpu.memref_slice %arg3[%add3A, %run_scoped3A_17, %dma_start3A_38, %dma_start3A_39] : memref<32x2x50x100xi32, #tpu.memory_space<hbm>> -> memref<1x1x50x100xi32, #tpu.memory_space<hbm>>
      %dma_start3A_41 = tpu.memref_squeeze %dma_start3A_40 : memref<1x1x50x100xi32, #tpu.memory_space<hbm>> -> memref<50x100xi32, #tpu.memory_space<hbm>>
      %dma_start3A_42 = arith.constant 0 : i32
      %dma_start3A_43 = arith.constant 0 : i32
      %dma_start3A_44 = tpu.memref_slice %arg3[%add3A, %run_scoped3A_17, %dma_start3A_42, %dma_start3A_43] : memref<32x2x50x100xi32, #tpu.memory_space<hbm>> -> memref<1x1x50x100xi32, #tpu.memory_space<hbm>>
      %dma_start3A_45 = tpu.memref_squeeze %dma_start3A_44 : memref<1x1x50x100xi32, #tpu.memory_space<hbm>> -> memref<50x100xi32, #tpu.memory_space<hbm>>
      tpu.enqueue_dma source(%dma_start3A_45 : memref<50x100xi32, #tpu.memory_space<hbm>>) target(%arg8 : memref<50x100xi32, #tpu.memory_space<vmem>>) target_semaphore(%run_scoped3A_37 : memref<!tpu.dma_semaphore, #tpu.memory_space<semaphore_mem>>)
      %dma_wait3A = arith.constant 0 : i32
      %dma_wait3A_46 = arith.constant 0 : i32
      %dma_wait3A_47 = tpu.memref_slice %arg3[%add3A, %run_scoped3A_17, %dma_wait3A, %dma_wait3A_46] : memref<32x2x50x100xi32, #tpu.memory_space<hbm>> -> memref<1x1x50x100xi32, #tpu.memory_space<hbm>>
      %dma_wait3A_48 = tpu.memref_squeeze %dma_wait3A_47 : memref<1x1x50x100xi32, #tpu.memory_space<hbm>> -> memref<50x100xi32, #tpu.memory_space<hbm>>
      %dma_wait3A_49 = arith.constant 0 : i32
      %dma_wait3A_50 = arith.constant 0 : i32
      %dma_wait3A_51 = tpu.memref_slice %arg3[%add3A, %run_scoped3A_17, %dma_wait3A_49, %dma_wait3A_50] : memref<32x2x50x100xi32, #tpu.memory_space<hbm>> -> memref<1x1x50x100xi32, #tpu.memory_space<hbm>>
      %dma_wait3A_52 = tpu.memref_squeeze %dma_wait3A_51 : memref<1x1x50x100xi32, #tpu.memory_space<hbm>> -> memref<50x100xi32, #tpu.memory_space<hbm>>
      tpu.wait_dma2 semaphore(%run_scoped3A_37 : memref<!tpu.dma_semaphore, #tpu.memory_space<semaphore_mem>>) src(%dma_wait3A_52 : memref<50x100xi32, #tpu.memory_space<hbm>>) dst(%arg8 : memref<50x100xi32, #tpu.memory_space<vmem>>)
      tpu.yield
    }) : () -> ()
    %run_scoped3A_18 = arith.constant 1 : i32
    "tpu.region"() ({
      %run_scoped3A_37 = tpu.sem_alloc : memref<!tpu.dma_semaphore, #tpu.memory_space<semaphore_mem>>
      %dma_start3A_38 = arith.constant 0 : i32
      %dma_start3A_39 = arith.constant 0 : i32
      %dma_start3A_40 = tpu.memref_slice %arg4[%add3A, %run_scoped3A_18, %dma_start3A_38, %dma_start3A_39] : memref<32x2x50x100xi32, #tpu.memory_space<hbm>> -> memref<1x1x50x100xi32, #tpu.memory_space<hbm>>
      %dma_start3A_41 = tpu.memref_squeeze %dma_start3A_40 : memref<1x1x50x100xi32, #tpu.memory_space<hbm>> -> memref<50x100xi32, #tpu.memory_space<hbm>>
      %dma_start3A_42 = arith.constant 0 : i32
      %dma_start3A_43 = arith.constant 0 : i32
      %dma_start3A_44 = tpu.memref_slice %arg4[%add3A, %run_scoped3A_18, %dma_start3A_42, %dma_start3A_43] : memref<32x2x50x100xi32, #tpu.memory_space<hbm>> -> memref<1x1x50x100xi32, #tpu.memory_space<hbm>>
      %dma_start3A_45 = tpu.memref_squeeze %dma_start3A_44 : memref<1x1x50x100xi32, #tpu.memory_space<hbm>> -> memref<50x100xi32, #tpu.memory_space<hbm>>
      tpu.enqueue_dma source(%dma_start3A_45 : memref<50x100xi32, #tpu.memory_space<hbm>>) target(%arg9 : memref<50x100xi32, #tpu.memory_space<vmem>>) target_semaphore(%run_scoped3A_37 : memref<!tpu.dma_semaphore, #tpu.memory_space<semaphore_mem>>)
      %dma_wait3A = arith.constant 0 : i32
      %dma_wait3A_46 = arith.constant 0 : i32
      %dma_wait3A_47 = tpu.memref_slice %arg4[%add3A, %run_scoped3A_18, %dma_wait3A, %dma_wait3A_46] : memref<32x2x50x100xi32, #tpu.memory_space<hbm>> -> memref<1x1x50x100xi32, #tpu.memory_space<hbm>>
      %dma_wait3A_48 = tpu.memref_squeeze %dma_wait3A_47 : memref<1x1x50x100xi32, #tpu.memory_space<hbm>> -> memref<50x100xi32, #tpu.memory_space<hbm>>
      %dma_wait3A_49 = arith.constant 0 : i32
      %dma_wait3A_50 = arith.constant 0 : i32
      %dma_wait3A_51 = tpu.memref_slice %arg4[%add3A, %run_scoped3A_18, %dma_wait3A_49, %dma_wait3A_50] : memref<32x2x50x100xi32, #tpu.memory_space<hbm>> -> memref<1x1x50x100xi32, #tpu.memory_space<hbm>>
      %dma_wait3A_52 = tpu.memref_squeeze %dma_wait3A_51 : memref<1x1x50x100xi32, #tpu.memory_space<hbm>> -> memref<50x100xi32, #tpu.memory_space<hbm>>
      tpu.wait_dma2 semaphore(%run_scoped3A_37 : memref<!tpu.dma_semaphore, #tpu.memory_space<semaphore_mem>>) src(%dma_wait3A_52 : memref<50x100xi32, #tpu.memory_space<hbm>>) dst(%arg9 : memref<50x100xi32, #tpu.memory_space<vmem>>)
      tpu.yield
    }) : () -> ()
    %dma_start3A_19 = arith.constant 0 : i32
    %dma_start3A_20 = arith.constant 0 : i32
    %dma_start3A_21 = tpu.memref_slice %arg8[%dma_start3A_19, %dma_start3A_20] : memref<50x100xi32, #tpu.memory_space<vmem>> -> memref<1x100xi32, #tpu.memory_space<vmem>>
    %dma_start3A_22 = tpu.memref_squeeze %dma_start3A_21 : memref<1x100xi32, #tpu.memory_space<vmem>> -> memref<100xi32, #tpu.memory_space<vmem>>
    %dma_start3A_23 = arith.constant 0 : i32
    %dma_start3A_24 = arith.constant 0 : i32
    %dma_start3A_25 = tpu.memref_slice %arg2[%dma_start3A_23, %dma_start3A_24] : memref<10000x128xf32, #tpu.memory_space<hbm>> -> memref<10000x128xf32, #tpu.memory_space<hbm>>
    tpu.enqueue_indirect_dma source(%dma_start3A_25 : memref<10000x128xf32, #tpu.memory_space<hbm>>) target(%arg10 : memref<100x128xf32, #tpu.memory_space<vmem>>) offsets(%dma_start3A_22 : memref<100xi32, #tpu.memory_space<vmem>>) semaphore(%arg12 : memref<!tpu.dma_semaphore, #tpu.memory_space<semaphore_mem>>)
    %scan3A_26 = arith.constant 0 : i32
    %scan3A_27 = arith.constant 0 : i32
    %scan3A_28 = arith.constant 25 : i32
    %scan3A_29 = arith.addi %scan3A_27, %scan3A_28 : i32
    %scan3A_30 = arith.constant 1 : i32
    scf.for %scan3A_37 = %scan3A_27 to %scan3A_29 step %scan3A_30  : i32 {
      %mul3A_38 = arith.constant 2 : i32
      %mul3A_39 = arith.muli %mul3A_38, %scan3A_37 : i32
      %add3A_40 = arith.constant 1 : i32
      %add3A_41 = arith.addi %mul3A_39, %add3A_40 : i32
      %dma_start3A_42 = arith.constant 0 : i32
      %dma_start3A_43 = tpu.memref_slice %arg8[%add3A_41, %dma_start3A_42] : memref<50x100xi32, #tpu.memory_space<vmem>> -> memref<1x100xi32, #tpu.memory_space<vmem>>
      %dma_start3A_44 = tpu.memref_squeeze %dma_start3A_43 : memref<1x100xi32, #tpu.memory_space<vmem>> -> memref<100xi32, #tpu.memory_space<vmem>>
      %dma_start3A_45 = arith.constant 0 : i32
      %dma_start3A_46 = arith.constant 0 : i32
      %dma_start3A_47 = tpu.memref_slice %arg2[%dma_start3A_45, %dma_start3A_46] : memref<10000x128xf32, #tpu.memory_space<hbm>> -> memref<10000x128xf32, #tpu.memory_space<hbm>>
      tpu.enqueue_indirect_dma source(%dma_start3A_47 : memref<10000x128xf32, #tpu.memory_space<hbm>>) target(%arg11 : memref<100x128xf32, #tpu.memory_space<vmem>>) offsets(%dma_start3A_44 : memref<100xi32, #tpu.memory_space<vmem>>) semaphore(%arg13 : memref<!tpu.dma_semaphore, #tpu.memory_space<semaphore_mem>>)
      %dma_wait3A = arith.constant 0 : i32
      %dma_wait3A_48 = arith.constant 0 : i32
      %dma_wait3A_49 = tpu.memref_slice %arg8[%dma_wait3A, %dma_wait3A_48] : memref<50x100xi32, #tpu.memory_space<vmem>> -> memref<1x100xi32, #tpu.memory_space<vmem>>
      %dma_wait3A_50 = tpu.memref_squeeze %dma_wait3A_49 : memref<1x100xi32, #tpu.memory_space<vmem>> -> memref<100xi32, #tpu.memory_space<vmem>>
      %dma_wait3A_51 = arith.constant 0 : i32
      %dma_wait3A_52 = arith.constant 0 : i32
      %dma_wait3A_53 = tpu.memref_slice %arg2[%dma_wait3A_51, %dma_wait3A_52] : memref<10000x128xf32, #tpu.memory_space<hbm>> -> memref<10000x128xf32, #tpu.memory_space<hbm>>
      tpu.wait_indirect_dma semaphore(%arg12 : memref<!tpu.dma_semaphore, #tpu.memory_space<semaphore_mem>>) src(%dma_wait3A_53 : memref<10000x128xf32, #tpu.memory_space<hbm>>) dst(%arg10 : memref<100x128xf32, #tpu.memory_space<vmem>>)
      %mul3A_54 = arith.constant 2 : i32
      %mul3A_55 = arith.muli %mul3A_54, %scan3A_37 : i32
      "tpu.region"() ({
        %run_scoped3A_69 = tpu.sem_alloc : memref<!tpu.dma_semaphore, #tpu.memory_space<semaphore_mem>>
        %dma_start3A_70 = arith.constant 0 : i32
        %dma_start3A_71 = tpu.memref_slice %arg9[%mul3A_55, %dma_start3A_70] : memref<50x100xi32, #tpu.memory_space<vmem>> -> memref<1x100xi32, #tpu.memory_space<vmem>>
        %dma_start3A_72 = tpu.memref_squeeze %dma_start3A_71 : memref<1x100xi32, #tpu.memory_space<vmem>> -> memref<100xi32, #tpu.memory_space<vmem>>
        %dma_start3A_73 = arith.constant 0 : i32
        %dma_start3A_74 = arith.constant 0 : i32
        %dma_start3A_75 = tpu.memref_slice %arg7[%dma_start3A_73, %dma_start3A_74] : memref<10112x128xf32, #tpu.memory_space<vmem_shared>> -> memref<10112x128xf32, #tpu.memory_space<vmem_shared>>
        tpu.enqueue_indirect_dma source(%arg10 : memref<100x128xf32, #tpu.memory_space<vmem>>) target(%dma_start3A_75 : memref<10112x128xf32, #tpu.memory_space<vmem_shared>>) offsets(%dma_start3A_72 : memref<100xi32, #tpu.memory_space<vmem>>) semaphore(%run_scoped3A_69 : memref<!tpu.dma_semaphore, #tpu.memory_space<semaphore_mem>>) {add = true}
        %dma_wait3A_76 = arith.constant 0 : i32
        %dma_wait3A_77 = tpu.memref_slice %arg9[%mul3A_55, %dma_wait3A_76] : memref<50x100xi32, #tpu.memory_space<vmem>> -> memref<1x100xi32, #tpu.memory_space<vmem>>
        %dma_wait3A_78 = tpu.memref_squeeze %dma_wait3A_77 : memref<1x100xi32, #tpu.memory_space<vmem>> -> memref<100xi32, #tpu.memory_space<vmem>>
        %dma_wait3A_79 = arith.constant 0 : i32
        %dma_wait3A_80 = arith.constant 0 : i32
        %dma_wait3A_81 = tpu.memref_slice %arg7[%dma_wait3A_79, %dma_wait3A_80] : memref<10112x128xf32, #tpu.memory_space<vmem_shared>> -> memref<10112x128xf32, #tpu.memory_space<vmem_shared>>
        tpu.wait_indirect_dma semaphore(%run_scoped3A_69 : memref<!tpu.dma_semaphore, #tpu.memory_space<semaphore_mem>>) src(%arg10 : memref<100x128xf32, #tpu.memory_space<vmem>>) dst(%dma_wait3A_81 : memref<10112x128xf32, #tpu.memory_space<vmem_shared>>)
        tpu.yield
      }) : () -> ()
      %lt3A = arith.constant 24 : i32
      %lt3A_56 = arith.cmpi slt, %scan3A_37, %lt3A : i32
      %convert_element_type3A = arith.extui %lt3A_56 : i1 to i32
      %cond3A = arith.constant 0 : i32
      %cond3A_57 = arith.cmpi ne, %convert_element_type3A, %cond3A : i32
      scf.if %cond3A_57 {
        %mul3A_69 = arith.constant 2 : i32
        %mul3A_70 = arith.muli %mul3A_69, %scan3A_37 : i32
        %add3A_71 = arith.constant 2 : i32
        %add3A_72 = arith.addi %mul3A_70, %add3A_71 : i32
        %dma_start3A_73 = arith.constant 0 : i32
        %dma_start3A_74 = tpu.memref_slice %arg8[%add3A_72, %dma_start3A_73] : memref<50x100xi32, #tpu.memory_space<vmem>> -> memref<1x100xi32, #tpu.memory_space<vmem>>
        %dma_start3A_75 = tpu.memref_squeeze %dma_start3A_74 : memref<1x100xi32, #tpu.memory_space<vmem>> -> memref<100xi32, #tpu.memory_space<vmem>>
        %dma_start3A_76 = arith.constant 0 : i32
        %dma_start3A_77 = arith.constant 0 : i32
        %dma_start3A_78 = tpu.memref_slice %arg2[%dma_start3A_76, %dma_start3A_77] : memref<10000x128xf32, #tpu.memory_space<hbm>> -> memref<10000x128xf32, #tpu.memory_space<hbm>>
        tpu.enqueue_indirect_dma source(%dma_start3A_78 : memref<10000x128xf32, #tpu.memory_space<hbm>>) target(%arg10 : memref<100x128xf32, #tpu.memory_space<vmem>>) offsets(%dma_start3A_75 : memref<100xi32, #tpu.memory_space<vmem>>) semaphore(%arg12 : memref<!tpu.dma_semaphore, #tpu.memory_space<semaphore_mem>>)
      } else {
      }
      %dma_wait3A_58 = arith.constant 0 : i32
      %dma_wait3A_59 = arith.constant 0 : i32
      %dma_wait3A_60 = tpu.memref_slice %arg8[%dma_wait3A_58, %dma_wait3A_59] : memref<50x100xi32, #tpu.memory_space<vmem>> -> memref<1x100xi32, #tpu.memory_space<vmem>>
      %dma_wait3A_61 = tpu.memref_squeeze %dma_wait3A_60 : memref<1x100xi32, #tpu.memory_space<vmem>> -> memref<100xi32, #tpu.memory_space<vmem>>
      %dma_wait3A_62 = arith.constant 0 : i32
      %dma_wait3A_63 = arith.constant 0 : i32
      %dma_wait3A_64 = tpu.memref_slice %arg2[%dma_wait3A_62, %dma_wait3A_63] : memref<10000x128xf32, #tpu.memory_space<hbm>> -> memref<10000x128xf32, #tpu.memory_space<hbm>>
      tpu.wait_indirect_dma semaphore(%arg13 : memref<!tpu.dma_semaphore, #tpu.memory_space<semaphore_mem>>) src(%dma_wait3A_64 : memref<10000x128xf32, #tpu.memory_space<hbm>>) dst(%arg11 : memref<100x128xf32, #tpu.memory_space<vmem>>)
      %mul3A_65 = arith.constant 2 : i32
      %mul3A_66 = arith.muli %mul3A_65, %scan3A_37 : i32
      %add3A_67 = arith.constant 1 : i32
      %add3A_68 = arith.addi %mul3A_66, %add3A_67 : i32
      "tpu.region"() ({
        %run_scoped3A_69 = tpu.sem_alloc : memref<!tpu.dma_semaphore, #tpu.memory_space<semaphore_mem>>
        %dma_start3A_70 = arith.constant 0 : i32
        %dma_start3A_71 = tpu.memref_slice %arg9[%add3A_68, %dma_start3A_70] : memref<50x100xi32, #tpu.memory_space<vmem>> -> memref<1x100xi32, #tpu.memory_space<vmem>>
        %dma_start3A_72 = tpu.memref_squeeze %dma_start3A_71 : memref<1x100xi32, #tpu.memory_space<vmem>> -> memref<100xi32, #tpu.memory_space<vmem>>
        %dma_start3A_73 = arith.constant 0 : i32
        %dma_start3A_74 = arith.constant 0 : i32
        %dma_start3A_75 = tpu.memref_slice %arg7[%dma_start3A_73, %dma_start3A_74] : memref<10112x128xf32, #tpu.memory_space<vmem_shared>> -> memref<10112x128xf32, #tpu.memory_space<vmem_shared>>
        tpu.enqueue_indirect_dma source(%arg11 : memref<100x128xf32, #tpu.memory_space<vmem>>) target(%dma_start3A_75 : memref<10112x128xf32, #tpu.memory_space<vmem_shared>>) offsets(%dma_start3A_72 : memref<100xi32, #tpu.memory_space<vmem>>) semaphore(%run_scoped3A_69 : memref<!tpu.dma_semaphore, #tpu.memory_space<semaphore_mem>>) {add = true}
        %dma_wait3A_76 = arith.constant 0 : i32
        %dma_wait3A_77 = tpu.memref_slice %arg9[%add3A_68, %dma_wait3A_76] : memref<50x100xi32, #tpu.memory_space<vmem>> -> memref<1x100xi32, #tpu.memory_space<vmem>>
        %dma_wait3A_78 = tpu.memref_squeeze %dma_wait3A_77 : memref<1x100xi32, #tpu.memory_space<vmem>> -> memref<100xi32, #tpu.memory_space<vmem>>
        %dma_wait3A_79 = arith.constant 0 : i32
        %dma_wait3A_80 = arith.constant 0 : i32
        %dma_wait3A_81 = tpu.memref_slice %arg7[%dma_wait3A_79, %dma_wait3A_80] : memref<10112x128xf32, #tpu.memory_space<vmem_shared>> -> memref<10112x128xf32, #tpu.memory_space<vmem_shared>>
        tpu.wait_indirect_dma semaphore(%run_scoped3A_69 : memref<!tpu.dma_semaphore, #tpu.memory_space<semaphore_mem>>) src(%arg11 : memref<100x128xf32, #tpu.memory_space<vmem>>) dst(%dma_wait3A_81 : memref<10112x128xf32, #tpu.memory_space<vmem_shared>>)
        tpu.yield
      }) : () -> ()
    }
    %scan3A_31 = arith.constant 25 : i32
    %barrier3A_32 = arith.constant 0 : index
    tpu.barrier barrier_id(%barrier3A_32)
    %mul3A_33 = arith.constant 632 : i32
    %mul3A_34 = arith.muli %arg1, %mul3A_33 : i32
    %mul3A_35 = arith.constant 632 : i32
    %mul3A_36 = arith.muli %arg1, %mul3A_35 : i32
    "tpu.region"() ({
      %run_scoped3A_37 = tpu.sem_alloc : memref<!tpu.dma_semaphore, #tpu.memory_space<semaphore_mem>>
      %dma_start3A_38 = arith.constant 0 : i32
      %dma_start3A_39 = tpu.memref_slice %arg6[%arg0, %mul3A_36, %dma_start3A_38] : memref<2x10112x128xf32, #tpu.memory_space<hbm>> -> memref<1x632x128xf32, #tpu.memory_space<hbm>>
      %dma_start3A_40 = tpu.memref_squeeze %dma_start3A_39 : memref<1x632x128xf32, #tpu.memory_space<hbm>> -> memref<632x128xf32, #tpu.memory_space<hbm>>
      %dma_start3A_41 = arith.constant 0 : i32
      %dma_start3A_42 = tpu.memref_slice %arg7[%mul3A_34, %dma_start3A_41] : memref<10112x128xf32, #tpu.memory_space<vmem_shared>> -> memref<632x128xf32, #tpu.memory_space<vmem_shared>>
      tpu.enqueue_dma source(%dma_start3A_42 : memref<632x128xf32, #tpu.memory_space<vmem_shared>>) target(%dma_start3A_40 : memref<632x128xf32, #tpu.memory_space<hbm>>) target_semaphore(%run_scoped3A_37 : memref<!tpu.dma_semaphore, #tpu.memory_space<semaphore_mem>>)
      %dma_wait3A = arith.constant 0 : i32
      %dma_wait3A_43 = tpu.memref_slice %arg6[%arg0, %mul3A_36, %dma_wait3A] : memref<2x10112x128xf32, #tpu.memory_space<hbm>> -> memref<1x632x128xf32, #tpu.memory_space<hbm>>
      %dma_wait3A_44 = tpu.memref_squeeze %dma_wait3A_43 : memref<1x632x128xf32, #tpu.memory_space<hbm>> -> memref<632x128xf32, #tpu.memory_space<hbm>>
      %dma_wait3A_45 = arith.constant 0 : i32
      %dma_wait3A_46 = tpu.memref_slice %arg7[%mul3A_34, %dma_wait3A_45] : memref<10112x128xf32, #tpu.memory_space<vmem_shared>> -> memref<632x128xf32, #tpu.memory_space<vmem_shared>>
      tpu.wait_dma2 semaphore(%run_scoped3A_37 : memref<!tpu.dma_semaphore, #tpu.memory_space<semaphore_mem>>) src(%dma_wait3A_46 : memref<632x128xf32, #tpu.memory_space<vmem_shared>>) dst(%dma_wait3A_44 : memref<632x128xf32, #tpu.memory_space<hbm>>)
      tpu.yield
    }) : () -> ()
    return
  }
}

#map = affine_map<(d0, d1) -> (0, 0, 0, 0)>
#map1 = affine_map<(d0, d1) -> (0, 0)>
#map2 = affine_map<(d0, d1) -> (0, 0, 0)>
module attributes {stable_mosaic.version = 14 : i64} {
  func.func @body(%arg0: i32, %arg1: i32, %arg2: memref<32x2x50x100xi32, #tpu.memory_space<hbm>>, %arg3: memref<10112x128xf32, #tpu.memory_space<hbm>>, %arg4: memref<100x128xf32, #tpu.memory_space<hbm>>, %arg5: memref<2x10112x128xf32, #tpu.memory_space<hbm>>, %arg6: memref<10112x128xf32, #tpu.memory_space<vmem_shared>>, %arg7: memref<50x100xi32, #tpu.memory_space<vmem>>, %arg8: memref<100x128xf32, #tpu.memory_space<vmem>>, %arg9: memref<!tpu.dma_semaphore, #tpu.memory_space<semaphore_mem>>, %arg10: memref<!tpu.dma_semaphore, #tpu.memory_space<semaphore_mem>>) attributes {dimension_semantics = [#tpu.dimension_semantics<core_parallel>, #tpu.dimension_semantics<subcore_parallel>], iteration_bounds = array<i64: 2, 16>, scalar_prefetch = 0 : i64, scratch_operands = 5 : i64, tpu.core_type = #tpu.core_type<sc_vector_subcore>, window_params = [{transform_indices = #map}, {transform_indices = #map1}, {transform_indices = #map1}, {transform_indices = #map2}]} {
    %mul3A = arith.constant 2 : i32
    %mul3A_0 = arith.muli %arg1, %mul3A : i32
    %add3A = arith.addi %mul3A_0, %arg0 : i32
    %mul3A_1 = arith.constant 632 : i32
    %mul3A_2 = arith.muli %arg1, %mul3A_1 : i32
    %mul3A_3 = arith.constant 632 : i32
    %mul3A_4 = arith.muli %arg1, %mul3A_3 : i32
    "tpu.region"() ({
      %run_scoped3A_22 = tpu.sem_alloc : memref<!tpu.dma_semaphore, #tpu.memory_space<semaphore_mem>>
      %dma_start3A = arith.constant 0 : i32
      %dma_start3A_23 = tpu.memref_slice %arg6[%mul3A_4, %dma_start3A] : memref<10112x128xf32, #tpu.memory_space<vmem_shared>> -> memref<632x128xf32, #tpu.memory_space<vmem_shared>>
      %dma_start3A_24 = arith.constant 0 : i32
      %dma_start3A_25 = tpu.memref_slice %arg3[%mul3A_2, %dma_start3A_24] : memref<10112x128xf32, #tpu.memory_space<hbm>> -> memref<632x128xf32, #tpu.memory_space<hbm>>
      tpu.enqueue_dma source(%dma_start3A_25 : memref<632x128xf32, #tpu.memory_space<hbm>>) target(%dma_start3A_23 : memref<632x128xf32, #tpu.memory_space<vmem_shared>>) target_semaphore(%run_scoped3A_22 : memref<!tpu.dma_semaphore, #tpu.memory_space<semaphore_mem>>)
      %dma_wait3A = arith.constant 0 : i32
      %dma_wait3A_26 = tpu.memref_slice %arg6[%mul3A_4, %dma_wait3A] : memref<10112x128xf32, #tpu.memory_space<vmem_shared>> -> memref<632x128xf32, #tpu.memory_space<vmem_shared>>
      %dma_wait3A_27 = arith.constant 0 : i32
      %dma_wait3A_28 = tpu.memref_slice %arg3[%mul3A_2, %dma_wait3A_27] : memref<10112x128xf32, #tpu.memory_space<hbm>> -> memref<632x128xf32, #tpu.memory_space<hbm>>
      tpu.wait_dma2 semaphore(%run_scoped3A_22 : memref<!tpu.dma_semaphore, #tpu.memory_space<semaphore_mem>>) src(%dma_wait3A_28 : memref<632x128xf32, #tpu.memory_space<hbm>>) dst(%dma_wait3A_26 : memref<632x128xf32, #tpu.memory_space<vmem_shared>>)
      tpu.yield
    }) : () -> ()
    "tpu.region"() ({
      %run_scoped3A_22 = tpu.sem_alloc : memref<!tpu.dma_semaphore, #tpu.memory_space<semaphore_mem>>
      tpu.enqueue_dma source(%arg4 : memref<100x128xf32, #tpu.memory_space<hbm>>) target(%arg8 : memref<100x128xf32, #tpu.memory_space<vmem>>) target_semaphore(%run_scoped3A_22 : memref<!tpu.dma_semaphore, #tpu.memory_space<semaphore_mem>>)
      tpu.wait_dma2 semaphore(%run_scoped3A_22 : memref<!tpu.dma_semaphore, #tpu.memory_space<semaphore_mem>>) src(%arg4 : memref<100x128xf32, #tpu.memory_space<hbm>>) dst(%arg8 : memref<100x128xf32, #tpu.memory_space<vmem>>)
      tpu.yield
    }) : () -> ()
    %barrier3A = arith.constant 0 : index
    tpu.barrier barrier_id(%barrier3A)
    %run_scoped3A = arith.constant 0 : i32
    "tpu.region"() ({
      %run_scoped3A_22 = tpu.sem_alloc : memref<!tpu.dma_semaphore, #tpu.memory_space<semaphore_mem>>
      %dma_start3A = arith.constant 0 : i32
      %dma_start3A_23 = arith.constant 0 : i32
      %dma_start3A_24 = tpu.memref_slice %arg2[%add3A, %run_scoped3A, %dma_start3A, %dma_start3A_23] : memref<32x2x50x100xi32, #tpu.memory_space<hbm>> -> memref<1x1x50x100xi32, #tpu.memory_space<hbm>>
      %dma_start3A_25 = tpu.memref_squeeze %dma_start3A_24 : memref<1x1x50x100xi32, #tpu.memory_space<hbm>> -> memref<50x100xi32, #tpu.memory_space<hbm>>
      %dma_start3A_26 = arith.constant 0 : i32
      %dma_start3A_27 = arith.constant 0 : i32
      %dma_start3A_28 = tpu.memref_slice %arg2[%add3A, %run_scoped3A, %dma_start3A_26, %dma_start3A_27] : memref<32x2x50x100xi32, #tpu.memory_space<hbm>> -> memref<1x1x50x100xi32, #tpu.memory_space<hbm>>
      %dma_start3A_29 = tpu.memref_squeeze %dma_start3A_28 : memref<1x1x50x100xi32, #tpu.memory_space<hbm>> -> memref<50x100xi32, #tpu.memory_space<hbm>>
      tpu.enqueue_dma source(%dma_start3A_29 : memref<50x100xi32, #tpu.memory_space<hbm>>) target(%arg7 : memref<50x100xi32, #tpu.memory_space<vmem>>) target_semaphore(%run_scoped3A_22 : memref<!tpu.dma_semaphore, #tpu.memory_space<semaphore_mem>>)
      %dma_wait3A = arith.constant 0 : i32
      %dma_wait3A_30 = arith.constant 0 : i32
      %dma_wait3A_31 = tpu.memref_slice %arg2[%add3A, %run_scoped3A, %dma_wait3A, %dma_wait3A_30] : memref<32x2x50x100xi32, #tpu.memory_space<hbm>> -> memref<1x1x50x100xi32, #tpu.memory_space<hbm>>
      %dma_wait3A_32 = tpu.memref_squeeze %dma_wait3A_31 : memref<1x1x50x100xi32, #tpu.memory_space<hbm>> -> memref<50x100xi32, #tpu.memory_space<hbm>>
      %dma_wait3A_33 = arith.constant 0 : i32
      %dma_wait3A_34 = arith.constant 0 : i32
      %dma_wait3A_35 = tpu.memref_slice %arg2[%add3A, %run_scoped3A, %dma_wait3A_33, %dma_wait3A_34] : memref<32x2x50x100xi32, #tpu.memory_space<hbm>> -> memref<1x1x50x100xi32, #tpu.memory_space<hbm>>
      %dma_wait3A_36 = tpu.memref_squeeze %dma_wait3A_35 : memref<1x1x50x100xi32, #tpu.memory_space<hbm>> -> memref<50x100xi32, #tpu.memory_space<hbm>>
      tpu.wait_dma2 semaphore(%run_scoped3A_22 : memref<!tpu.dma_semaphore, #tpu.memory_space<semaphore_mem>>) src(%dma_wait3A_36 : memref<50x100xi32, #tpu.memory_space<hbm>>) dst(%arg7 : memref<50x100xi32, #tpu.memory_space<vmem>>)
      tpu.yield
    }) : () -> ()
    %scan3A = arith.constant 0 : i32
    %scan3A_5 = arith.constant 0 : i32
    %scan3A_6 = arith.constant 25 : i32
    %scan3A_7 = arith.addi %scan3A_5, %scan3A_6 : i32
    %scan3A_8 = arith.constant 1 : i32
    scf.for %scan3A_22 = %scan3A_5 to %scan3A_7 step %scan3A_8  : i32 {
      %mul3A_23 = arith.constant 2 : i32
      %mul3A_24 = arith.muli %mul3A_23, %scan3A_22 : i32
      %dma_start3A = arith.constant 0 : i32
      %dma_start3A_25 = tpu.memref_slice %arg7[%mul3A_24, %dma_start3A] : memref<50x100xi32, #tpu.memory_space<vmem>> -> memref<1x100xi32, #tpu.memory_space<vmem>>
      %dma_start3A_26 = tpu.memref_squeeze %dma_start3A_25 : memref<1x100xi32, #tpu.memory_space<vmem>> -> memref<100xi32, #tpu.memory_space<vmem>>
      %dma_start3A_27 = arith.constant 0 : i32
      %dma_start3A_28 = arith.constant 0 : i32
      %dma_start3A_29 = tpu.memref_slice %arg6[%dma_start3A_27, %dma_start3A_28] : memref<10112x128xf32, #tpu.memory_space<vmem_shared>> -> memref<10112x128xf32, #tpu.memory_space<vmem_shared>>
      tpu.enqueue_indirect_dma source(%arg8 : memref<100x128xf32, #tpu.memory_space<vmem>>) target(%dma_start3A_29 : memref<10112x128xf32, #tpu.memory_space<vmem_shared>>) offsets(%dma_start3A_26 : memref<100xi32, #tpu.memory_space<vmem>>) semaphore(%arg9 : memref<!tpu.dma_semaphore, #tpu.memory_space<semaphore_mem>>) {add = true}
      %mul3A_30 = arith.constant 2 : i32
      %mul3A_31 = arith.muli %mul3A_30, %scan3A_22 : i32
      %add3A_32 = arith.constant 1 : i32
      %add3A_33 = arith.addi %mul3A_31, %add3A_32 : i32
      %dma_start3A_34 = arith.constant 0 : i32
      %dma_start3A_35 = tpu.memref_slice %arg7[%add3A_33, %dma_start3A_34] : memref<50x100xi32, #tpu.memory_space<vmem>> -> memref<1x100xi32, #tpu.memory_space<vmem>>
      %dma_start3A_36 = tpu.memref_squeeze %dma_start3A_35 : memref<1x100xi32, #tpu.memory_space<vmem>> -> memref<100xi32, #tpu.memory_space<vmem>>
      %dma_start3A_37 = arith.constant 0 : i32
      %dma_start3A_38 = arith.constant 0 : i32
      %dma_start3A_39 = tpu.memref_slice %arg6[%dma_start3A_37, %dma_start3A_38] : memref<10112x128xf32, #tpu.memory_space<vmem_shared>> -> memref<10112x128xf32, #tpu.memory_space<vmem_shared>>
      tpu.enqueue_indirect_dma source(%arg8 : memref<100x128xf32, #tpu.memory_space<vmem>>) target(%dma_start3A_39 : memref<10112x128xf32, #tpu.memory_space<vmem_shared>>) offsets(%dma_start3A_36 : memref<100xi32, #tpu.memory_space<vmem>>) semaphore(%arg10 : memref<!tpu.dma_semaphore, #tpu.memory_space<semaphore_mem>>) {add = true}
      %dma_wait3A = arith.constant 0 : i32
      %dma_wait3A_40 = tpu.memref_slice %arg7[%mul3A_24, %dma_wait3A] : memref<50x100xi32, #tpu.memory_space<vmem>> -> memref<1x100xi32, #tpu.memory_space<vmem>>
      %dma_wait3A_41 = tpu.memref_squeeze %dma_wait3A_40 : memref<1x100xi32, #tpu.memory_space<vmem>> -> memref<100xi32, #tpu.memory_space<vmem>>
      %dma_wait3A_42 = arith.constant 0 : i32
      %dma_wait3A_43 = arith.constant 0 : i32
      %dma_wait3A_44 = tpu.memref_slice %arg6[%dma_wait3A_42, %dma_wait3A_43] : memref<10112x128xf32, #tpu.memory_space<vmem_shared>> -> memref<10112x128xf32, #tpu.memory_space<vmem_shared>>
      tpu.wait_indirect_dma semaphore(%arg9 : memref<!tpu.dma_semaphore, #tpu.memory_space<semaphore_mem>>) src(%arg8 : memref<100x128xf32, #tpu.memory_space<vmem>>) dst(%dma_wait3A_44 : memref<10112x128xf32, #tpu.memory_space<vmem_shared>>)
      %dma_wait3A_45 = arith.constant 0 : i32
      %dma_wait3A_46 = tpu.memref_slice %arg7[%add3A_33, %dma_wait3A_45] : memref<50x100xi32, #tpu.memory_space<vmem>> -> memref<1x100xi32, #tpu.memory_space<vmem>>
      %dma_wait3A_47 = tpu.memref_squeeze %dma_wait3A_46 : memref<1x100xi32, #tpu.memory_space<vmem>> -> memref<100xi32, #tpu.memory_space<vmem>>
      %dma_wait3A_48 = arith.constant 0 : i32
      %dma_wait3A_49 = arith.constant 0 : i32
      %dma_wait3A_50 = tpu.memref_slice %arg6[%dma_wait3A_48, %dma_wait3A_49] : memref<10112x128xf32, #tpu.memory_space<vmem_shared>> -> memref<10112x128xf32, #tpu.memory_space<vmem_shared>>
      tpu.wait_indirect_dma semaphore(%arg10 : memref<!tpu.dma_semaphore, #tpu.memory_space<semaphore_mem>>) src(%arg8 : memref<100x128xf32, #tpu.memory_space<vmem>>) dst(%dma_wait3A_50 : memref<10112x128xf32, #tpu.memory_space<vmem_shared>>)
    }
    %scan3A_9 = arith.constant 25 : i32
    %run_scoped3A_10 = arith.constant 1 : i32
    "tpu.region"() ({
      %run_scoped3A_22 = tpu.sem_alloc : memref<!tpu.dma_semaphore, #tpu.memory_space<semaphore_mem>>
      %dma_start3A = arith.constant 0 : i32
      %dma_start3A_23 = arith.constant 0 : i32
      %dma_start3A_24 = tpu.memref_slice %arg2[%add3A, %run_scoped3A_10, %dma_start3A, %dma_start3A_23] : memref<32x2x50x100xi32, #tpu.memory_space<hbm>> -> memref<1x1x50x100xi32, #tpu.memory_space<hbm>>
      %dma_start3A_25 = tpu.memref_squeeze %dma_start3A_24 : memref<1x1x50x100xi32, #tpu.memory_space<hbm>> -> memref<50x100xi32, #tpu.memory_space<hbm>>
      %dma_start3A_26 = arith.constant 0 : i32
      %dma_start3A_27 = arith.constant 0 : i32
      %dma_start3A_28 = tpu.memref_slice %arg2[%add3A, %run_scoped3A_10, %dma_start3A_26, %dma_start3A_27] : memref<32x2x50x100xi32, #tpu.memory_space<hbm>> -> memref<1x1x50x100xi32, #tpu.memory_space<hbm>>
      %dma_start3A_29 = tpu.memref_squeeze %dma_start3A_28 : memref<1x1x50x100xi32, #tpu.memory_space<hbm>> -> memref<50x100xi32, #tpu.memory_space<hbm>>
      tpu.enqueue_dma source(%dma_start3A_29 : memref<50x100xi32, #tpu.memory_space<hbm>>) target(%arg7 : memref<50x100xi32, #tpu.memory_space<vmem>>) target_semaphore(%run_scoped3A_22 : memref<!tpu.dma_semaphore, #tpu.memory_space<semaphore_mem>>)
      %dma_wait3A = arith.constant 0 : i32
      %dma_wait3A_30 = arith.constant 0 : i32
      %dma_wait3A_31 = tpu.memref_slice %arg2[%add3A, %run_scoped3A_10, %dma_wait3A, %dma_wait3A_30] : memref<32x2x50x100xi32, #tpu.memory_space<hbm>> -> memref<1x1x50x100xi32, #tpu.memory_space<hbm>>
      %dma_wait3A_32 = tpu.memref_squeeze %dma_wait3A_31 : memref<1x1x50x100xi32, #tpu.memory_space<hbm>> -> memref<50x100xi32, #tpu.memory_space<hbm>>
      %dma_wait3A_33 = arith.constant 0 : i32
      %dma_wait3A_34 = arith.constant 0 : i32
      %dma_wait3A_35 = tpu.memref_slice %arg2[%add3A, %run_scoped3A_10, %dma_wait3A_33, %dma_wait3A_34] : memref<32x2x50x100xi32, #tpu.memory_space<hbm>> -> memref<1x1x50x100xi32, #tpu.memory_space<hbm>>
      %dma_wait3A_36 = tpu.memref_squeeze %dma_wait3A_35 : memref<1x1x50x100xi32, #tpu.memory_space<hbm>> -> memref<50x100xi32, #tpu.memory_space<hbm>>
      tpu.wait_dma2 semaphore(%run_scoped3A_22 : memref<!tpu.dma_semaphore, #tpu.memory_space<semaphore_mem>>) src(%dma_wait3A_36 : memref<50x100xi32, #tpu.memory_space<hbm>>) dst(%arg7 : memref<50x100xi32, #tpu.memory_space<vmem>>)
      tpu.yield
    }) : () -> ()
    %scan3A_11 = arith.constant 0 : i32
    %scan3A_12 = arith.constant 0 : i32
    %scan3A_13 = arith.constant 25 : i32
    %scan3A_14 = arith.addi %scan3A_12, %scan3A_13 : i32
    %scan3A_15 = arith.constant 1 : i32
    scf.for %scan3A_22 = %scan3A_12 to %scan3A_14 step %scan3A_15  : i32 {
      %mul3A_23 = arith.constant 2 : i32
      %mul3A_24 = arith.muli %mul3A_23, %scan3A_22 : i32
      %dma_start3A = arith.constant 0 : i32
      %dma_start3A_25 = tpu.memref_slice %arg7[%mul3A_24, %dma_start3A] : memref<50x100xi32, #tpu.memory_space<vmem>> -> memref<1x100xi32, #tpu.memory_space<vmem>>
      %dma_start3A_26 = tpu.memref_squeeze %dma_start3A_25 : memref<1x100xi32, #tpu.memory_space<vmem>> -> memref<100xi32, #tpu.memory_space<vmem>>
      %dma_start3A_27 = arith.constant 0 : i32
      %dma_start3A_28 = arith.constant 0 : i32
      %dma_start3A_29 = tpu.memref_slice %arg6[%dma_start3A_27, %dma_start3A_28] : memref<10112x128xf32, #tpu.memory_space<vmem_shared>> -> memref<10112x128xf32, #tpu.memory_space<vmem_shared>>
      tpu.enqueue_indirect_dma source(%arg8 : memref<100x128xf32, #tpu.memory_space<vmem>>) target(%dma_start3A_29 : memref<10112x128xf32, #tpu.memory_space<vmem_shared>>) offsets(%dma_start3A_26 : memref<100xi32, #tpu.memory_space<vmem>>) semaphore(%arg9 : memref<!tpu.dma_semaphore, #tpu.memory_space<semaphore_mem>>) {add = true}
      %mul3A_30 = arith.constant 2 : i32
      %mul3A_31 = arith.muli %mul3A_30, %scan3A_22 : i32
      %add3A_32 = arith.constant 1 : i32
      %add3A_33 = arith.addi %mul3A_31, %add3A_32 : i32
      %dma_start3A_34 = arith.constant 0 : i32
      %dma_start3A_35 = tpu.memref_slice %arg7[%add3A_33, %dma_start3A_34] : memref<50x100xi32, #tpu.memory_space<vmem>> -> memref<1x100xi32, #tpu.memory_space<vmem>>
      %dma_start3A_36 = tpu.memref_squeeze %dma_start3A_35 : memref<1x100xi32, #tpu.memory_space<vmem>> -> memref<100xi32, #tpu.memory_space<vmem>>
      %dma_start3A_37 = arith.constant 0 : i32
      %dma_start3A_38 = arith.constant 0 : i32
      %dma_start3A_39 = tpu.memref_slice %arg6[%dma_start3A_37, %dma_start3A_38] : memref<10112x128xf32, #tpu.memory_space<vmem_shared>> -> memref<10112x128xf32, #tpu.memory_space<vmem_shared>>
      tpu.enqueue_indirect_dma source(%arg8 : memref<100x128xf32, #tpu.memory_space<vmem>>) target(%dma_start3A_39 : memref<10112x128xf32, #tpu.memory_space<vmem_shared>>) offsets(%dma_start3A_36 : memref<100xi32, #tpu.memory_space<vmem>>) semaphore(%arg10 : memref<!tpu.dma_semaphore, #tpu.memory_space<semaphore_mem>>) {add = true}
      %dma_wait3A = arith.constant 0 : i32
      %dma_wait3A_40 = tpu.memref_slice %arg7[%mul3A_24, %dma_wait3A] : memref<50x100xi32, #tpu.memory_space<vmem>> -> memref<1x100xi32, #tpu.memory_space<vmem>>
      %dma_wait3A_41 = tpu.memref_squeeze %dma_wait3A_40 : memref<1x100xi32, #tpu.memory_space<vmem>> -> memref<100xi32, #tpu.memory_space<vmem>>
      %dma_wait3A_42 = arith.constant 0 : i32
      %dma_wait3A_43 = arith.constant 0 : i32
      %dma_wait3A_44 = tpu.memref_slice %arg6[%dma_wait3A_42, %dma_wait3A_43] : memref<10112x128xf32, #tpu.memory_space<vmem_shared>> -> memref<10112x128xf32, #tpu.memory_space<vmem_shared>>
      tpu.wait_indirect_dma semaphore(%arg9 : memref<!tpu.dma_semaphore, #tpu.memory_space<semaphore_mem>>) src(%arg8 : memref<100x128xf32, #tpu.memory_space<vmem>>) dst(%dma_wait3A_44 : memref<10112x128xf32, #tpu.memory_space<vmem_shared>>)
      %dma_wait3A_45 = arith.constant 0 : i32
      %dma_wait3A_46 = tpu.memref_slice %arg7[%add3A_33, %dma_wait3A_45] : memref<50x100xi32, #tpu.memory_space<vmem>> -> memref<1x100xi32, #tpu.memory_space<vmem>>
      %dma_wait3A_47 = tpu.memref_squeeze %dma_wait3A_46 : memref<1x100xi32, #tpu.memory_space<vmem>> -> memref<100xi32, #tpu.memory_space<vmem>>
      %dma_wait3A_48 = arith.constant 0 : i32
      %dma_wait3A_49 = arith.constant 0 : i32
      %dma_wait3A_50 = tpu.memref_slice %arg6[%dma_wait3A_48, %dma_wait3A_49] : memref<10112x128xf32, #tpu.memory_space<vmem_shared>> -> memref<10112x128xf32, #tpu.memory_space<vmem_shared>>
      tpu.wait_indirect_dma semaphore(%arg10 : memref<!tpu.dma_semaphore, #tpu.memory_space<semaphore_mem>>) src(%arg8 : memref<100x128xf32, #tpu.memory_space<vmem>>) dst(%dma_wait3A_50 : memref<10112x128xf32, #tpu.memory_space<vmem_shared>>)
    }
    %scan3A_16 = arith.constant 25 : i32
    %barrier3A_17 = arith.constant 0 : index
    tpu.barrier barrier_id(%barrier3A_17)
    %mul3A_18 = arith.constant 632 : i32
    %mul3A_19 = arith.muli %arg1, %mul3A_18 : i32
    %mul3A_20 = arith.constant 632 : i32
    %mul3A_21 = arith.muli %arg1, %mul3A_20 : i32
    "tpu.region"() ({
      %run_scoped3A_22 = tpu.sem_alloc : memref<!tpu.dma_semaphore, #tpu.memory_space<semaphore_mem>>
      %dma_start3A = arith.constant 0 : i32
      %dma_start3A_23 = tpu.memref_slice %arg5[%arg0, %mul3A_21, %dma_start3A] : memref<2x10112x128xf32, #tpu.memory_space<hbm>> -> memref<1x632x128xf32, #tpu.memory_space<hbm>>
      %dma_start3A_24 = tpu.memref_squeeze %dma_start3A_23 : memref<1x632x128xf32, #tpu.memory_space<hbm>> -> memref<632x128xf32, #tpu.memory_space<hbm>>
      %dma_start3A_25 = arith.constant 0 : i32
      %dma_start3A_26 = tpu.memref_slice %arg6[%mul3A_19, %dma_start3A_25] : memref<10112x128xf32, #tpu.memory_space<vmem_shared>> -> memref<632x128xf32, #tpu.memory_space<vmem_shared>>
      tpu.enqueue_dma source(%dma_start3A_26 : memref<632x128xf32, #tpu.memory_space<vmem_shared>>) target(%dma_start3A_24 : memref<632x128xf32, #tpu.memory_space<hbm>>) target_semaphore(%run_scoped3A_22 : memref<!tpu.dma_semaphore, #tpu.memory_space<semaphore_mem>>)
      %dma_wait3A = arith.constant 0 : i32
      %dma_wait3A_27 = tpu.memref_slice %arg5[%arg0, %mul3A_21, %dma_wait3A] : memref<2x10112x128xf32, #tpu.memory_space<hbm>> -> memref<1x632x128xf32, #tpu.memory_space<hbm>>
      %dma_wait3A_28 = tpu.memref_squeeze %dma_wait3A_27 : memref<1x632x128xf32, #tpu.memory_space<hbm>> -> memref<632x128xf32, #tpu.memory_space<hbm>>
      %dma_wait3A_29 = arith.constant 0 : i32
      %dma_wait3A_30 = tpu.memref_slice %arg6[%mul3A_19, %dma_wait3A_29] : memref<10112x128xf32, #tpu.memory_space<vmem_shared>> -> memref<632x128xf32, #tpu.memory_space<vmem_shared>>
      tpu.wait_dma2 semaphore(%run_scoped3A_22 : memref<!tpu.dma_semaphore, #tpu.memory_space<semaphore_mem>>) src(%dma_wait3A_30 : memref<632x128xf32, #tpu.memory_space<vmem_shared>>) dst(%dma_wait3A_28 : memref<632x128xf32, #tpu.memory_space<hbm>>)
      tpu.yield
    }) : () -> ()
    return
  }
}

#map = affine_map<(d0, d1) -> (0, 0)>
#map1 = affine_map<(d0, d1) -> (0, 0, 0, 0)>
#map2 = affine_map<(d0, d1) -> (0, 0, 0)>
module attributes {stable_mosaic.version = 14 : i64} {
  func.func @body(%arg0: i32, %arg1: i32, %arg2: memref<10000x128xf32, #tpu.memory_space<hbm>>, %arg3: memref<32x2x50x100xi32, #tpu.memory_space<hbm>>, %arg4: memref<32x2x50x100xi32, #tpu.memory_space<hbm>>, %arg5: memref<10112x128xf32, #tpu.memory_space<hbm>>, %arg6: memref<2x10112x128xf32, #tpu.memory_space<hbm>>, %arg7: memref<10112x128xf32, #tpu.memory_space<vmem_shared>>, %arg8: memref<50x100xi32, #tpu.memory_space<vmem>>, %arg9: memref<50x100xi32, #tpu.memory_space<vmem>>, %arg10: memref<100x128xf32, #tpu.memory_space<vmem>>, %arg11: memref<100x128xf32, #tpu.memory_space<vmem>>, %arg12: memref<!tpu.dma_semaphore, #tpu.memory_space<semaphore_mem>>, %arg13: memref<!tpu.dma_semaphore, #tpu.memory_space<semaphore_mem>>) attributes {dimension_semantics = [#tpu.dimension_semantics<core_parallel>, #tpu.dimension_semantics<subcore_parallel>], iteration_bounds = array<i64: 2, 16>, scalar_prefetch = 0 : i64, scratch_operands = 7 : i64, tpu.core_type = #tpu.core_type<sc_vector_subcore>, window_params = [{transform_indices = #map}, {transform_indices = #map1}, {transform_indices = #map1}, {transform_indices = #map}, {transform_indices = #map2}]} {
    %mul3A = arith.constant 2 : i32
    %mul3A_0 = arith.muli %arg1, %mul3A : i32
    %add3A = arith.addi %mul3A_0, %arg0 : i32
    %mul3A_1 = arith.constant 632 : i32
    %mul3A_2 = arith.muli %arg1, %mul3A_1 : i32
    %mul3A_3 = arith.constant 632 : i32
    %mul3A_4 = arith.muli %arg1, %mul3A_3 : i32
    "tpu.region"() ({
      %run_scoped3A_37 = tpu.sem_alloc : memref<!tpu.dma_semaphore, #tpu.memory_space<semaphore_mem>>
      %dma_start3A_38 = arith.constant 0 : i32
      %dma_start3A_39 = tpu.memref_slice %arg7[%mul3A_4, %dma_start3A_38] : memref<10112x128xf32, #tpu.memory_space<vmem_shared>> -> memref<632x128xf32, #tpu.memory_space<vmem_shared>>
      %dma_start3A_40 = arith.constant 0 : i32
      %dma_start3A_41 = tpu.memref_slice %arg5[%mul3A_2, %dma_start3A_40] : memref<10112x128xf32, #tpu.memory_space<hbm>> -> memref<632x128xf32, #tpu.memory_space<hbm>>
      tpu.enqueue_dma source(%dma_start3A_41 : memref<632x128xf32, #tpu.memory_space<hbm>>) target(%dma_start3A_39 : memref<632x128xf32, #tpu.memory_space<vmem_shared>>) target_semaphore(%run_scoped3A_37 : memref<!tpu.dma_semaphore, #tpu.memory_space<semaphore_mem>>)
      %dma_wait3A = arith.constant 0 : i32
      %dma_wait3A_42 = tpu.memref_slice %arg7[%mul3A_4, %dma_wait3A] : memref<10112x128xf32, #tpu.memory_space<vmem_shared>> -> memref<632x128xf32, #tpu.memory_space<vmem_shared>>
      %dma_wait3A_43 = arith.constant 0 : i32
      %dma_wait3A_44 = tpu.memref_slice %arg5[%mul3A_2, %dma_wait3A_43] : memref<10112x128xf32, #tpu.memory_space<hbm>> -> memref<632x128xf32, #tpu.memory_space<hbm>>
      tpu.wait_dma2 semaphore(%run_scoped3A_37 : memref<!tpu.dma_semaphore, #tpu.memory_space<semaphore_mem>>) src(%dma_wait3A_44 : memref<632x128xf32, #tpu.memory_space<hbm>>) dst(%dma_wait3A_42 : memref<632x128xf32, #tpu.memory_space<vmem_shared>>)
      tpu.yield
    }) : () -> ()
    %barrier3A = arith.constant 0 : index
    tpu.barrier barrier_id(%barrier3A)
    %run_scoped3A = arith.constant 0 : i32
    "tpu.region"() ({
      %run_scoped3A_37 = tpu.sem_alloc : memref<!tpu.dma_semaphore, #tpu.memory_space<semaphore_mem>>
      %dma_start3A_38 = arith.constant 0 : i32
      %dma_start3A_39 = arith.constant 0 : i32
      %dma_start3A_40 = tpu.memref_slice %arg3[%add3A, %run_scoped3A, %dma_start3A_38, %dma_start3A_39] : memref<32x2x50x100xi32, #tpu.memory_space<hbm>> -> memref<1x1x50x100xi32, #tpu.memory_space<hbm>>
      %dma_start3A_41 = tpu.memref_squeeze %dma_start3A_40 : memref<1x1x50x100xi32, #tpu.memory_space<hbm>> -> memref<50x100xi32, #tpu.memory_space<hbm>>
      %dma_start3A_42 = arith.constant 0 : i32
      %dma_start3A_43 = arith.constant 0 : i32
      %dma_start3A_44 = tpu.memref_slice %arg3[%add3A, %run_scoped3A, %dma_start3A_42, %dma_start3A_43] : memref<32x2x50x100xi32, #tpu.memory_space<hbm>> -> memref<1x1x50x100xi32, #tpu.memory_space<hbm>>
      %dma_start3A_45 = tpu.memref_squeeze %dma_start3A_44 : memref<1x1x50x100xi32, #tpu.memory_space<hbm>> -> memref<50x100xi32, #tpu.memory_space<hbm>>
      tpu.enqueue_dma source(%dma_start3A_45 : memref<50x100xi32, #tpu.memory_space<hbm>>) target(%arg8 : memref<50x100xi32, #tpu.memory_space<vmem>>) target_semaphore(%run_scoped3A_37 : memref<!tpu.dma_semaphore, #tpu.memory_space<semaphore_mem>>)
      %dma_wait3A = arith.constant 0 : i32
      %dma_wait3A_46 = arith.constant 0 : i32
      %dma_wait3A_47 = tpu.memref_slice %arg3[%add3A, %run_scoped3A, %dma_wait3A, %dma_wait3A_46] : memref<32x2x50x100xi32, #tpu.memory_space<hbm>> -> memref<1x1x50x100xi32, #tpu.memory_space<hbm>>
      %dma_wait3A_48 = tpu.memref_squeeze %dma_wait3A_47 : memref<1x1x50x100xi32, #tpu.memory_space<hbm>> -> memref<50x100xi32, #tpu.memory_space<hbm>>
      %dma_wait3A_49 = arith.constant 0 : i32
      %dma_wait3A_50 = arith.constant 0 : i32
      %dma_wait3A_51 = tpu.memref_slice %arg3[%add3A, %run_scoped3A, %dma_wait3A_49, %dma_wait3A_50] : memref<32x2x50x100xi32, #tpu.memory_space<hbm>> -> memref<1x1x50x100xi32, #tpu.memory_space<hbm>>
      %dma_wait3A_52 = tpu.memref_squeeze %dma_wait3A_51 : memref<1x1x50x100xi32, #tpu.memory_space<hbm>> -> memref<50x100xi32, #tpu.memory_space<hbm>>
      tpu.wait_dma2 semaphore(%run_scoped3A_37 : memref<!tpu.dma_semaphore, #tpu.memory_space<semaphore_mem>>) src(%dma_wait3A_52 : memref<50x100xi32, #tpu.memory_space<hbm>>) dst(%arg8 : memref<50x100xi32, #tpu.memory_space<vmem>>)
      tpu.yield
    }) : () -> ()
    %run_scoped3A_5 = arith.constant 0 : i32
    "tpu.region"() ({
      %run_scoped3A_37 = tpu.sem_alloc : memref<!tpu.dma_semaphore, #tpu.memory_space<semaphore_mem>>
      %dma_start3A_38 = arith.constant 0 : i32
      %dma_start3A_39 = arith.constant 0 : i32
      %dma_start3A_40 = tpu.memref_slice %arg4[%add3A, %run_scoped3A_5, %dma_start3A_38, %dma_start3A_39] : memref<32x2x50x100xi32, #tpu.memory_space<hbm>> -> memref<1x1x50x100xi32, #tpu.memory_space<hbm>>
      %dma_start3A_41 = tpu.memref_squeeze %dma_start3A_40 : memref<1x1x50x100xi32, #tpu.memory_space<hbm>> -> memref<50x100xi32, #tpu.memory_space<hbm>>
      %dma_start3A_42 = arith.constant 0 : i32
      %dma_start3A_43 = arith.constant 0 : i32
      %dma_start3A_44 = tpu.memref_slice %arg4[%add3A, %run_scoped3A_5, %dma_start3A_42, %dma_start3A_43] : memref<32x2x50x100xi32, #tpu.memory_space<hbm>> -> memref<1x1x50x100xi32, #tpu.memory_space<hbm>>
      %dma_start3A_45 = tpu.memref_squeeze %dma_start3A_44 : memref<1x1x50x100xi32, #tpu.memory_space<hbm>> -> memref<50x100xi32, #tpu.memory_space<hbm>>
      tpu.enqueue_dma source(%dma_start3A_45 : memref<50x100xi32, #tpu.memory_space<hbm>>) target(%arg9 : memref<50x100xi32, #tpu.memory_space<vmem>>) target_semaphore(%run_scoped3A_37 : memref<!tpu.dma_semaphore, #tpu.memory_space<semaphore_mem>>)
      %dma_wait3A = arith.constant 0 : i32
      %dma_wait3A_46 = arith.constant 0 : i32
      %dma_wait3A_47 = tpu.memref_slice %arg4[%add3A, %run_scoped3A_5, %dma_wait3A, %dma_wait3A_46] : memref<32x2x50x100xi32, #tpu.memory_space<hbm>> -> memref<1x1x50x100xi32, #tpu.memory_space<hbm>>
      %dma_wait3A_48 = tpu.memref_squeeze %dma_wait3A_47 : memref<1x1x50x100xi32, #tpu.memory_space<hbm>> -> memref<50x100xi32, #tpu.memory_space<hbm>>
      %dma_wait3A_49 = arith.constant 0 : i32
      %dma_wait3A_50 = arith.constant 0 : i32
      %dma_wait3A_51 = tpu.memref_slice %arg4[%add3A, %run_scoped3A_5, %dma_wait3A_49, %dma_wait3A_50] : memref<32x2x50x100xi32, #tpu.memory_space<hbm>> -> memref<1x1x50x100xi32, #tpu.memory_space<hbm>>
      %dma_wait3A_52 = tpu.memref_squeeze %dma_wait3A_51 : memref<1x1x50x100xi32, #tpu.memory_space<hbm>> -> memref<50x100xi32, #tpu.memory_space<hbm>>
      tpu.wait_dma2 semaphore(%run_scoped3A_37 : memref<!tpu.dma_semaphore, #tpu.memory_space<semaphore_mem>>) src(%dma_wait3A_52 : memref<50x100xi32, #tpu.memory_space<hbm>>) dst(%arg9 : memref<50x100xi32, #tpu.memory_space<vmem>>)
      tpu.yield
    }) : () -> ()
    %dma_start3A = arith.constant 0 : i32
    %dma_start3A_6 = arith.constant 0 : i32
    %dma_start3A_7 = tpu.memref_slice %arg8[%dma_start3A, %dma_start3A_6] : memref<50x100xi32, #tpu.memory_space<vmem>> -> memref<1x100xi32, #tpu.memory_space<vmem>>
    %dma_start3A_8 = tpu.memref_squeeze %dma_start3A_7 : memref<1x100xi32, #tpu.memory_space<vmem>> -> memref<100xi32, #tpu.memory_space<vmem>>
    %dma_start3A_9 = arith.constant 0 : i32
    %dma_start3A_10 = arith.constant 0 : i32
    %dma_start3A_11 = tpu.memref_slice %arg2[%dma_start3A_9, %dma_start3A_10] : memref<10000x128xf32, #tpu.memory_space<hbm>> -> memref<10000x128xf32, #tpu.memory_space<hbm>>
    tpu.enqueue_indirect_dma source(%dma_start3A_11 : memref<10000x128xf32, #tpu.memory_space<hbm>>) target(%arg10 : memref<100x128xf32, #tpu.memory_space<vmem>>) offsets(%dma_start3A_8 : memref<100xi32, #tpu.memory_space<vmem>>) semaphore(%arg12 : memref<!tpu.dma_semaphore, #tpu.memory_space<semaphore_mem>>)
    %scan3A = arith.constant 0 : i32
    %scan3A_12 = arith.constant 0 : i32
    %scan3A_13 = arith.constant 25 : i32
    %scan3A_14 = arith.addi %scan3A_12, %scan3A_13 : i32
    %scan3A_15 = arith.constant 1 : i32
    scf.for %scan3A_37 = %scan3A_12 to %scan3A_14 step %scan3A_15  : i32 {
      %mul3A_38 = arith.constant 2 : i32
      %mul3A_39 = arith.muli %mul3A_38, %scan3A_37 : i32
      %add3A_40 = arith.constant 1 : i32
      %add3A_41 = arith.addi %mul3A_39, %add3A_40 : i32
      %dma_start3A_42 = arith.constant 0 : i32
      %dma_start3A_43 = tpu.memref_slice %arg8[%add3A_41, %dma_start3A_42] : memref<50x100xi32, #tpu.memory_space<vmem>> -> memref<1x100xi32, #tpu.memory_space<vmem>>
      %dma_start3A_44 = tpu.memref_squeeze %dma_start3A_43 : memref<1x100xi32, #tpu.memory_space<vmem>> -> memref<100xi32, #tpu.memory_space<vmem>>
      %dma_start3A_45 = arith.constant 0 : i32
      %dma_start3A_46 = arith.constant 0 : i32
      %dma_start3A_47 = tpu.memref_slice %arg2[%dma_start3A_45, %dma_start3A_46] : memref<10000x128xf32, #tpu.memory_space<hbm>> -> memref<10000x128xf32, #tpu.memory_space<hbm>>
      tpu.enqueue_indirect_dma source(%dma_start3A_47 : memref<10000x128xf32, #tpu.memory_space<hbm>>) target(%arg11 : memref<100x128xf32, #tpu.memory_space<vmem>>) offsets(%dma_start3A_44 : memref<100xi32, #tpu.memory_space<vmem>>) semaphore(%arg13 : memref<!tpu.dma_semaphore, #tpu.memory_space<semaphore_mem>>)
      %dma_wait3A = arith.constant 0 : i32
      %dma_wait3A_48 = arith.constant 0 : i32
      %dma_wait3A_49 = tpu.memref_slice %arg8[%dma_wait3A, %dma_wait3A_48] : memref<50x100xi32, #tpu.memory_space<vmem>> -> memref<1x100xi32, #tpu.memory_space<vmem>>
      %dma_wait3A_50 = tpu.memref_squeeze %dma_wait3A_49 : memref<1x100xi32, #tpu.memory_space<vmem>> -> memref<100xi32, #tpu.memory_space<vmem>>
      %dma_wait3A_51 = arith.constant 0 : i32
      %dma_wait3A_52 = arith.constant 0 : i32
      %dma_wait3A_53 = tpu.memref_slice %arg2[%dma_wait3A_51, %dma_wait3A_52] : memref<10000x128xf32, #tpu.memory_space<hbm>> -> memref<10000x128xf32, #tpu.memory_space<hbm>>
      tpu.wait_indirect_dma semaphore(%arg12 : memref<!tpu.dma_semaphore, #tpu.memory_space<semaphore_mem>>) src(%dma_wait3A_53 : memref<10000x128xf32, #tpu.memory_space<hbm>>) dst(%arg10 : memref<100x128xf32, #tpu.memory_space<vmem>>)
      %mul3A_54 = arith.constant 2 : i32
      %mul3A_55 = arith.muli %mul3A_54, %scan3A_37 : i32
      "tpu.region"() ({
        %run_scoped3A_69 = tpu.sem_alloc : memref<!tpu.dma_semaphore, #tpu.memory_space<semaphore_mem>>
        %dma_start3A_70 = arith.constant 0 : i32
        %dma_start3A_71 = tpu.memref_slice %arg9[%mul3A_55, %dma_start3A_70] : memref<50x100xi32, #tpu.memory_space<vmem>> -> memref<1x100xi32, #tpu.memory_space<vmem>>
        %dma_start3A_72 = tpu.memref_squeeze %dma_start3A_71 : memref<1x100xi32, #tpu.memory_space<vmem>> -> memref<100xi32, #tpu.memory_space<vmem>>
        %dma_start3A_73 = arith.constant 0 : i32
        %dma_start3A_74 = arith.constant 0 : i32
        %dma_start3A_75 = tpu.memref_slice %arg7[%dma_start3A_73, %dma_start3A_74] : memref<10112x128xf32, #tpu.memory_space<vmem_shared>> -> memref<10112x128xf32, #tpu.memory_space<vmem_shared>>
        tpu.enqueue_indirect_dma source(%arg10 : memref<100x128xf32, #tpu.memory_space<vmem>>) target(%dma_start3A_75 : memref<10112x128xf32, #tpu.memory_space<vmem_shared>>) offsets(%dma_start3A_72 : memref<100xi32, #tpu.memory_space<vmem>>) semaphore(%run_scoped3A_69 : memref<!tpu.dma_semaphore, #tpu.memory_space<semaphore_mem>>) {add = true}
        %dma_wait3A_76 = arith.constant 0 : i32
        %dma_wait3A_77 = tpu.memref_slice %arg9[%mul3A_55, %dma_wait3A_76] : memref<50x100xi32, #tpu.memory_space<vmem>> -> memref<1x100xi32, #tpu.memory_space<vmem>>
        %dma_wait3A_78 = tpu.memref_squeeze %dma_wait3A_77 : memref<1x100xi32, #tpu.memory_space<vmem>> -> memref<100xi32, #tpu.memory_space<vmem>>
        %dma_wait3A_79 = arith.constant 0 : i32
        %dma_wait3A_80 = arith.constant 0 : i32
        %dma_wait3A_81 = tpu.memref_slice %arg7[%dma_wait3A_79, %dma_wait3A_80] : memref<10112x128xf32, #tpu.memory_space<vmem_shared>> -> memref<10112x128xf32, #tpu.memory_space<vmem_shared>>
        tpu.wait_indirect_dma semaphore(%run_scoped3A_69 : memref<!tpu.dma_semaphore, #tpu.memory_space<semaphore_mem>>) src(%arg10 : memref<100x128xf32, #tpu.memory_space<vmem>>) dst(%dma_wait3A_81 : memref<10112x128xf32, #tpu.memory_space<vmem_shared>>)
        tpu.yield
      }) : () -> ()
      %lt3A = arith.constant 24 : i32
      %lt3A_56 = arith.cmpi slt, %scan3A_37, %lt3A : i32
      %convert_element_type3A = arith.extui %lt3A_56 : i1 to i32
      %cond3A = arith.constant 0 : i32
      %cond3A_57 = arith.cmpi ne, %convert_element_type3A, %cond3A : i32
      scf.if %cond3A_57 {
        %mul3A_69 = arith.constant 2 : i32
        %mul3A_70 = arith.muli %mul3A_69, %scan3A_37 : i32
        %add3A_71 = arith.constant 2 : i32
        %add3A_72 = arith.addi %mul3A_70, %add3A_71 : i32
        %dma_start3A_73 = arith.constant 0 : i32
        %dma_start3A_74 = tpu.memref_slice %arg8[%add3A_72, %dma_start3A_73] : memref<50x100xi32, #tpu.memory_space<vmem>> -> memref<1x100xi32, #tpu.memory_space<vmem>>
        %dma_start3A_75 = tpu.memref_squeeze %dma_start3A_74 : memref<1x100xi32, #tpu.memory_space<vmem>> -> memref<100xi32, #tpu.memory_space<vmem>>
        %dma_start3A_76 = arith.constant 0 : i32
        %dma_start3A_77 = arith.constant 0 : i32
        %dma_start3A_78 = tpu.memref_slice %arg2[%dma_start3A_76, %dma_start3A_77] : memref<10000x128xf32, #tpu.memory_space<hbm>> -> memref<10000x128xf32, #tpu.memory_space<hbm>>
        tpu.enqueue_indirect_dma source(%dma_start3A_78 : memref<10000x128xf32, #tpu.memory_space<hbm>>) target(%arg10 : memref<100x128xf32, #tpu.memory_space<vmem>>) offsets(%dma_start3A_75 : memref<100xi32, #tpu.memory_space<vmem>>) semaphore(%arg12 : memref<!tpu.dma_semaphore, #tpu.memory_space<semaphore_mem>>)
      } else {
      }
      %dma_wait3A_58 = arith.constant 0 : i32
      %dma_wait3A_59 = arith.constant 0 : i32
      %dma_wait3A_60 = tpu.memref_slice %arg8[%dma_wait3A_58, %dma_wait3A_59] : memref<50x100xi32, #tpu.memory_space<vmem>> -> memref<1x100xi32, #tpu.memory_space<vmem>>
      %dma_wait3A_61 = tpu.memref_squeeze %dma_wait3A_60 : memref<1x100xi32, #tpu.memory_space<vmem>> -> memref<100xi32, #tpu.memory_space<vmem>>
      %dma_wait3A_62 = arith.constant 0 : i32
      %dma_wait3A_63 = arith.constant 0 : i32
      %dma_wait3A_64 = tpu.memref_slice %arg2[%dma_wait3A_62, %dma_wait3A_63] : memref<10000x128xf32, #tpu.memory_space<hbm>> -> memref<10000x128xf32, #tpu.memory_space<hbm>>
      tpu.wait_indirect_dma semaphore(%arg13 : memref<!tpu.dma_semaphore, #tpu.memory_space<semaphore_mem>>) src(%dma_wait3A_64 : memref<10000x128xf32, #tpu.memory_space<hbm>>) dst(%arg11 : memref<100x128xf32, #tpu.memory_space<vmem>>)
      %mul3A_65 = arith.constant 2 : i32
      %mul3A_66 = arith.muli %mul3A_65, %scan3A_37 : i32
      %add3A_67 = arith.constant 1 : i32
      %add3A_68 = arith.addi %mul3A_66, %add3A_67 : i32
      "tpu.region"() ({
        %run_scoped3A_69 = tpu.sem_alloc : memref<!tpu.dma_semaphore, #tpu.memory_space<semaphore_mem>>
        %dma_start3A_70 = arith.constant 0 : i32
        %dma_start3A_71 = tpu.memref_slice %arg9[%add3A_68, %dma_start3A_70] : memref<50x100xi32, #tpu.memory_space<vmem>> -> memref<1x100xi32, #tpu.memory_space<vmem>>
        %dma_start3A_72 = tpu.memref_squeeze %dma_start3A_71 : memref<1x100xi32, #tpu.memory_space<vmem>> -> memref<100xi32, #tpu.memory_space<vmem>>
        %dma_start3A_73 = arith.constant 0 : i32
        %dma_start3A_74 = arith.constant 0 : i32
        %dma_start3A_75 = tpu.memref_slice %arg7[%dma_start3A_73, %dma_start3A_74] : memref<10112x128xf32, #tpu.memory_space<vmem_shared>> -> memref<10112x128xf32, #tpu.memory_space<vmem_shared>>
        tpu.enqueue_indirect_dma source(%arg11 : memref<100x128xf32, #tpu.memory_space<vmem>>) target(%dma_start3A_75 : memref<10112x128xf32, #tpu.memory_space<vmem_shared>>) offsets(%dma_start3A_72 : memref<100xi32, #tpu.memory_space<vmem>>) semaphore(%run_scoped3A_69 : memref<!tpu.dma_semaphore, #tpu.memory_space<semaphore_mem>>) {add = true}
        %dma_wait3A_76 = arith.constant 0 : i32
        %dma_wait3A_77 = tpu.memref_slice %arg9[%add3A_68, %dma_wait3A_76] : memref<50x100xi32, #tpu.memory_space<vmem>> -> memref<1x100xi32, #tpu.memory_space<vmem>>
        %dma_wait3A_78 = tpu.memref_squeeze %dma_wait3A_77 : memref<1x100xi32, #tpu.memory_space<vmem>> -> memref<100xi32, #tpu.memory_space<vmem>>
        %dma_wait3A_79 = arith.constant 0 : i32
        %dma_wait3A_80 = arith.constant 0 : i32
        %dma_wait3A_81 = tpu.memref_slice %arg7[%dma_wait3A_79, %dma_wait3A_80] : memref<10112x128xf32, #tpu.memory_space<vmem_shared>> -> memref<10112x128xf32, #tpu.memory_space<vmem_shared>>
        tpu.wait_indirect_dma semaphore(%run_scoped3A_69 : memref<!tpu.dma_semaphore, #tpu.memory_space<semaphore_mem>>) src(%arg11 : memref<100x128xf32, #tpu.memory_space<vmem>>) dst(%dma_wait3A_81 : memref<10112x128xf32, #tpu.memory_space<vmem_shared>>)
        tpu.yield
      }) : () -> ()
    }
    %scan3A_16 = arith.constant 25 : i32
    %run_scoped3A_17 = arith.constant 1 : i32
    "tpu.region"() ({
      %run_scoped3A_37 = tpu.sem_alloc : memref<!tpu.dma_semaphore, #tpu.memory_space<semaphore_mem>>
      %dma_start3A_38 = arith.constant 0 : i32
      %dma_start3A_39 = arith.constant 0 : i32
      %dma_start3A_40 = tpu.memref_slice %arg3[%add3A, %run_scoped3A_17, %dma_start3A_38, %dma_start3A_39] : memref<32x2x50x100xi32, #tpu.memory_space<hbm>> -> memref<1x1x50x100xi32, #tpu.memory_space<hbm>>
      %dma_start3A_41 = tpu.memref_squeeze %dma_start3A_40 : memref<1x1x50x100xi32, #tpu.memory_space<hbm>> -> memref<50x100xi32, #tpu.memory_space<hbm>>
      %dma_start3A_42 = arith.constant 0 : i32
      %dma_start3A_43 = arith.constant 0 : i32
      %dma_start3A_44 = tpu.memref_slice %arg3[%add3A, %run_scoped3A_17, %dma_start3A_42, %dma_start3A_43] : memref<32x2x50x100xi32, #tpu.memory_space<hbm>> -> memref<1x1x50x100xi32, #tpu.memory_space<hbm>>
      %dma_start3A_45 = tpu.memref_squeeze %dma_start3A_44 : memref<1x1x50x100xi32, #tpu.memory_space<hbm>> -> memref<50x100xi32, #tpu.memory_space<hbm>>
      tpu.enqueue_dma source(%dma_start3A_45 : memref<50x100xi32, #tpu.memory_space<hbm>>) target(%arg8 : memref<50x100xi32, #tpu.memory_space<vmem>>) target_semaphore(%run_scoped3A_37 : memref<!tpu.dma_semaphore, #tpu.memory_space<semaphore_mem>>)
      %dma_wait3A = arith.constant 0 : i32
      %dma_wait3A_46 = arith.constant 0 : i32
      %dma_wait3A_47 = tpu.memref_slice %arg3[%add3A, %run_scoped3A_17, %dma_wait3A, %dma_wait3A_46] : memref<32x2x50x100xi32, #tpu.memory_space<hbm>> -> memref<1x1x50x100xi32, #tpu.memory_space<hbm>>
      %dma_wait3A_48 = tpu.memref_squeeze %dma_wait3A_47 : memref<1x1x50x100xi32, #tpu.memory_space<hbm>> -> memref<50x100xi32, #tpu.memory_space<hbm>>
      %dma_wait3A_49 = arith.constant 0 : i32
      %dma_wait3A_50 = arith.constant 0 : i32
      %dma_wait3A_51 = tpu.memref_slice %arg3[%add3A, %run_scoped3A_17, %dma_wait3A_49, %dma_wait3A_50] : memref<32x2x50x100xi32, #tpu.memory_space<hbm>> -> memref<1x1x50x100xi32, #tpu.memory_space<hbm>>
      %dma_wait3A_52 = tpu.memref_squeeze %dma_wait3A_51 : memref<1x1x50x100xi32, #tpu.memory_space<hbm>> -> memref<50x100xi32, #tpu.memory_space<hbm>>
      tpu.wait_dma2 semaphore(%run_scoped3A_37 : memref<!tpu.dma_semaphore, #tpu.memory_space<semaphore_mem>>) src(%dma_wait3A_52 : memref<50x100xi32, #tpu.memory_space<hbm>>) dst(%arg8 : memref<50x100xi32, #tpu.memory_space<vmem>>)
      tpu.yield
    }) : () -> ()
    %run_scoped3A_18 = arith.constant 1 : i32
    "tpu.region"() ({
      %run_scoped3A_37 = tpu.sem_alloc : memref<!tpu.dma_semaphore, #tpu.memory_space<semaphore_mem>>
      %dma_start3A_38 = arith.constant 0 : i32
      %dma_start3A_39 = arith.constant 0 : i32
      %dma_start3A_40 = tpu.memref_slice %arg4[%add3A, %run_scoped3A_18, %dma_start3A_38, %dma_start3A_39] : memref<32x2x50x100xi32, #tpu.memory_space<hbm>> -> memref<1x1x50x100xi32, #tpu.memory_space<hbm>>
      %dma_start3A_41 = tpu.memref_squeeze %dma_start3A_40 : memref<1x1x50x100xi32, #tpu.memory_space<hbm>> -> memref<50x100xi32, #tpu.memory_space<hbm>>
      %dma_start3A_42 = arith.constant 0 : i32
      %dma_start3A_43 = arith.constant 0 : i32
      %dma_start3A_44 = tpu.memref_slice %arg4[%add3A, %run_scoped3A_18, %dma_start3A_42, %dma_start3A_43] : memref<32x2x50x100xi32, #tpu.memory_space<hbm>> -> memref<1x1x50x100xi32, #tpu.memory_space<hbm>>
      %dma_start3A_45 = tpu.memref_squeeze %dma_start3A_44 : memref<1x1x50x100xi32, #tpu.memory_space<hbm>> -> memref<50x100xi32, #tpu.memory_space<hbm>>
      tpu.enqueue_dma source(%dma_start3A_45 : memref<50x100xi32, #tpu.memory_space<hbm>>) target(%arg9 : memref<50x100xi32, #tpu.memory_space<vmem>>) target_semaphore(%run_scoped3A_37 : memref<!tpu.dma_semaphore, #tpu.memory_space<semaphore_mem>>)
      %dma_wait3A = arith.constant 0 : i32
      %dma_wait3A_46 = arith.constant 0 : i32
      %dma_wait3A_47 = tpu.memref_slice %arg4[%add3A, %run_scoped3A_18, %dma_wait3A, %dma_wait3A_46] : memref<32x2x50x100xi32, #tpu.memory_space<hbm>> -> memref<1x1x50x100xi32, #tpu.memory_space<hbm>>
      %dma_wait3A_48 = tpu.memref_squeeze %dma_wait3A_47 : memref<1x1x50x100xi32, #tpu.memory_space<hbm>> -> memref<50x100xi32, #tpu.memory_space<hbm>>
      %dma_wait3A_49 = arith.constant 0 : i32
      %dma_wait3A_50 = arith.constant 0 : i32
      %dma_wait3A_51 = tpu.memref_slice %arg4[%add3A, %run_scoped3A_18, %dma_wait3A_49, %dma_wait3A_50] : memref<32x2x50x100xi32, #tpu.memory_space<hbm>> -> memref<1x1x50x100xi32, #tpu.memory_space<hbm>>
      %dma_wait3A_52 = tpu.memref_squeeze %dma_wait3A_51 : memref<1x1x50x100xi32, #tpu.memory_space<hbm>> -> memref<50x100xi32, #tpu.memory_space<hbm>>
      tpu.wait_dma2 semaphore(%run_scoped3A_37 : memref<!tpu.dma_semaphore, #tpu.memory_space<semaphore_mem>>) src(%dma_wait3A_52 : memref<50x100xi32, #tpu.memory_space<hbm>>) dst(%arg9 : memref<50x100xi32, #tpu.memory_space<vmem>>)
      tpu.yield
    }) : () -> ()
    %dma_start3A_19 = arith.constant 0 : i32
    %dma_start3A_20 = arith.constant 0 : i32
    %dma_start3A_21 = tpu.memref_slice %arg8[%dma_start3A_19, %dma_start3A_20] : memref<50x100xi32, #tpu.memory_space<vmem>> -> memref<1x100xi32, #tpu.memory_space<vmem>>
    %dma_start3A_22 = tpu.memref_squeeze %dma_start3A_21 : memref<1x100xi32, #tpu.memory_space<vmem>> -> memref<100xi32, #tpu.memory_space<vmem>>
    %dma_start3A_23 = arith.constant 0 : i32
    %dma_start3A_24 = arith.constant 0 : i32
    %dma_start3A_25 = tpu.memref_slice %arg2[%dma_start3A_23, %dma_start3A_24] : memref<10000x128xf32, #tpu.memory_space<hbm>> -> memref<10000x128xf32, #tpu.memory_space<hbm>>
    tpu.enqueue_indirect_dma source(%dma_start3A_25 : memref<10000x128xf32, #tpu.memory_space<hbm>>) target(%arg10 : memref<100x128xf32, #tpu.memory_space<vmem>>) offsets(%dma_start3A_22 : memref<100xi32, #tpu.memory_space<vmem>>) semaphore(%arg12 : memref<!tpu.dma_semaphore, #tpu.memory_space<semaphore_mem>>)
    %scan3A_26 = arith.constant 0 : i32
    %scan3A_27 = arith.constant 0 : i32
    %scan3A_28 = arith.constant 25 : i32
    %scan3A_29 = arith.addi %scan3A_27, %scan3A_28 : i32
    %scan3A_30 = arith.constant 1 : i32
    scf.for %scan3A_37 = %scan3A_27 to %scan3A_29 step %scan3A_30  : i32 {
      %mul3A_38 = arith.constant 2 : i32
      %mul3A_39 = arith.muli %mul3A_38, %scan3A_37 : i32
      %add3A_40 = arith.constant 1 : i32
      %add3A_41 = arith.addi %mul3A_39, %add3A_40 : i32
      %dma_start3A_42 = arith.constant 0 : i32
      %dma_start3A_43 = tpu.memref_slice %arg8[%add3A_41, %dma_start3A_42] : memref<50x100xi32, #tpu.memory_space<vmem>> -> memref<1x100xi32, #tpu.memory_space<vmem>>
      %dma_start3A_44 = tpu.memref_squeeze %dma_start3A_43 : memref<1x100xi32, #tpu.memory_space<vmem>> -> memref<100xi32, #tpu.memory_space<vmem>>
      %dma_start3A_45 = arith.constant 0 : i32
      %dma_start3A_46 = arith.constant 0 : i32
      %dma_start3A_47 = tpu.memref_slice %arg2[%dma_start3A_45, %dma_start3A_46] : memref<10000x128xf32, #tpu.memory_space<hbm>> -> memref<10000x128xf32, #tpu.memory_space<hbm>>
      tpu.enqueue_indirect_dma source(%dma_start3A_47 : memref<10000x128xf32, #tpu.memory_space<hbm>>) target(%arg11 : memref<100x128xf32, #tpu.memory_space<vmem>>) offsets(%dma_start3A_44 : memref<100xi32, #tpu.memory_space<vmem>>) semaphore(%arg13 : memref<!tpu.dma_semaphore, #tpu.memory_space<semaphore_mem>>)
      %dma_wait3A = arith.constant 0 : i32
      %dma_wait3A_48 = arith.constant 0 : i32
      %dma_wait3A_49 = tpu.memref_slice %arg8[%dma_wait3A, %dma_wait3A_48] : memref<50x100xi32, #tpu.memory_space<vmem>> -> memref<1x100xi32, #tpu.memory_space<vmem>>
      %dma_wait3A_50 = tpu.memref_squeeze %dma_wait3A_49 : memref<1x100xi32, #tpu.memory_space<vmem>> -> memref<100xi32, #tpu.memory_space<vmem>>
      %dma_wait3A_51 = arith.constant 0 : i32
      %dma_wait3A_52 = arith.constant 0 : i32
      %dma_wait3A_53 = tpu.memref_slice %arg2[%dma_wait3A_51, %dma_wait3A_52] : memref<10000x128xf32, #tpu.memory_space<hbm>> -> memref<10000x128xf32, #tpu.memory_space<hbm>>
      tpu.wait_indirect_dma semaphore(%arg12 : memref<!tpu.dma_semaphore, #tpu.memory_space<semaphore_mem>>) src(%dma_wait3A_53 : memref<10000x128xf32, #tpu.memory_space<hbm>>) dst(%arg10 : memref<100x128xf32, #tpu.memory_space<vmem>>)
      %mul3A_54 = arith.constant 2 : i32
      %mul3A_55 = arith.muli %mul3A_54, %scan3A_37 : i32
      "tpu.region"() ({
        %run_scoped3A_69 = tpu.sem_alloc : memref<!tpu.dma_semaphore, #tpu.memory_space<semaphore_mem>>
        %dma_start3A_70 = arith.constant 0 : i32
        %dma_start3A_71 = tpu.memref_slice %arg9[%mul3A_55, %dma_start3A_70] : memref<50x100xi32, #tpu.memory_space<vmem>> -> memref<1x100xi32, #tpu.memory_space<vmem>>
        %dma_start3A_72 = tpu.memref_squeeze %dma_start3A_71 : memref<1x100xi32, #tpu.memory_space<vmem>> -> memref<100xi32, #tpu.memory_space<vmem>>
        %dma_start3A_73 = arith.constant 0 : i32
        %dma_start3A_74 = arith.constant 0 : i32
        %dma_start3A_75 = tpu.memref_slice %arg7[%dma_start3A_73, %dma_start3A_74] : memref<10112x128xf32, #tpu.memory_space<vmem_shared>> -> memref<10112x128xf32, #tpu.memory_space<vmem_shared>>
        tpu.enqueue_indirect_dma source(%arg10 : memref<100x128xf32, #tpu.memory_space<vmem>>) target(%dma_start3A_75 : memref<10112x128xf32, #tpu.memory_space<vmem_shared>>) offsets(%dma_start3A_72 : memref<100xi32, #tpu.memory_space<vmem>>) semaphore(%run_scoped3A_69 : memref<!tpu.dma_semaphore, #tpu.memory_space<semaphore_mem>>) {add = true}
        %dma_wait3A_76 = arith.constant 0 : i32
        %dma_wait3A_77 = tpu.memref_slice %arg9[%mul3A_55, %dma_wait3A_76] : memref<50x100xi32, #tpu.memory_space<vmem>> -> memref<1x100xi32, #tpu.memory_space<vmem>>
        %dma_wait3A_78 = tpu.memref_squeeze %dma_wait3A_77 : memref<1x100xi32, #tpu.memory_space<vmem>> -> memref<100xi32, #tpu.memory_space<vmem>>
        %dma_wait3A_79 = arith.constant 0 : i32
        %dma_wait3A_80 = arith.constant 0 : i32
        %dma_wait3A_81 = tpu.memref_slice %arg7[%dma_wait3A_79, %dma_wait3A_80] : memref<10112x128xf32, #tpu.memory_space<vmem_shared>> -> memref<10112x128xf32, #tpu.memory_space<vmem_shared>>
        tpu.wait_indirect_dma semaphore(%run_scoped3A_69 : memref<!tpu.dma_semaphore, #tpu.memory_space<semaphore_mem>>) src(%arg10 : memref<100x128xf32, #tpu.memory_space<vmem>>) dst(%dma_wait3A_81 : memref<10112x128xf32, #tpu.memory_space<vmem_shared>>)
        tpu.yield
      }) : () -> ()
      %lt3A = arith.constant 24 : i32
      %lt3A_56 = arith.cmpi slt, %scan3A_37, %lt3A : i32
      %convert_element_type3A = arith.extui %lt3A_56 : i1 to i32
      %cond3A = arith.constant 0 : i32
      %cond3A_57 = arith.cmpi ne, %convert_element_type3A, %cond3A : i32
      scf.if %cond3A_57 {
        %mul3A_69 = arith.constant 2 : i32
        %mul3A_70 = arith.muli %mul3A_69, %scan3A_37 : i32
        %add3A_71 = arith.constant 2 : i32
        %add3A_72 = arith.addi %mul3A_70, %add3A_71 : i32
        %dma_start3A_73 = arith.constant 0 : i32
        %dma_start3A_74 = tpu.memref_slice %arg8[%add3A_72, %dma_start3A_73] : memref<50x100xi32, #tpu.memory_space<vmem>> -> memref<1x100xi32, #tpu.memory_space<vmem>>
        %dma_start3A_75 = tpu.memref_squeeze %dma_start3A_74 : memref<1x100xi32, #tpu.memory_space<vmem>> -> memref<100xi32, #tpu.memory_space<vmem>>
        %dma_start3A_76 = arith.constant 0 : i32
        %dma_start3A_77 = arith.constant 0 : i32
        %dma_start3A_78 = tpu.memref_slice %arg2[%dma_start3A_76, %dma_start3A_77] : memref<10000x128xf32, #tpu.memory_space<hbm>> -> memref<10000x128xf32, #tpu.memory_space<hbm>>
        tpu.enqueue_indirect_dma source(%dma_start3A_78 : memref<10000x128xf32, #tpu.memory_space<hbm>>) target(%arg10 : memref<100x128xf32, #tpu.memory_space<vmem>>) offsets(%dma_start3A_75 : memref<100xi32, #tpu.memory_space<vmem>>) semaphore(%arg12 : memref<!tpu.dma_semaphore, #tpu.memory_space<semaphore_mem>>)
      } else {
      }
      %dma_wait3A_58 = arith.constant 0 : i32
      %dma_wait3A_59 = arith.constant 0 : i32
      %dma_wait3A_60 = tpu.memref_slice %arg8[%dma_wait3A_58, %dma_wait3A_59] : memref<50x100xi32, #tpu.memory_space<vmem>> -> memref<1x100xi32, #tpu.memory_space<vmem>>
      %dma_wait3A_61 = tpu.memref_squeeze %dma_wait3A_60 : memref<1x100xi32, #tpu.memory_space<vmem>> -> memref<100xi32, #tpu.memory_space<vmem>>
      %dma_wait3A_62 = arith.constant 0 : i32
      %dma_wait3A_63 = arith.constant 0 : i32
      %dma_wait3A_64 = tpu.memref_slice %arg2[%dma_wait3A_62, %dma_wait3A_63] : memref<10000x128xf32, #tpu.memory_space<hbm>> -> memref<10000x128xf32, #tpu.memory_space<hbm>>
      tpu.wait_indirect_dma semaphore(%arg13 : memref<!tpu.dma_semaphore, #tpu.memory_space<semaphore_mem>>) src(%dma_wait3A_64 : memref<10000x128xf32, #tpu.memory_space<hbm>>) dst(%arg11 : memref<100x128xf32, #tpu.memory_space<vmem>>)
      %mul3A_65 = arith.constant 2 : i32
      %mul3A_66 = arith.muli %mul3A_65, %scan3A_37 : i32
      %add3A_67 = arith.constant 1 : i32
      %add3A_68 = arith.addi %mul3A_66, %add3A_67 : i32
      "tpu.region"() ({
        %run_scoped3A_69 = tpu.sem_alloc : memref<!tpu.dma_semaphore, #tpu.memory_space<semaphore_mem>>
        %dma_start3A_70 = arith.constant 0 : i32
        %dma_start3A_71 = tpu.memref_slice %arg9[%add3A_68, %dma_start3A_70] : memref<50x100xi32, #tpu.memory_space<vmem>> -> memref<1x100xi32, #tpu.memory_space<vmem>>
        %dma_start3A_72 = tpu.memref_squeeze %dma_start3A_71 : memref<1x100xi32, #tpu.memory_space<vmem>> -> memref<100xi32, #tpu.memory_space<vmem>>
        %dma_start3A_73 = arith.constant 0 : i32
        %dma_start3A_74 = arith.constant 0 : i32
        %dma_start3A_75 = tpu.memref_slice %arg7[%dma_start3A_73, %dma_start3A_74] : memref<10112x128xf32, #tpu.memory_space<vmem_shared>> -> memref<10112x128xf32, #tpu.memory_space<vmem_shared>>
        tpu.enqueue_indirect_dma source(%arg11 : memref<100x128xf32, #tpu.memory_space<vmem>>) target(%dma_start3A_75 : memref<10112x128xf32, #tpu.memory_space<vmem_shared>>) offsets(%dma_start3A_72 : memref<100xi32, #tpu.memory_space<vmem>>) semaphore(%run_scoped3A_69 : memref<!tpu.dma_semaphore, #tpu.memory_space<semaphore_mem>>) {add = true}
        %dma_wait3A_76 = arith.constant 0 : i32
        %dma_wait3A_77 = tpu.memref_slice %arg9[%add3A_68, %dma_wait3A_76] : memref<50x100xi32, #tpu.memory_space<vmem>> -> memref<1x100xi32, #tpu.memory_space<vmem>>
        %dma_wait3A_78 = tpu.memref_squeeze %dma_wait3A_77 : memref<1x100xi32, #tpu.memory_space<vmem>> -> memref<100xi32, #tpu.memory_space<vmem>>
        %dma_wait3A_79 = arith.constant 0 : i32
        %dma_wait3A_80 = arith.constant 0 : i32
        %dma_wait3A_81 = tpu.memref_slice %arg7[%dma_wait3A_79, %dma_wait3A_80] : memref<10112x128xf32, #tpu.memory_space<vmem_shared>> -> memref<10112x128xf32, #tpu.memory_space<vmem_shared>>
        tpu.wait_indirect_dma semaphore(%run_scoped3A_69 : memref<!tpu.dma_semaphore, #tpu.memory_space<semaphore_mem>>) src(%arg11 : memref<100x128xf32, #tpu.memory_space<vmem>>) dst(%dma_wait3A_81 : memref<10112x128xf32, #tpu.memory_space<vmem_shared>>)
        tpu.yield
      }) : () -> ()
    }
    %scan3A_31 = arith.constant 25 : i32
    %barrier3A_32 = arith.constant 0 : index
    tpu.barrier barrier_id(%barrier3A_32)
    %mul3A_33 = arith.constant 632 : i32
    %mul3A_34 = arith.muli %arg1, %mul3A_33 : i32
    %mul3A_35 = arith.constant 632 : i32
    %mul3A_36 = arith.muli %arg1, %mul3A_35 : i32
    "tpu.region"() ({
      %run_scoped3A_37 = tpu.sem_alloc : memref<!tpu.dma_semaphore, #tpu.memory_space<semaphore_mem>>
      %dma_start3A_38 = arith.constant 0 : i32
      %dma_start3A_39 = tpu.memref_slice %arg6[%arg0, %mul3A_36, %dma_start3A_38] : memref<2x10112x128xf32, #tpu.memory_space<hbm>> -> memref<1x632x128xf32, #tpu.memory_space<hbm>>
      %dma_start3A_40 = tpu.memref_squeeze %dma_start3A_39 : memref<1x632x128xf32, #tpu.memory_space<hbm>> -> memref<632x128xf32, #tpu.memory_space<hbm>>
      %dma_start3A_41 = arith.constant 0 : i32
      %dma_start3A_42 = tpu.memref_slice %arg7[%mul3A_34, %dma_start3A_41] : memref<10112x128xf32, #tpu.memory_space<vmem_shared>> -> memref<632x128xf32, #tpu.memory_space<vmem_shared>>
      tpu.enqueue_dma source(%dma_start3A_42 : memref<632x128xf32, #tpu.memory_space<vmem_shared>>) target(%dma_start3A_40 : memref<632x128xf32, #tpu.memory_space<hbm>>) target_semaphore(%run_scoped3A_37 : memref<!tpu.dma_semaphore, #tpu.memory_space<semaphore_mem>>)
      %dma_wait3A = arith.constant 0 : i32
      %dma_wait3A_43 = tpu.memref_slice %arg6[%arg0, %mul3A_36, %dma_wait3A] : memref<2x10112x128xf32, #tpu.memory_space<hbm>> -> memref<1x632x128xf32, #tpu.memory_space<hbm>>
      %dma_wait3A_44 = tpu.memref_squeeze %dma_wait3A_43 : memref<1x632x128xf32, #tpu.memory_space<hbm>> -> memref<632x128xf32, #tpu.memory_space<hbm>>
      %dma_wait3A_45 = arith.constant 0 : i32
      %dma_wait3A_46 = tpu.memref_slice %arg7[%mul3A_34, %dma_wait3A_45] : memref<10112x128xf32, #tpu.memory_space<vmem_shared>> -> memref<632x128xf32, #tpu.memory_space<vmem_shared>>
      tpu.wait_dma2 semaphore(%run_scoped3A_37 : memref<!tpu.dma_semaphore, #tpu.memory_space<semaphore_mem>>) src(%dma_wait3A_46 : memref<632x128xf32, #tpu.memory_space<vmem_shared>>) dst(%dma_wait3A_44 : memref<632x128xf32, #tpu.memory_space<hbm>>)
      tpu.yield
    }) : () -> ()
    return
  }
}

#map = affine_map<(d0, d1) -> (0, 0)>
#map1 = affine_map<(d0, d1) -> (0, 0, 0, 0)>
#map2 = affine_map<(d0, d1) -> (0, 0, 0)>
module attributes {stable_mosaic.version = 14 : i64} {
  func.func @body(%arg0: i32, %arg1: i32, %arg2: memref<10000x128xf32, #tpu.memory_space<hbm>>, %arg3: memref<32x2x50x100xi32, #tpu.memory_space<hbm>>, %arg4: memref<32x2x50x100xi32, #tpu.memory_space<hbm>>, %arg5: memref<10112x128xf32, #tpu.memory_space<hbm>>, %arg6: memref<2x10112x128xf32, #tpu.memory_space<hbm>>, %arg7: memref<10112x128xf32, #tpu.memory_space<vmem_shared>>, %arg8: memref<50x100xi32, #tpu.memory_space<vmem>>, %arg9: memref<50x100xi32, #tpu.memory_space<vmem>>, %arg10: memref<100x128xf32, #tpu.memory_space<vmem>>, %arg11: memref<100x128xf32, #tpu.memory_space<vmem>>, %arg12: memref<!tpu.dma_semaphore, #tpu.memory_space<semaphore_mem>>, %arg13: memref<!tpu.dma_semaphore, #tpu.memory_space<semaphore_mem>>) attributes {dimension_semantics = [#tpu.dimension_semantics<core_parallel>, #tpu.dimension_semantics<subcore_parallel>], iteration_bounds = array<i64: 2, 16>, scalar_prefetch = 0 : i64, scratch_operands = 7 : i64, tpu.core_type = #tpu.core_type<sc_vector_subcore>, window_params = [{transform_indices = #map}, {transform_indices = #map1}, {transform_indices = #map1}, {transform_indices = #map}, {transform_indices = #map2}]} {
    %mul3A = arith.constant 2 : i32
    %mul3A_0 = arith.muli %arg1, %mul3A : i32
    %add3A = arith.addi %mul3A_0, %arg0 : i32
    %mul3A_1 = arith.constant 632 : i32
    %mul3A_2 = arith.muli %arg1, %mul3A_1 : i32
    %mul3A_3 = arith.constant 632 : i32
    %mul3A_4 = arith.muli %arg1, %mul3A_3 : i32
    "tpu.region"() ({
      %run_scoped3A_37 = tpu.sem_alloc : memref<!tpu.dma_semaphore, #tpu.memory_space<semaphore_mem>>
      %dma_start3A_38 = arith.constant 0 : i32
      %dma_start3A_39 = tpu.memref_slice %arg7[%mul3A_4, %dma_start3A_38] : memref<10112x128xf32, #tpu.memory_space<vmem_shared>> -> memref<632x128xf32, #tpu.memory_space<vmem_shared>>
      %dma_start3A_40 = arith.constant 0 : i32
      %dma_start3A_41 = tpu.memref_slice %arg5[%mul3A_2, %dma_start3A_40] : memref<10112x128xf32, #tpu.memory_space<hbm>> -> memref<632x128xf32, #tpu.memory_space<hbm>>
      tpu.enqueue_dma source(%dma_start3A_41 : memref<632x128xf32, #tpu.memory_space<hbm>>) target(%dma_start3A_39 : memref<632x128xf32, #tpu.memory_space<vmem_shared>>) target_semaphore(%run_scoped3A_37 : memref<!tpu.dma_semaphore, #tpu.memory_space<semaphore_mem>>)
      %dma_wait3A = arith.constant 0 : i32
      %dma_wait3A_42 = tpu.memref_slice %arg7[%mul3A_4, %dma_wait3A] : memref<10112x128xf32, #tpu.memory_space<vmem_shared>> -> memref<632x128xf32, #tpu.memory_space<vmem_shared>>
      %dma_wait3A_43 = arith.constant 0 : i32
      %dma_wait3A_44 = tpu.memref_slice %arg5[%mul3A_2, %dma_wait3A_43] : memref<10112x128xf32, #tpu.memory_space<hbm>> -> memref<632x128xf32, #tpu.memory_space<hbm>>
      tpu.wait_dma2 semaphore(%run_scoped3A_37 : memref<!tpu.dma_semaphore, #tpu.memory_space<semaphore_mem>>) src(%dma_wait3A_44 : memref<632x128xf32, #tpu.memory_space<hbm>>) dst(%dma_wait3A_42 : memref<632x128xf32, #tpu.memory_space<vmem_shared>>)
      tpu.yield
    }) : () -> ()
    %barrier3A = arith.constant 0 : index
    tpu.barrier barrier_id(%barrier3A)
    %run_scoped3A = arith.constant 0 : i32
    "tpu.region"() ({
      %run_scoped3A_37 = tpu.sem_alloc : memref<!tpu.dma_semaphore, #tpu.memory_space<semaphore_mem>>
      %dma_start3A_38 = arith.constant 0 : i32
      %dma_start3A_39 = arith.constant 0 : i32
      %dma_start3A_40 = tpu.memref_slice %arg3[%add3A, %run_scoped3A, %dma_start3A_38, %dma_start3A_39] : memref<32x2x50x100xi32, #tpu.memory_space<hbm>> -> memref<1x1x50x100xi32, #tpu.memory_space<hbm>>
      %dma_start3A_41 = tpu.memref_squeeze %dma_start3A_40 : memref<1x1x50x100xi32, #tpu.memory_space<hbm>> -> memref<50x100xi32, #tpu.memory_space<hbm>>
      %dma_start3A_42 = arith.constant 0 : i32
      %dma_start3A_43 = arith.constant 0 : i32
      %dma_start3A_44 = tpu.memref_slice %arg3[%add3A, %run_scoped3A, %dma_start3A_42, %dma_start3A_43] : memref<32x2x50x100xi32, #tpu.memory_space<hbm>> -> memref<1x1x50x100xi32, #tpu.memory_space<hbm>>
      %dma_start3A_45 = tpu.memref_squeeze %dma_start3A_44 : memref<1x1x50x100xi32, #tpu.memory_space<hbm>> -> memref<50x100xi32, #tpu.memory_space<hbm>>
      tpu.enqueue_dma source(%dma_start3A_45 : memref<50x100xi32, #tpu.memory_space<hbm>>) target(%arg8 : memref<50x100xi32, #tpu.memory_space<vmem>>) target_semaphore(%run_scoped3A_37 : memref<!tpu.dma_semaphore, #tpu.memory_space<semaphore_mem>>)
      %dma_wait3A = arith.constant 0 : i32
      %dma_wait3A_46 = arith.constant 0 : i32
      %dma_wait3A_47 = tpu.memref_slice %arg3[%add3A, %run_scoped3A, %dma_wait3A, %dma_wait3A_46] : memref<32x2x50x100xi32, #tpu.memory_space<hbm>> -> memref<1x1x50x100xi32, #tpu.memory_space<hbm>>
      %dma_wait3A_48 = tpu.memref_squeeze %dma_wait3A_47 : memref<1x1x50x100xi32, #tpu.memory_space<hbm>> -> memref<50x100xi32, #tpu.memory_space<hbm>>
      %dma_wait3A_49 = arith.constant 0 : i32
      %dma_wait3A_50 = arith.constant 0 : i32
      %dma_wait3A_51 = tpu.memref_slice %arg3[%add3A, %run_scoped3A, %dma_wait3A_49, %dma_wait3A_50] : memref<32x2x50x100xi32, #tpu.memory_space<hbm>> -> memref<1x1x50x100xi32, #tpu.memory_space<hbm>>
      %dma_wait3A_52 = tpu.memref_squeeze %dma_wait3A_51 : memref<1x1x50x100xi32, #tpu.memory_space<hbm>> -> memref<50x100xi32, #tpu.memory_space<hbm>>
      tpu.wait_dma2 semaphore(%run_scoped3A_37 : memref<!tpu.dma_semaphore, #tpu.memory_space<semaphore_mem>>) src(%dma_wait3A_52 : memref<50x100xi32, #tpu.memory_space<hbm>>) dst(%arg8 : memref<50x100xi32, #tpu.memory_space<vmem>>)
      tpu.yield
    }) : () -> ()
    %run_scoped3A_5 = arith.constant 0 : i32
    "tpu.region"() ({
      %run_scoped3A_37 = tpu.sem_alloc : memref<!tpu.dma_semaphore, #tpu.memory_space<semaphore_mem>>
      %dma_start3A_38 = arith.constant 0 : i32
      %dma_start3A_39 = arith.constant 0 : i32
      %dma_start3A_40 = tpu.memref_slice %arg4[%add3A, %run_scoped3A_5, %dma_start3A_38, %dma_start3A_39] : memref<32x2x50x100xi32, #tpu.memory_space<hbm>> -> memref<1x1x50x100xi32, #tpu.memory_space<hbm>>
      %dma_start3A_41 = tpu.memref_squeeze %dma_start3A_40 : memref<1x1x50x100xi32, #tpu.memory_space<hbm>> -> memref<50x100xi32, #tpu.memory_space<hbm>>
      %dma_start3A_42 = arith.constant 0 : i32
      %dma_start3A_43 = arith.constant 0 : i32
      %dma_start3A_44 = tpu.memref_slice %arg4[%add3A, %run_scoped3A_5, %dma_start3A_42, %dma_start3A_43] : memref<32x2x50x100xi32, #tpu.memory_space<hbm>> -> memref<1x1x50x100xi32, #tpu.memory_space<hbm>>
      %dma_start3A_45 = tpu.memref_squeeze %dma_start3A_44 : memref<1x1x50x100xi32, #tpu.memory_space<hbm>> -> memref<50x100xi32, #tpu.memory_space<hbm>>
      tpu.enqueue_dma source(%dma_start3A_45 : memref<50x100xi32, #tpu.memory_space<hbm>>) target(%arg9 : memref<50x100xi32, #tpu.memory_space<vmem>>) target_semaphore(%run_scoped3A_37 : memref<!tpu.dma_semaphore, #tpu.memory_space<semaphore_mem>>)
      %dma_wait3A = arith.constant 0 : i32
      %dma_wait3A_46 = arith.constant 0 : i32
      %dma_wait3A_47 = tpu.memref_slice %arg4[%add3A, %run_scoped3A_5, %dma_wait3A, %dma_wait3A_46] : memref<32x2x50x100xi32, #tpu.memory_space<hbm>> -> memref<1x1x50x100xi32, #tpu.memory_space<hbm>>
      %dma_wait3A_48 = tpu.memref_squeeze %dma_wait3A_47 : memref<1x1x50x100xi32, #tpu.memory_space<hbm>> -> memref<50x100xi32, #tpu.memory_space<hbm>>
      %dma_wait3A_49 = arith.constant 0 : i32
      %dma_wait3A_50 = arith.constant 0 : i32
      %dma_wait3A_51 = tpu.memref_slice %arg4[%add3A, %run_scoped3A_5, %dma_wait3A_49, %dma_wait3A_50] : memref<32x2x50x100xi32, #tpu.memory_space<hbm>> -> memref<1x1x50x100xi32, #tpu.memory_space<hbm>>
      %dma_wait3A_52 = tpu.memref_squeeze %dma_wait3A_51 : memref<1x1x50x100xi32, #tpu.memory_space<hbm>> -> memref<50x100xi32, #tpu.memory_space<hbm>>
      tpu.wait_dma2 semaphore(%run_scoped3A_37 : memref<!tpu.dma_semaphore, #tpu.memory_space<semaphore_mem>>) src(%dma_wait3A_52 : memref<50x100xi32, #tpu.memory_space<hbm>>) dst(%arg9 : memref<50x100xi32, #tpu.memory_space<vmem>>)
      tpu.yield
    }) : () -> ()
    %dma_start3A = arith.constant 0 : i32
    %dma_start3A_6 = arith.constant 0 : i32
    %dma_start3A_7 = tpu.memref_slice %arg8[%dma_start3A, %dma_start3A_6] : memref<50x100xi32, #tpu.memory_space<vmem>> -> memref<1x100xi32, #tpu.memory_space<vmem>>
    %dma_start3A_8 = tpu.memref_squeeze %dma_start3A_7 : memref<1x100xi32, #tpu.memory_space<vmem>> -> memref<100xi32, #tpu.memory_space<vmem>>
    %dma_start3A_9 = arith.constant 0 : i32
    %dma_start3A_10 = arith.constant 0 : i32
    %dma_start3A_11 = tpu.memref_slice %arg2[%dma_start3A_9, %dma_start3A_10] : memref<10000x128xf32, #tpu.memory_space<hbm>> -> memref<10000x128xf32, #tpu.memory_space<hbm>>
    tpu.enqueue_indirect_dma source(%dma_start3A_11 : memref<10000x128xf32, #tpu.memory_space<hbm>>) target(%arg10 : memref<100x128xf32, #tpu.memory_space<vmem>>) offsets(%dma_start3A_8 : memref<100xi32, #tpu.memory_space<vmem>>) semaphore(%arg12 : memref<!tpu.dma_semaphore, #tpu.memory_space<semaphore_mem>>)
    %scan3A = arith.constant 0 : i32
    %scan3A_12 = arith.constant 0 : i32
    %scan3A_13 = arith.constant 25 : i32
    %scan3A_14 = arith.addi %scan3A_12, %scan3A_13 : i32
    %scan3A_15 = arith.constant 1 : i32
    scf.for %scan3A_37 = %scan3A_12 to %scan3A_14 step %scan3A_15  : i32 {
      %mul3A_38 = arith.constant 2 : i32
      %mul3A_39 = arith.muli %mul3A_38, %scan3A_37 : i32
      %add3A_40 = arith.constant 1 : i32
      %add3A_41 = arith.addi %mul3A_39, %add3A_40 : i32
      %dma_start3A_42 = arith.constant 0 : i32
      %dma_start3A_43 = tpu.memref_slice %arg8[%add3A_41, %dma_start3A_42] : memref<50x100xi32, #tpu.memory_space<vmem>> -> memref<1x100xi32, #tpu.memory_space<vmem>>
      %dma_start3A_44 = tpu.memref_squeeze %dma_start3A_43 : memref<1x100xi32, #tpu.memory_space<vmem>> -> memref<100xi32, #tpu.memory_space<vmem>>
      %dma_start3A_45 = arith.constant 0 : i32
      %dma_start3A_46 = arith.constant 0 : i32
      %dma_start3A_47 = tpu.memref_slice %arg2[%dma_start3A_45, %dma_start3A_46] : memref<10000x128xf32, #tpu.memory_space<hbm>> -> memref<10000x128xf32, #tpu.memory_space<hbm>>
      tpu.enqueue_indirect_dma source(%dma_start3A_47 : memref<10000x128xf32, #tpu.memory_space<hbm>>) target(%arg11 : memref<100x128xf32, #tpu.memory_space<vmem>>) offsets(%dma_start3A_44 : memref<100xi32, #tpu.memory_space<vmem>>) semaphore(%arg13 : memref<!tpu.dma_semaphore, #tpu.memory_space<semaphore_mem>>)
      %dma_wait3A = arith.constant 0 : i32
      %dma_wait3A_48 = arith.constant 0 : i32
      %dma_wait3A_49 = tpu.memref_slice %arg8[%dma_wait3A, %dma_wait3A_48] : memref<50x100xi32, #tpu.memory_space<vmem>> -> memref<1x100xi32, #tpu.memory_space<vmem>>
      %dma_wait3A_50 = tpu.memref_squeeze %dma_wait3A_49 : memref<1x100xi32, #tpu.memory_space<vmem>> -> memref<100xi32, #tpu.memory_space<vmem>>
      %dma_wait3A_51 = arith.constant 0 : i32
      %dma_wait3A_52 = arith.constant 0 : i32
      %dma_wait3A_53 = tpu.memref_slice %arg2[%dma_wait3A_51, %dma_wait3A_52] : memref<10000x128xf32, #tpu.memory_space<hbm>> -> memref<10000x128xf32, #tpu.memory_space<hbm>>
      tpu.wait_indirect_dma semaphore(%arg12 : memref<!tpu.dma_semaphore, #tpu.memory_space<semaphore_mem>>) src(%dma_wait3A_53 : memref<10000x128xf32, #tpu.memory_space<hbm>>) dst(%arg10 : memref<100x128xf32, #tpu.memory_space<vmem>>)
      %mul3A_54 = arith.constant 2 : i32
      %mul3A_55 = arith.muli %mul3A_54, %scan3A_37 : i32
      "tpu.region"() ({
        %run_scoped3A_69 = tpu.sem_alloc : memref<!tpu.dma_semaphore, #tpu.memory_space<semaphore_mem>>
        %dma_start3A_70 = arith.constant 0 : i32
        %dma_start3A_71 = tpu.memref_slice %arg9[%mul3A_55, %dma_start3A_70] : memref<50x100xi32, #tpu.memory_space<vmem>> -> memref<1x100xi32, #tpu.memory_space<vmem>>
        %dma_start3A_72 = tpu.memref_squeeze %dma_start3A_71 : memref<1x100xi32, #tpu.memory_space<vmem>> -> memref<100xi32, #tpu.memory_space<vmem>>
        %dma_start3A_73 = arith.constant 0 : i32
        %dma_start3A_74 = arith.constant 0 : i32
        %dma_start3A_75 = tpu.memref_slice %arg7[%dma_start3A_73, %dma_start3A_74] : memref<10112x128xf32, #tpu.memory_space<vmem_shared>> -> memref<10112x128xf32, #tpu.memory_space<vmem_shared>>
        tpu.enqueue_indirect_dma source(%arg10 : memref<100x128xf32, #tpu.memory_space<vmem>>) target(%dma_start3A_75 : memref<10112x128xf32, #tpu.memory_space<vmem_shared>>) offsets(%dma_start3A_72 : memref<100xi32, #tpu.memory_space<vmem>>) semaphore(%run_scoped3A_69 : memref<!tpu.dma_semaphore, #tpu.memory_space<semaphore_mem>>) {add = true}
        %dma_wait3A_76 = arith.constant 0 : i32
        %dma_wait3A_77 = tpu.memref_slice %arg9[%mul3A_55, %dma_wait3A_76] : memref<50x100xi32, #tpu.memory_space<vmem>> -> memref<1x100xi32, #tpu.memory_space<vmem>>
        %dma_wait3A_78 = tpu.memref_squeeze %dma_wait3A_77 : memref<1x100xi32, #tpu.memory_space<vmem>> -> memref<100xi32, #tpu.memory_space<vmem>>
        %dma_wait3A_79 = arith.constant 0 : i32
        %dma_wait3A_80 = arith.constant 0 : i32
        %dma_wait3A_81 = tpu.memref_slice %arg7[%dma_wait3A_79, %dma_wait3A_80] : memref<10112x128xf32, #tpu.memory_space<vmem_shared>> -> memref<10112x128xf32, #tpu.memory_space<vmem_shared>>
        tpu.wait_indirect_dma semaphore(%run_scoped3A_69 : memref<!tpu.dma_semaphore, #tpu.memory_space<semaphore_mem>>) src(%arg10 : memref<100x128xf32, #tpu.memory_space<vmem>>) dst(%dma_wait3A_81 : memref<10112x128xf32, #tpu.memory_space<vmem_shared>>)
        tpu.yield
      }) : () -> ()
      %lt3A = arith.constant 24 : i32
      %lt3A_56 = arith.cmpi slt, %scan3A_37, %lt3A : i32
      %convert_element_type3A = arith.extui %lt3A_56 : i1 to i32
      %cond3A = arith.constant 0 : i32
      %cond3A_57 = arith.cmpi ne, %convert_element_type3A, %cond3A : i32
      scf.if %cond3A_57 {
        %mul3A_69 = arith.constant 2 : i32
        %mul3A_70 = arith.muli %mul3A_69, %scan3A_37 : i32
        %add3A_71 = arith.constant 2 : i32
        %add3A_72 = arith.addi %mul3A_70, %add3A_71 : i32
        %dma_start3A_73 = arith.constant 0 : i32
        %dma_start3A_74 = tpu.memref_slice %arg8[%add3A_72, %dma_start3A_73] : memref<50x100xi32, #tpu.memory_space<vmem>> -> memref<1x100xi32, #tpu.memory_space<vmem>>
        %dma_start3A_75 = tpu.memref_squeeze %dma_start3A_74 : memref<1x100xi32, #tpu.memory_space<vmem>> -> memref<100xi32, #tpu.memory_space<vmem>>
        %dma_start3A_76 = arith.constant 0 : i32
        %dma_start3A_77 = arith.constant 0 : i32
        %dma_start3A_78 = tpu.memref_slice %arg2[%dma_start3A_76, %dma_start3A_77] : memref<10000x128xf32, #tpu.memory_space<hbm>> -> memref<10000x128xf32, #tpu.memory_space<hbm>>
        tpu.enqueue_indirect_dma source(%dma_start3A_78 : memref<10000x128xf32, #tpu.memory_space<hbm>>) target(%arg10 : memref<100x128xf32, #tpu.memory_space<vmem>>) offsets(%dma_start3A_75 : memref<100xi32, #tpu.memory_space<vmem>>) semaphore(%arg12 : memref<!tpu.dma_semaphore, #tpu.memory_space<semaphore_mem>>)
      } else {
      }
      %dma_wait3A_58 = arith.constant 0 : i32
      %dma_wait3A_59 = arith.constant 0 : i32
      %dma_wait3A_60 = tpu.memref_slice %arg8[%dma_wait3A_58, %dma_wait3A_59] : memref<50x100xi32, #tpu.memory_space<vmem>> -> memref<1x100xi32, #tpu.memory_space<vmem>>
      %dma_wait3A_61 = tpu.memref_squeeze %dma_wait3A_60 : memref<1x100xi32, #tpu.memory_space<vmem>> -> memref<100xi32, #tpu.memory_space<vmem>>
      %dma_wait3A_62 = arith.constant 0 : i32
      %dma_wait3A_63 = arith.constant 0 : i32
      %dma_wait3A_64 = tpu.memref_slice %arg2[%dma_wait3A_62, %dma_wait3A_63] : memref<10000x128xf32, #tpu.memory_space<hbm>> -> memref<10000x128xf32, #tpu.memory_space<hbm>>
      tpu.wait_indirect_dma semaphore(%arg13 : memref<!tpu.dma_semaphore, #tpu.memory_space<semaphore_mem>>) src(%dma_wait3A_64 : memref<10000x128xf32, #tpu.memory_space<hbm>>) dst(%arg11 : memref<100x128xf32, #tpu.memory_space<vmem>>)
      %mul3A_65 = arith.constant 2 : i32
      %mul3A_66 = arith.muli %mul3A_65, %scan3A_37 : i32
      %add3A_67 = arith.constant 1 : i32
      %add3A_68 = arith.addi %mul3A_66, %add3A_67 : i32
      "tpu.region"() ({
        %run_scoped3A_69 = tpu.sem_alloc : memref<!tpu.dma_semaphore, #tpu.memory_space<semaphore_mem>>
        %dma_start3A_70 = arith.constant 0 : i32
        %dma_start3A_71 = tpu.memref_slice %arg9[%add3A_68, %dma_start3A_70] : memref<50x100xi32, #tpu.memory_space<vmem>> -> memref<1x100xi32, #tpu.memory_space<vmem>>
        %dma_start3A_72 = tpu.memref_squeeze %dma_start3A_71 : memref<1x100xi32, #tpu.memory_space<vmem>> -> memref<100xi32, #tpu.memory_space<vmem>>
        %dma_start3A_73 = arith.constant 0 : i32
        %dma_start3A_74 = arith.constant 0 : i32
        %dma_start3A_75 = tpu.memref_slice %arg7[%dma_start3A_73, %dma_start3A_74] : memref<10112x128xf32, #tpu.memory_space<vmem_shared>> -> memref<10112x128xf32, #tpu.memory_space<vmem_shared>>
        tpu.enqueue_indirect_dma source(%arg11 : memref<100x128xf32, #tpu.memory_space<vmem>>) target(%dma_start3A_75 : memref<10112x128xf32, #tpu.memory_space<vmem_shared>>) offsets(%dma_start3A_72 : memref<100xi32, #tpu.memory_space<vmem>>) semaphore(%run_scoped3A_69 : memref<!tpu.dma_semaphore, #tpu.memory_space<semaphore_mem>>) {add = true}
        %dma_wait3A_76 = arith.constant 0 : i32
        %dma_wait3A_77 = tpu.memref_slice %arg9[%add3A_68, %dma_wait3A_76] : memref<50x100xi32, #tpu.memory_space<vmem>> -> memref<1x100xi32, #tpu.memory_space<vmem>>
        %dma_wait3A_78 = tpu.memref_squeeze %dma_wait3A_77 : memref<1x100xi32, #tpu.memory_space<vmem>> -> memref<100xi32, #tpu.memory_space<vmem>>
        %dma_wait3A_79 = arith.constant 0 : i32
        %dma_wait3A_80 = arith.constant 0 : i32
        %dma_wait3A_81 = tpu.memref_slice %arg7[%dma_wait3A_79, %dma_wait3A_80] : memref<10112x128xf32, #tpu.memory_space<vmem_shared>> -> memref<10112x128xf32, #tpu.memory_space<vmem_shared>>
        tpu.wait_indirect_dma semaphore(%run_scoped3A_69 : memref<!tpu.dma_semaphore, #tpu.memory_space<semaphore_mem>>) src(%arg11 : memref<100x128xf32, #tpu.memory_space<vmem>>) dst(%dma_wait3A_81 : memref<10112x128xf32, #tpu.memory_space<vmem_shared>>)
        tpu.yield
      }) : () -> ()
    }
    %scan3A_16 = arith.constant 25 : i32
    %run_scoped3A_17 = arith.constant 1 : i32
    "tpu.region"() ({
      %run_scoped3A_37 = tpu.sem_alloc : memref<!tpu.dma_semaphore, #tpu.memory_space<semaphore_mem>>
      %dma_start3A_38 = arith.constant 0 : i32
      %dma_start3A_39 = arith.constant 0 : i32
      %dma_start3A_40 = tpu.memref_slice %arg3[%add3A, %run_scoped3A_17, %dma_start3A_38, %dma_start3A_39] : memref<32x2x50x100xi32, #tpu.memory_space<hbm>> -> memref<1x1x50x100xi32, #tpu.memory_space<hbm>>
      %dma_start3A_41 = tpu.memref_squeeze %dma_start3A_40 : memref<1x1x50x100xi32, #tpu.memory_space<hbm>> -> memref<50x100xi32, #tpu.memory_space<hbm>>
      %dma_start3A_42 = arith.constant 0 : i32
      %dma_start3A_43 = arith.constant 0 : i32
      %dma_start3A_44 = tpu.memref_slice %arg3[%add3A, %run_scoped3A_17, %dma_start3A_42, %dma_start3A_43] : memref<32x2x50x100xi32, #tpu.memory_space<hbm>> -> memref<1x1x50x100xi32, #tpu.memory_space<hbm>>
      %dma_start3A_45 = tpu.memref_squeeze %dma_start3A_44 : memref<1x1x50x100xi32, #tpu.memory_space<hbm>> -> memref<50x100xi32, #tpu.memory_space<hbm>>
      tpu.enqueue_dma source(%dma_start3A_45 : memref<50x100xi32, #tpu.memory_space<hbm>>) target(%arg8 : memref<50x100xi32, #tpu.memory_space<vmem>>) target_semaphore(%run_scoped3A_37 : memref<!tpu.dma_semaphore, #tpu.memory_space<semaphore_mem>>)
      %dma_wait3A = arith.constant 0 : i32
      %dma_wait3A_46 = arith.constant 0 : i32
      %dma_wait3A_47 = tpu.memref_slice %arg3[%add3A, %run_scoped3A_17, %dma_wait3A, %dma_wait3A_46] : memref<32x2x50x100xi32, #tpu.memory_space<hbm>> -> memref<1x1x50x100xi32, #tpu.memory_space<hbm>>
      %dma_wait3A_48 = tpu.memref_squeeze %dma_wait3A_47 : memref<1x1x50x100xi32, #tpu.memory_space<hbm>> -> memref<50x100xi32, #tpu.memory_space<hbm>>
      %dma_wait3A_49 = arith.constant 0 : i32
      %dma_wait3A_50 = arith.constant 0 : i32
      %dma_wait3A_51 = tpu.memref_slice %arg3[%add3A, %run_scoped3A_17, %dma_wait3A_49, %dma_wait3A_50] : memref<32x2x50x100xi32, #tpu.memory_space<hbm>> -> memref<1x1x50x100xi32, #tpu.memory_space<hbm>>
      %dma_wait3A_52 = tpu.memref_squeeze %dma_wait3A_51 : memref<1x1x50x100xi32, #tpu.memory_space<hbm>> -> memref<50x100xi32, #tpu.memory_space<hbm>>
      tpu.wait_dma2 semaphore(%run_scoped3A_37 : memref<!tpu.dma_semaphore, #tpu.memory_space<semaphore_mem>>) src(%dma_wait3A_52 : memref<50x100xi32, #tpu.memory_space<hbm>>) dst(%arg8 : memref<50x100xi32, #tpu.memory_space<vmem>>)
      tpu.yield
    }) : () -> ()
    %run_scoped3A_18 = arith.constant 1 : i32
    "tpu.region"() ({
      %run_scoped3A_37 = tpu.sem_alloc : memref<!tpu.dma_semaphore, #tpu.memory_space<semaphore_mem>>
      %dma_start3A_38 = arith.constant 0 : i32
      %dma_start3A_39 = arith.constant 0 : i32
      %dma_start3A_40 = tpu.memref_slice %arg4[%add3A, %run_scoped3A_18, %dma_start3A_38, %dma_start3A_39] : memref<32x2x50x100xi32, #tpu.memory_space<hbm>> -> memref<1x1x50x100xi32, #tpu.memory_space<hbm>>
      %dma_start3A_41 = tpu.memref_squeeze %dma_start3A_40 : memref<1x1x50x100xi32, #tpu.memory_space<hbm>> -> memref<50x100xi32, #tpu.memory_space<hbm>>
      %dma_start3A_42 = arith.constant 0 : i32
      %dma_start3A_43 = arith.constant 0 : i32
      %dma_start3A_44 = tpu.memref_slice %arg4[%add3A, %run_scoped3A_18, %dma_start3A_42, %dma_start3A_43] : memref<32x2x50x100xi32, #tpu.memory_space<hbm>> -> memref<1x1x50x100xi32, #tpu.memory_space<hbm>>
      %dma_start3A_45 = tpu.memref_squeeze %dma_start3A_44 : memref<1x1x50x100xi32, #tpu.memory_space<hbm>> -> memref<50x100xi32, #tpu.memory_space<hbm>>
      tpu.enqueue_dma source(%dma_start3A_45 : memref<50x100xi32, #tpu.memory_space<hbm>>) target(%arg9 : memref<50x100xi32, #tpu.memory_space<vmem>>) target_semaphore(%run_scoped3A_37 : memref<!tpu.dma_semaphore, #tpu.memory_space<semaphore_mem>>)
      %dma_wait3A = arith.constant 0 : i32
      %dma_wait3A_46 = arith.constant 0 : i32
      %dma_wait3A_47 = tpu.memref_slice %arg4[%add3A, %run_scoped3A_18, %dma_wait3A, %dma_wait3A_46] : memref<32x2x50x100xi32, #tpu.memory_space<hbm>> -> memref<1x1x50x100xi32, #tpu.memory_space<hbm>>
      %dma_wait3A_48 = tpu.memref_squeeze %dma_wait3A_47 : memref<1x1x50x100xi32, #tpu.memory_space<hbm>> -> memref<50x100xi32, #tpu.memory_space<hbm>>
      %dma_wait3A_49 = arith.constant 0 : i32
      %dma_wait3A_50 = arith.constant 0 : i32
      %dma_wait3A_51 = tpu.memref_slice %arg4[%add3A, %run_scoped3A_18, %dma_wait3A_49, %dma_wait3A_50] : memref<32x2x50x100xi32, #tpu.memory_space<hbm>> -> memref<1x1x50x100xi32, #tpu.memory_space<hbm>>
      %dma_wait3A_52 = tpu.memref_squeeze %dma_wait3A_51 : memref<1x1x50x100xi32, #tpu.memory_space<hbm>> -> memref<50x100xi32, #tpu.memory_space<hbm>>
      tpu.wait_dma2 semaphore(%run_scoped3A_37 : memref<!tpu.dma_semaphore, #tpu.memory_space<semaphore_mem>>) src(%dma_wait3A_52 : memref<50x100xi32, #tpu.memory_space<hbm>>) dst(%arg9 : memref<50x100xi32, #tpu.memory_space<vmem>>)
      tpu.yield
    }) : () -> ()
    %dma_start3A_19 = arith.constant 0 : i32
    %dma_start3A_20 = arith.constant 0 : i32
    %dma_start3A_21 = tpu.memref_slice %arg8[%dma_start3A_19, %dma_start3A_20] : memref<50x100xi32, #tpu.memory_space<vmem>> -> memref<1x100xi32, #tpu.memory_space<vmem>>
    %dma_start3A_22 = tpu.memref_squeeze %dma_start3A_21 : memref<1x100xi32, #tpu.memory_space<vmem>> -> memref<100xi32, #tpu.memory_space<vmem>>
    %dma_start3A_23 = arith.constant 0 : i32
    %dma_start3A_24 = arith.constant 0 : i32
    %dma_start3A_25 = tpu.memref_slice %arg2[%dma_start3A_23, %dma_start3A_24] : memref<10000x128xf32, #tpu.memory_space<hbm>> -> memref<10000x128xf32, #tpu.memory_space<hbm>>
    tpu.enqueue_indirect_dma source(%dma_start3A_25 : memref<10000x128xf32, #tpu.memory_space<hbm>>) target(%arg10 : memref<100x128xf32, #tpu.memory_space<vmem>>) offsets(%dma_start3A_22 : memref<100xi32, #tpu.memory_space<vmem>>) semaphore(%arg12 : memref<!tpu.dma_semaphore, #tpu.memory_space<semaphore_mem>>)
    %scan3A_26 = arith.constant 0 : i32
    %scan3A_27 = arith.constant 0 : i32
    %scan3A_28 = arith.constant 25 : i32
    %scan3A_29 = arith.addi %scan3A_27, %scan3A_28 : i32
    %scan3A_30 = arith.constant 1 : i32
    scf.for %scan3A_37 = %scan3A_27 to %scan3A_29 step %scan3A_30  : i32 {
      %mul3A_38 = arith.constant 2 : i32
      %mul3A_39 = arith.muli %mul3A_38, %scan3A_37 : i32
      %add3A_40 = arith.constant 1 : i32
      %add3A_41 = arith.addi %mul3A_39, %add3A_40 : i32
      %dma_start3A_42 = arith.constant 0 : i32
      %dma_start3A_43 = tpu.memref_slice %arg8[%add3A_41, %dma_start3A_42] : memref<50x100xi32, #tpu.memory_space<vmem>> -> memref<1x100xi32, #tpu.memory_space<vmem>>
      %dma_start3A_44 = tpu.memref_squeeze %dma_start3A_43 : memref<1x100xi32, #tpu.memory_space<vmem>> -> memref<100xi32, #tpu.memory_space<vmem>>
      %dma_start3A_45 = arith.constant 0 : i32
      %dma_start3A_46 = arith.constant 0 : i32
      %dma_start3A_47 = tpu.memref_slice %arg2[%dma_start3A_45, %dma_start3A_46] : memref<10000x128xf32, #tpu.memory_space<hbm>> -> memref<10000x128xf32, #tpu.memory_space<hbm>>
      tpu.enqueue_indirect_dma source(%dma_start3A_47 : memref<10000x128xf32, #tpu.memory_space<hbm>>) target(%arg11 : memref<100x128xf32, #tpu.memory_space<vmem>>) offsets(%dma_start3A_44 : memref<100xi32, #tpu.memory_space<vmem>>) semaphore(%arg13 : memref<!tpu.dma_semaphore, #tpu.memory_space<semaphore_mem>>)
      %dma_wait3A = arith.constant 0 : i32
      %dma_wait3A_48 = arith.constant 0 : i32
      %dma_wait3A_49 = tpu.memref_slice %arg8[%dma_wait3A, %dma_wait3A_48] : memref<50x100xi32, #tpu.memory_space<vmem>> -> memref<1x100xi32, #tpu.memory_space<vmem>>
      %dma_wait3A_50 = tpu.memref_squeeze %dma_wait3A_49 : memref<1x100xi32, #tpu.memory_space<vmem>> -> memref<100xi32, #tpu.memory_space<vmem>>
      %dma_wait3A_51 = arith.constant 0 : i32
      %dma_wait3A_52 = arith.constant 0 : i32
      %dma_wait3A_53 = tpu.memref_slice %arg2[%dma_wait3A_51, %dma_wait3A_52] : memref<10000x128xf32, #tpu.memory_space<hbm>> -> memref<10000x128xf32, #tpu.memory_space<hbm>>
      tpu.wait_indirect_dma semaphore(%arg12 : memref<!tpu.dma_semaphore, #tpu.memory_space<semaphore_mem>>) src(%dma_wait3A_53 : memref<10000x128xf32, #tpu.memory_space<hbm>>) dst(%arg10 : memref<100x128xf32, #tpu.memory_space<vmem>>)
      %mul3A_54 = arith.constant 2 : i32
      %mul3A_55 = arith.muli %mul3A_54, %scan3A_37 : i32
      "tpu.region"() ({
        %run_scoped3A_69 = tpu.sem_alloc : memref<!tpu.dma_semaphore, #tpu.memory_space<semaphore_mem>>
        %dma_start3A_70 = arith.constant 0 : i32
        %dma_start3A_71 = tpu.memref_slice %arg9[%mul3A_55, %dma_start3A_70] : memref<50x100xi32, #tpu.memory_space<vmem>> -> memref<1x100xi32, #tpu.memory_space<vmem>>
        %dma_start3A_72 = tpu.memref_squeeze %dma_start3A_71 : memref<1x100xi32, #tpu.memory_space<vmem>> -> memref<100xi32, #tpu.memory_space<vmem>>
        %dma_start3A_73 = arith.constant 0 : i32
        %dma_start3A_74 = arith.constant 0 : i32
        %dma_start3A_75 = tpu.memref_slice %arg7[%dma_start3A_73, %dma_start3A_74] : memref<10112x128xf32, #tpu.memory_space<vmem_shared>> -> memref<10112x128xf32, #tpu.memory_space<vmem_shared>>
        tpu.enqueue_indirect_dma source(%arg10 : memref<100x128xf32, #tpu.memory_space<vmem>>) target(%dma_start3A_75 : memref<10112x128xf32, #tpu.memory_space<vmem_shared>>) offsets(%dma_start3A_72 : memref<100xi32, #tpu.memory_space<vmem>>) semaphore(%run_scoped3A_69 : memref<!tpu.dma_semaphore, #tpu.memory_space<semaphore_mem>>) {add = true}
        %dma_wait3A_76 = arith.constant 0 : i32
        %dma_wait3A_77 = tpu.memref_slice %arg9[%mul3A_55, %dma_wait3A_76] : memref<50x100xi32, #tpu.memory_space<vmem>> -> memref<1x100xi32, #tpu.memory_space<vmem>>
        %dma_wait3A_78 = tpu.memref_squeeze %dma_wait3A_77 : memref<1x100xi32, #tpu.memory_space<vmem>> -> memref<100xi32, #tpu.memory_space<vmem>>
        %dma_wait3A_79 = arith.constant 0 : i32
        %dma_wait3A_80 = arith.constant 0 : i32
        %dma_wait3A_81 = tpu.memref_slice %arg7[%dma_wait3A_79, %dma_wait3A_80] : memref<10112x128xf32, #tpu.memory_space<vmem_shared>> -> memref<10112x128xf32, #tpu.memory_space<vmem_shared>>
        tpu.wait_indirect_dma semaphore(%run_scoped3A_69 : memref<!tpu.dma_semaphore, #tpu.memory_space<semaphore_mem>>) src(%arg10 : memref<100x128xf32, #tpu.memory_space<vmem>>) dst(%dma_wait3A_81 : memref<10112x128xf32, #tpu.memory_space<vmem_shared>>)
        tpu.yield
      }) : () -> ()
      %lt3A = arith.constant 24 : i32
      %lt3A_56 = arith.cmpi slt, %scan3A_37, %lt3A : i32
      %convert_element_type3A = arith.extui %lt3A_56 : i1 to i32
      %cond3A = arith.constant 0 : i32
      %cond3A_57 = arith.cmpi ne, %convert_element_type3A, %cond3A : i32
      scf.if %cond3A_57 {
        %mul3A_69 = arith.constant 2 : i32
        %mul3A_70 = arith.muli %mul3A_69, %scan3A_37 : i32
        %add3A_71 = arith.constant 2 : i32
        %add3A_72 = arith.addi %mul3A_70, %add3A_71 : i32
        %dma_start3A_73 = arith.constant 0 : i32
        %dma_start3A_74 = tpu.memref_slice %arg8[%add3A_72, %dma_start3A_73] : memref<50x100xi32, #tpu.memory_space<vmem>> -> memref<1x100xi32, #tpu.memory_space<vmem>>
        %dma_start3A_75 = tpu.memref_squeeze %dma_start3A_74 : memref<1x100xi32, #tpu.memory_space<vmem>> -> memref<100xi32, #tpu.memory_space<vmem>>
        %dma_start3A_76 = arith.constant 0 : i32
        %dma_start3A_77 = arith.constant 0 : i32
        %dma_start3A_78 = tpu.memref_slice %arg2[%dma_start3A_76, %dma_start3A_77] : memref<10000x128xf32, #tpu.memory_space<hbm>> -> memref<10000x128xf32, #tpu.memory_space<hbm>>
        tpu.enqueue_indirect_dma source(%dma_start3A_78 : memref<10000x128xf32, #tpu.memory_space<hbm>>) target(%arg10 : memref<100x128xf32, #tpu.memory_space<vmem>>) offsets(%dma_start3A_75 : memref<100xi32, #tpu.memory_space<vmem>>) semaphore(%arg12 : memref<!tpu.dma_semaphore, #tpu.memory_space<semaphore_mem>>)
      } else {
      }
      %dma_wait3A_58 = arith.constant 0 : i32
      %dma_wait3A_59 = arith.constant 0 : i32
      %dma_wait3A_60 = tpu.memref_slice %arg8[%dma_wait3A_58, %dma_wait3A_59] : memref<50x100xi32, #tpu.memory_space<vmem>> -> memref<1x100xi32, #tpu.memory_space<vmem>>
      %dma_wait3A_61 = tpu.memref_squeeze %dma_wait3A_60 : memref<1x100xi32, #tpu.memory_space<vmem>> -> memref<100xi32, #tpu.memory_space<vmem>>
      %dma_wait3A_62 = arith.constant 0 : i32
      %dma_wait3A_63 = arith.constant 0 : i32
      %dma_wait3A_64 = tpu.memref_slice %arg2[%dma_wait3A_62, %dma_wait3A_63] : memref<10000x128xf32, #tpu.memory_space<hbm>> -> memref<10000x128xf32, #tpu.memory_space<hbm>>
      tpu.wait_indirect_dma semaphore(%arg13 : memref<!tpu.dma_semaphore, #tpu.memory_space<semaphore_mem>>) src(%dma_wait3A_64 : memref<10000x128xf32, #tpu.memory_space<hbm>>) dst(%arg11 : memref<100x128xf32, #tpu.memory_space<vmem>>)
      %mul3A_65 = arith.constant 2 : i32
      %mul3A_66 = arith.muli %mul3A_65, %scan3A_37 : i32
      %add3A_67 = arith.constant 1 : i32
      %add3A_68 = arith.addi %mul3A_66, %add3A_67 : i32
      "tpu.region"() ({
        %run_scoped3A_69 = tpu.sem_alloc : memref<!tpu.dma_semaphore, #tpu.memory_space<semaphore_mem>>
        %dma_start3A_70 = arith.constant 0 : i32
        %dma_start3A_71 = tpu.memref_slice %arg9[%add3A_68, %dma_start3A_70] : memref<50x100xi32, #tpu.memory_space<vmem>> -> memref<1x100xi32, #tpu.memory_space<vmem>>
        %dma_start3A_72 = tpu.memref_squeeze %dma_start3A_71 : memref<1x100xi32, #tpu.memory_space<vmem>> -> memref<100xi32, #tpu.memory_space<vmem>>
        %dma_start3A_73 = arith.constant 0 : i32
        %dma_start3A_74 = arith.constant 0 : i32
        %dma_start3A_75 = tpu.memref_slice %arg7[%dma_start3A_73, %dma_start3A_74] : memref<10112x128xf32, #tpu.memory_space<vmem_shared>> -> memref<10112x128xf32, #tpu.memory_space<vmem_shared>>
        tpu.enqueue_indirect_dma source(%arg11 : memref<100x128xf32, #tpu.memory_space<vmem>>) target(%dma_start3A_75 : memref<10112x128xf32, #tpu.memory_space<vmem_shared>>) offsets(%dma_start3A_72 : memref<100xi32, #tpu.memory_space<vmem>>) semaphore(%run_scoped3A_69 : memref<!tpu.dma_semaphore, #tpu.memory_space<semaphore_mem>>) {add = true}
        %dma_wait3A_76 = arith.constant 0 : i32
        %dma_wait3A_77 = tpu.memref_slice %arg9[%add3A_68, %dma_wait3A_76] : memref<50x100xi32, #tpu.memory_space<vmem>> -> memref<1x100xi32, #tpu.memory_space<vmem>>
        %dma_wait3A_78 = tpu.memref_squeeze %dma_wait3A_77 : memref<1x100xi32, #tpu.memory_space<vmem>> -> memref<100xi32, #tpu.memory_space<vmem>>
        %dma_wait3A_79 = arith.constant 0 : i32
        %dma_wait3A_80 = arith.constant 0 : i32
        %dma_wait3A_81 = tpu.memref_slice %arg7[%dma_wait3A_79, %dma_wait3A_80] : memref<10112x128xf32, #tpu.memory_space<vmem_shared>> -> memref<10112x128xf32, #tpu.memory_space<vmem_shared>>
        tpu.wait_indirect_dma semaphore(%run_scoped3A_69 : memref<!tpu.dma_semaphore, #tpu.memory_space<semaphore_mem>>) src(%arg11 : memref<100x128xf32, #tpu.memory_space<vmem>>) dst(%dma_wait3A_81 : memref<10112x128xf32, #tpu.memory_space<vmem_shared>>)
        tpu.yield
      }) : () -> ()
    }
    %scan3A_31 = arith.constant 25 : i32
    %barrier3A_32 = arith.constant 0 : index
    tpu.barrier barrier_id(%barrier3A_32)
    %mul3A_33 = arith.constant 632 : i32
    %mul3A_34 = arith.muli %arg1, %mul3A_33 : i32
    %mul3A_35 = arith.constant 632 : i32
    %mul3A_36 = arith.muli %arg1, %mul3A_35 : i32
    "tpu.region"() ({
      %run_scoped3A_37 = tpu.sem_alloc : memref<!tpu.dma_semaphore, #tpu.memory_space<semaphore_mem>>
      %dma_start3A_38 = arith.constant 0 : i32
      %dma_start3A_39 = tpu.memref_slice %arg6[%arg0, %mul3A_36, %dma_start3A_38] : memref<2x10112x128xf32, #tpu.memory_space<hbm>> -> memref<1x632x128xf32, #tpu.memory_space<hbm>>
      %dma_start3A_40 = tpu.memref_squeeze %dma_start3A_39 : memref<1x632x128xf32, #tpu.memory_space<hbm>> -> memref<632x128xf32, #tpu.memory_space<hbm>>
      %dma_start3A_41 = arith.constant 0 : i32
      %dma_start3A_42 = tpu.memref_slice %arg7[%mul3A_34, %dma_start3A_41] : memref<10112x128xf32, #tpu.memory_space<vmem_shared>> -> memref<632x128xf32, #tpu.memory_space<vmem_shared>>
      tpu.enqueue_dma source(%dma_start3A_42 : memref<632x128xf32, #tpu.memory_space<vmem_shared>>) target(%dma_start3A_40 : memref<632x128xf32, #tpu.memory_space<hbm>>) target_semaphore(%run_scoped3A_37 : memref<!tpu.dma_semaphore, #tpu.memory_space<semaphore_mem>>)
      %dma_wait3A = arith.constant 0 : i32
      %dma_wait3A_43 = tpu.memref_slice %arg6[%arg0, %mul3A_36, %dma_wait3A] : memref<2x10112x128xf32, #tpu.memory_space<hbm>> -> memref<1x632x128xf32, #tpu.memory_space<hbm>>
      %dma_wait3A_44 = tpu.memref_squeeze %dma_wait3A_43 : memref<1x632x128xf32, #tpu.memory_space<hbm>> -> memref<632x128xf32, #tpu.memory_space<hbm>>
      %dma_wait3A_45 = arith.constant 0 : i32
      %dma_wait3A_46 = tpu.memref_slice %arg7[%mul3A_34, %dma_wait3A_45] : memref<10112x128xf32, #tpu.memory_space<vmem_shared>> -> memref<632x128xf32, #tpu.memory_space<vmem_shared>>
      tpu.wait_dma2 semaphore(%run_scoped3A_37 : memref<!tpu.dma_semaphore, #tpu.memory_space<semaphore_mem>>) src(%dma_wait3A_46 : memref<632x128xf32, #tpu.memory_space<vmem_shared>>) dst(%dma_wait3A_44 : memref<632x128xf32, #tpu.memory_space<hbm>>)
      tpu.yield
    }) : () -> ()
    return
  }
}

module attributes {stable_mosaic.version = 14 : i64} {
  func.func @body(%arg0: i32, %arg1: memref<2x2000x128xf32, #tpu.memory_space<vmem>>, %arg2: memref<2x2000x8xf32, #tpu.memory_space<vmem>>, %arg3: memref<2000x128xf32, #tpu.memory_space<vmem>>, %arg4: memref<128x128xf32, #tpu.memory_space<vmem>>, %arg5: memref<128x128xf32, #tpu.memory_space<vmem>>, %arg6: memref<1x128xf32, #tpu.memory_space<vmem>>, %arg7: memref<2000x128xf32, #tpu.memory_space<vmem>>) attributes {dimension_semantics = [#tpu.dimension_semantics<arbitrary>], iteration_bounds = array<i64: 5>, scalar_prefetch = 0 : i64, scratch_operands = 0 : i64, tpu.core_type = #tpu.core_type<tc>, window_params = [{transform_indices = @transform_0, window_bounds = array<i64: 2, 2000, 128>}, {transform_indices = @transform_1, window_bounds = array<i64: 2, 2000, 8>}, {transform_indices = @transform_2, window_bounds = array<i64: 2000, 128>}, {pipeline_mode = #tpu.pipeline_mode<synchronous>, transform_indices = @transform_3, window_bounds = array<i64: 128, 128>}, {pipeline_mode = #tpu.pipeline_mode<synchronous>, transform_indices = @transform_4, window_bounds = array<i64: 128, 128>}, {pipeline_mode = #tpu.pipeline_mode<synchronous>, transform_indices = @transform_5, window_bounds = array<i64: 1, 128>}, {transform_indices = @transform_6, window_bounds = array<i64: 2000, 128>}]} {
    %get3A = arith.constant 0 : index
    %get3A_0 = arith.constant 0 : index
    %get3A_1 = arith.constant 0 : index
    %get3A_2 = vector.load %arg1[%get3A, %get3A_0, %get3A_1] : memref<2x2000x128xf32, #tpu.memory_space<vmem>>, vector<1x2000x128xf32>
    %get3A_3 = vector.shape_cast %get3A_2 : vector<1x2000x128xf32> to vector<2000x128xf32>
    %get3A_4 = arith.constant 1 : index
    %get3A_5 = arith.constant 0 : index
    %get3A_6 = arith.constant 0 : index
    %get3A_7 = vector.load %arg1[%get3A_4, %get3A_5, %get3A_6] : memref<2x2000x128xf32, #tpu.memory_space<vmem>>, vector<1x2000x128xf32>
    %get3A_8 = vector.shape_cast %get3A_7 : vector<1x2000x128xf32> to vector<2000x128xf32>
    %add3A = arith.addf %get3A_3, %get3A_8 : vector<2000x128xf32>
    %get3A_9 = arith.constant 0 : index
    %get3A_10 = arith.constant 0 : index
    %get3A_11 = arith.constant 0 : index
    %get3A_12 = vector.load %arg2[%get3A_9, %get3A_10, %get3A_11] : memref<2x2000x8xf32, #tpu.memory_space<vmem>>, vector<1x2000x1xf32>
    %get3A_13 = vector.shape_cast %get3A_12 : vector<1x2000x1xf32> to vector<2000x1xf32>
    %get3A_14 = arith.constant 1 : index
    %get3A_15 = arith.constant 0 : index
    %get3A_16 = arith.constant 0 : index
    %get3A_17 = vector.load %arg2[%get3A_14, %get3A_15, %get3A_16] : memref<2x2000x8xf32, #tpu.memory_space<vmem>>, vector<1x2000x1xf32>
    %get3A_18 = vector.shape_cast %get3A_17 : vector<1x2000x1xf32> to vector<2000x1xf32>
    %add3A_19 = arith.addf %get3A_13, %get3A_18 : vector<2000x1xf32>
    %max3A = arith.constant 1.000000e+00 : f32
    %max3A_20 = vector.broadcast %max3A : f32 to vector<2000x1xf32>
    %max3A_21 = arith.maximumf %add3A_19, %max3A_20 : vector<2000x1xf32>
    %div3A = vector.broadcast %max3A_21 : vector<2000x1xf32> to vector<2000x128xf32>
    %div3A_22 = arith.divf %add3A, %div3A : vector<2000x128xf32>
    %get3A_23 = arith.constant 0 : index
    %get3A_24 = arith.constant 0 : index
    %get3A_25 = vector.load %arg4[%get3A_23, %get3A_24] : memref<128x128xf32, #tpu.memory_space<vmem>>, vector<128x128xf32>
    %dot_general3A = arith.constant dense<0.000000e+00> : vector<2000x128xf32>
    %dot_general3A_26 = tpu.matmul %div3A_22, %get3A_25, %dot_general3A {dimension_numbers = #tpu.dot_dimension_numbers<[1], [0], [0], [1], [0, 0, 1, 1], [], []>, transpose_lhs_hint = false} : vector<2000x128xf32>, vector<128x128xf32>, vector<2000x128xf32> -> vector<2000x128xf32>
    %get3A_27 = arith.constant 0 : index
    %get3A_28 = arith.constant 0 : index
    %get3A_29 = vector.load %arg3[%get3A_27, %get3A_28] : memref<2000x128xf32, #tpu.memory_space<vmem>>, vector<2000x128xf32>
    %get3A_30 = arith.constant 0 : index
    %get3A_31 = arith.constant 0 : index
    %get3A_32 = vector.load %arg5[%get3A_30, %get3A_31] : memref<128x128xf32, #tpu.memory_space<vmem>>, vector<128x128xf32>
    %dot_general3A_33 = arith.constant dense<0.000000e+00> : vector<2000x128xf32>
    %dot_general3A_34 = tpu.matmul %get3A_29, %get3A_32, %dot_general3A_33 {dimension_numbers = #tpu.dot_dimension_numbers<[1], [0], [0], [1], [0, 0, 1, 1], [], []>, transpose_lhs_hint = false} : vector<2000x128xf32>, vector<128x128xf32>, vector<2000x128xf32> -> vector<2000x128xf32>
    %add3A_35 = arith.addf %dot_general3A_26, %dot_general3A_34 : vector<2000x128xf32>
    %get3A_36 = arith.constant 0 : index
    %get3A_37 = arith.constant 0 : index
    %get3A_38 = vector.load %arg6[%get3A_36, %get3A_37] : memref<1x128xf32, #tpu.memory_space<vmem>>, vector<1x128xf32>
    %add3A_39 = vector.broadcast %get3A_38 : vector<1x128xf32> to vector<2000x128xf32>
    %add3A_40 = arith.addf %add3A_35, %add3A_39 : vector<2000x128xf32>
    %swap3A = arith.constant 0 : index
    %swap3A_41 = arith.constant 0 : index
    %swap3A_42 = vector.load %arg7[%swap3A, %swap3A_41] : memref<2000x128xf32, #tpu.memory_space<vmem>>, vector<2000x128xf32>
    tpu.vector_store %arg7[%swap3A, %swap3A_41], %add3A_40 {strides = array<i32>} : memref<2000x128xf32, #tpu.memory_space<vmem>>, vector<2000x128xf32>,
    return
  }
  func.func @transform_0(%arg0: i32) -> (i32, i32, i32) {
    %c0_i32 = arith.constant 0 : i32
    %c0_i32_0 = arith.constant 0 : i32
    %c0_i32_1 = arith.constant 0 : i32
    return %c0_i32, %arg0, %c0_i32_0 : i32, i32, i32
  }
  func.func @transform_1(%arg0: i32) -> (i32, i32, i32) {
    %c0_i32 = arith.constant 0 : i32
    %c0_i32_0 = arith.constant 0 : i32
    %c0_i32_1 = arith.constant 0 : i32
    return %c0_i32, %arg0, %c0_i32_0 : i32, i32, i32
  }
  func.func @transform_2(%arg0: i32) -> (i32, i32) {
    %c0_i32 = arith.constant 0 : i32
    %c0_i32_0 = arith.constant 0 : i32
    return %arg0, %c0_i32 : i32, i32
  }
  func.func @transform_3(%arg0: i32) -> (i32, i32) {
    %c0_i32 = arith.constant 0 : i32
    %c0_i32_0 = arith.constant 0 : i32
    %c0_i32_1 = arith.constant 0 : i32
    return %c0_i32, %c0_i32_0 : i32, i32
  }
  func.func @transform_4(%arg0: i32) -> (i32, i32) {
    %c0_i32 = arith.constant 0 : i32
    %c0_i32_0 = arith.constant 0 : i32
    %c0_i32_1 = arith.constant 0 : i32
    return %c0_i32, %c0_i32_0 : i32, i32
  }
  func.func @transform_5(%arg0: i32) -> (i32, i32) {
    %c0_i32 = arith.constant 0 : i32
    %c0_i32_0 = arith.constant 0 : i32
    %c0_i32_1 = arith.constant 0 : i32
    return %c0_i32, %c0_i32_0 : i32, i32
  }
  func.func @transform_6(%arg0: i32) -> (i32, i32) {
    %c0_i32 = arith.constant 0 : i32
    %c0_i32_0 = arith.constant 0 : i32
    return %arg0, %c0_i32 : i32, i32
  }
}

module attributes {stable_mosaic.version = 14 : i64} {
  func.func @body(%arg0: i32, %arg1: memref<2x2000x128xf32, #tpu.memory_space<vmem>>, %arg2: memref<2x2000x8xf32, #tpu.memory_space<vmem>>, %arg3: memref<2000x128xf32, #tpu.memory_space<vmem>>, %arg4: memref<128x128xf32, #tpu.memory_space<vmem>>, %arg5: memref<128x128xf32, #tpu.memory_space<vmem>>, %arg6: memref<1x128xf32, #tpu.memory_space<vmem>>, %arg7: memref<2000x128xf32, #tpu.memory_space<vmem>>) attributes {dimension_semantics = [#tpu.dimension_semantics<arbitrary>], iteration_bounds = array<i64: 5>, scalar_prefetch = 0 : i64, scratch_operands = 0 : i64, tpu.core_type = #tpu.core_type<tc>, window_params = [{transform_indices = @transform_0, window_bounds = array<i64: 2, 2000, 128>}, {transform_indices = @transform_1, window_bounds = array<i64: 2, 2000, 8>}, {transform_indices = @transform_2, window_bounds = array<i64: 2000, 128>}, {pipeline_mode = #tpu.pipeline_mode<synchronous>, transform_indices = @transform_3, window_bounds = array<i64: 128, 128>}, {pipeline_mode = #tpu.pipeline_mode<synchronous>, transform_indices = @transform_4, window_bounds = array<i64: 128, 128>}, {pipeline_mode = #tpu.pipeline_mode<synchronous>, transform_indices = @transform_5, window_bounds = array<i64: 1, 128>}, {transform_indices = @transform_6, window_bounds = array<i64: 2000, 128>}]} {
    %get3A = arith.constant 0 : index
    %get3A_0 = arith.constant 0 : index
    %get3A_1 = arith.constant 0 : index
    %get3A_2 = vector.load %arg1[%get3A, %get3A_0, %get3A_1] : memref<2x2000x128xf32, #tpu.memory_space<vmem>>, vector<1x2000x128xf32>
    %get3A_3 = vector.shape_cast %get3A_2 : vector<1x2000x128xf32> to vector<2000x128xf32>
    %get3A_4 = arith.constant 1 : index
    %get3A_5 = arith.constant 0 : index
    %get3A_6 = arith.constant 0 : index
    %get3A_7 = vector.load %arg1[%get3A_4, %get3A_5, %get3A_6] : memref<2x2000x128xf32, #tpu.memory_space<vmem>>, vector<1x2000x128xf32>
    %get3A_8 = vector.shape_cast %get3A_7 : vector<1x2000x128xf32> to vector<2000x128xf32>
    %add3A = arith.addf %get3A_3, %get3A_8 : vector<2000x128xf32>
    %get3A_9 = arith.constant 0 : index
    %get3A_10 = arith.constant 0 : index
    %get3A_11 = arith.constant 0 : index
    %get3A_12 = vector.load %arg2[%get3A_9, %get3A_10, %get3A_11] : memref<2x2000x8xf32, #tpu.memory_space<vmem>>, vector<1x2000x1xf32>
    %get3A_13 = vector.shape_cast %get3A_12 : vector<1x2000x1xf32> to vector<2000x1xf32>
    %get3A_14 = arith.constant 1 : index
    %get3A_15 = arith.constant 0 : index
    %get3A_16 = arith.constant 0 : index
    %get3A_17 = vector.load %arg2[%get3A_14, %get3A_15, %get3A_16] : memref<2x2000x8xf32, #tpu.memory_space<vmem>>, vector<1x2000x1xf32>
    %get3A_18 = vector.shape_cast %get3A_17 : vector<1x2000x1xf32> to vector<2000x1xf32>
    %add3A_19 = arith.addf %get3A_13, %get3A_18 : vector<2000x1xf32>
    %max3A = arith.constant 1.000000e+00 : f32
    %max3A_20 = vector.broadcast %max3A : f32 to vector<2000x1xf32>
    %max3A_21 = arith.maximumf %add3A_19, %max3A_20 : vector<2000x1xf32>
    %div3A = vector.broadcast %max3A_21 : vector<2000x1xf32> to vector<2000x128xf32>
    %div3A_22 = arith.divf %add3A, %div3A : vector<2000x128xf32>
    %get3A_23 = arith.constant 0 : index
    %get3A_24 = arith.constant 0 : index
    %get3A_25 = vector.load %arg4[%get3A_23, %get3A_24] : memref<128x128xf32, #tpu.memory_space<vmem>>, vector<128x128xf32>
    %dot_general3A = arith.constant dense<0.000000e+00> : vector<2000x128xf32>
    %dot_general3A_26 = tpu.matmul %div3A_22, %get3A_25, %dot_general3A {dimension_numbers = #tpu.dot_dimension_numbers<[1], [0], [0], [1], [0, 0, 1, 1], [], []>, transpose_lhs_hint = false} : vector<2000x128xf32>, vector<128x128xf32>, vector<2000x128xf32> -> vector<2000x128xf32>
    %get3A_27 = arith.constant 0 : index
    %get3A_28 = arith.constant 0 : index
    %get3A_29 = vector.load %arg3[%get3A_27, %get3A_28] : memref<2000x128xf32, #tpu.memory_space<vmem>>, vector<2000x128xf32>
    %get3A_30 = arith.constant 0 : index
    %get3A_31 = arith.constant 0 : index
    %get3A_32 = vector.load %arg5[%get3A_30, %get3A_31] : memref<128x128xf32, #tpu.memory_space<vmem>>, vector<128x128xf32>
    %dot_general3A_33 = arith.constant dense<0.000000e+00> : vector<2000x128xf32>
    %dot_general3A_34 = tpu.matmul %get3A_29, %get3A_32, %dot_general3A_33 {dimension_numbers = #tpu.dot_dimension_numbers<[1], [0], [0], [1], [0, 0, 1, 1], [], []>, transpose_lhs_hint = false} : vector<2000x128xf32>, vector<128x128xf32>, vector<2000x128xf32> -> vector<2000x128xf32>
    %add3A_35 = arith.addf %dot_general3A_26, %dot_general3A_34 : vector<2000x128xf32>
    %get3A_36 = arith.constant 0 : index
    %get3A_37 = arith.constant 0 : index
    %get3A_38 = vector.load %arg6[%get3A_36, %get3A_37] : memref<1x128xf32, #tpu.memory_space<vmem>>, vector<1x128xf32>
    %add3A_39 = vector.broadcast %get3A_38 : vector<1x128xf32> to vector<2000x128xf32>
    %add3A_40 = arith.addf %add3A_35, %add3A_39 : vector<2000x128xf32>
    %max3A_41 = arith.constant 0.000000e+00 : f32
    %max3A_42 = vector.broadcast %max3A_41 : f32 to vector<2000x128xf32>
    %max3A_43 = arith.maximumf %add3A_40, %max3A_42 : vector<2000x128xf32>
    %swap3A = arith.constant 0 : index
    %swap3A_44 = arith.constant 0 : index
    %swap3A_45 = vector.load %arg7[%swap3A, %swap3A_44] : memref<2000x128xf32, #tpu.memory_space<vmem>>, vector<2000x128xf32>
    tpu.vector_store %arg7[%swap3A, %swap3A_44], %max3A_43 {strides = array<i32>} : memref<2000x128xf32, #tpu.memory_space<vmem>>, vector<2000x128xf32>,
    return
  }
  func.func @transform_0(%arg0: i32) -> (i32, i32, i32) {
    %c0_i32 = arith.constant 0 : i32
    %c0_i32_0 = arith.constant 0 : i32
    %c0_i32_1 = arith.constant 0 : i32
    return %c0_i32, %arg0, %c0_i32_0 : i32, i32, i32
  }
  func.func @transform_1(%arg0: i32) -> (i32, i32, i32) {
    %c0_i32 = arith.constant 0 : i32
    %c0_i32_0 = arith.constant 0 : i32
    %c0_i32_1 = arith.constant 0 : i32
    return %c0_i32, %arg0, %c0_i32_0 : i32, i32, i32
  }
  func.func @transform_2(%arg0: i32) -> (i32, i32) {
    %c0_i32 = arith.constant 0 : i32
    %c0_i32_0 = arith.constant 0 : i32
    return %arg0, %c0_i32 : i32, i32
  }
  func.func @transform_3(%arg0: i32) -> (i32, i32) {
    %c0_i32 = arith.constant 0 : i32
    %c0_i32_0 = arith.constant 0 : i32
    %c0_i32_1 = arith.constant 0 : i32
    return %c0_i32, %c0_i32_0 : i32, i32
  }
  func.func @transform_4(%arg0: i32) -> (i32, i32) {
    %c0_i32 = arith.constant 0 : i32
    %c0_i32_0 = arith.constant 0 : i32
    %c0_i32_1 = arith.constant 0 : i32
    return %c0_i32, %c0_i32_0 : i32, i32
  }
  func.func @transform_5(%arg0: i32) -> (i32, i32) {
    %c0_i32 = arith.constant 0 : i32
    %c0_i32_0 = arith.constant 0 : i32
    %c0_i32_1 = arith.constant 0 : i32
    return %c0_i32, %c0_i32_0 : i32, i32
  }
  func.func @transform_6(%arg0: i32) -> (i32, i32) {
    %c0_i32 = arith.constant 0 : i32
    %c0_i32_0 = arith.constant 0 : i32
    return %arg0, %c0_i32 : i32, i32
  }
}

</mosaic_0001>

<sc_bundles>
// kernel: kernel.12.cloned.1.call-start
scs
__scs_entry_jumppad:
0x0: {  	(pc) =	sbr.rel $0x88, $3  }
0x1: {  	(tag) =	ssettag $0x0;
	lr =	simm.s32 $0x1  }
0x2: {  	[smem:$0x3F96] =	sst lr;
	_ =	strace $0xD0000000  }
0x3: {  	_ = 	snop  }
0x4: {  	_ = 	snop  }
0x5: {  	_ = 	snop  }
0x6: {  	_ = 	snop  }
0x7: {  	_ = 	snop  }
__scs_overlays_trampoline_lowered:
0x8: {  	[smem:$0x3FA5] =	sst s0  }
0x9: {  	[smem:$0x3FA6] =	sst s1  }
0xa: {  	[smem:$0x3FA7] =	sst s2  }
0xb: {  	[smem:$0x3FA8] =	sst s3  }
0xc: {  	[smem:$0x3FA9] =	sst s4  }
0xd: {  	[smem:$0x3FAA] =	sst s5  }
0xe: {  	[smem:$0x3FAB] =	sst s6  }
0xf: {  	[smem:$0x3FAC] =	sst s7  }
0x10: {  	[smem:$0x3FAD] =	sst s8  }
0x11: {  	[smem:$0x3FAE] =	sst s9;
	s0 =	simm.s32 @!p0 $0x0  }
0x12: {  	s1 =	sld [smem:$0x3F94];
	s0 =	simm.s32 @p0 $0x1  }
0x13: {  	[smem:$0x3FAF] =	sst s0;
	s0 =	simm.s32 @!p1 $0x0  }
0x14: {  	s2 =	sld [smem:$0x3F93];
	s0 =	simm.s32 @p1 $0x1  }
0x15: {  	[smem:$0x3FB0] =	sst s0;
	s0 =	simm.s32 @!p2 $0x0  }
0x16: {  	s3 =	sld [smem:$0x3FDB];
	s0 =	simm.s32 @p2 $0x1  }
0x17: {  	s4 =	simm.s32 $0x1BF5;
	[smem:$0x3FB2] =	sst s0  }
0x18: {  	s0 =	sld [smem:$0x3F95];
	_ =	swait.ge [sflag:s4], $0x0  }
0x19: {  	s7 =	sld [smem:$0x3F96]  }
0x1a: {  	s8 =	sadd.s32 $0xFFFFE003, lr  }
0x1b: {  	s9 =	sadd.s32 $0xFFFFFEF7, lr;
	s5 =	simm.s32 $0xFFFFFFFF;
	p2 =	slt.u32 s8, $0xFFFFF086  }
0x1c: {  	p1 =	slt.u32 s9, $0xF7A;
	s5 =	simm.s32 @!p2 $0x0  }
0x1d: {  	s5 =	simm.s32 @p1 $0x1;
	p0 =	seq.s32 s7, s2  }
0x1e: {  	s7 =	smul.u32 @!p0 $0xF7A, s2;
	p2 =	seq.s32 @!p0 s5, $0x0  }
0x1f: {  	s9 =	smul.u32 $0xF7A, s1;
	s8 =	simm.s32 @!p0 $0x1BF5;
	p2 =	por !p2, p0  }
0x20: {  	[sflag:s8] =	ssyncset.s32 @!p0 $0xFFFFF086;
	s6 =	sadd.s32 @!p0 s3, s7;
	s7 =	simm.s32 @!p0 $0x108  }
0x21: {  	s3 =	sadd.s32 s3, s9;
	s6 =	sadd.s32 @!p0 $0x88, s6;
	s7 =	simm.s32 @p2 $0x1082  }
0x22: {  	[simem:s7], [sflag:s8] =	dma.local @!p0 [hbm:s6], $0xF7A  }
0x23: {  	s9 =	sor.u32 $0xD0000000, s2;
	s6 =	simm.s32 $0x108;
	_ =	swait.ge @!p0 [sflag:s8], $0x0  }
0x24: {  	s3 =	sadd.s32 $0x88, s3;
	s6 =	simm.s32 @!p1 $0x1082;
	[sflag:s4] =	ssyncset.s32 $0xFFFFF086  }
0x25: {  	[simem:s6], [sflag:s4] =	dma.local [hbm:s3], $0xF7A  }
0x26: {  	[smem:$0x3F96] =	sst s1;
	(tag) =	ssettag s2;
	_ =	strace s9  }
0x27: {  	s1 =	sld [smem:$0x3FA6]  }
0x28: {  	s2 =	sld [smem:$0x3FA7]  }
0x29: {  	s4 =	sld [smem:$0x3FA9]  }
0x2a: {  	p0 =	seq.s32 s5, $0x0;
	s5 =	sld [smem:$0x3FAA]  }
0x2b: {  	s6 =	sld [smem:$0x3FAB]  }
0x2c: {  	s7 =	sld [smem:$0x3FAC]  }
0x2d: {  	s3 =	simm.s32 $0x108;
	s8 =	sld [smem:$0x3FAD]  }
0x2e: {  	s3 =	simm.s32 @!p0 $0x1082;
	s9 =	sld [smem:$0x3FAE]  }
0x2f: {  	lr =	sadd.s32 s0, s3;
	s0 =	sld [smem:$0x3FA5]  }
0x30: {  	s3 =	sld [smem:$0x3FA8]  }
0x31: {  	[smem:$0x3FB1] =	sst s10  }
0x32: {  	s10 =	sld [smem:$0x3FAF];
	_ =	sdelay $0x3  }
0x33: {  	p0 =	seq.s32 s10, $0x1;
	s10 =	sld [smem:$0x3FB1];
	_ =	sdelay $0x3  }
0x34: {  	[smem:$0x3FB1] =	sst s10  }
0x35: {  	s10 =	sld [smem:$0x3FB0];
	_ =	sdelay $0x3  }
0x36: {  	p1 =	seq.s32 s10, $0x1;
	s10 =	sld [smem:$0x3FB1];
	_ =	sdelay $0x3  }
0x37: {  	[smem:$0x3FB1] =	sst s10  }
0x38: {  	s10 =	sld [smem:$0x3FB2]  }
0x39: {  	_ = 	snop;
	(pc) =	sbr.ind lr, $3  }
0x3a: {  	_ = 	snop  }
0x3b: {  	_ = 	snop  }
0x3c: {  	p2 =	seq.s32 s10, $0x1;
	s10 =	sld [smem:$0x3FB1]  }
0x3d: {  	_ =	shalt  }
0x3e: {  	_ =	shalt  }
0x3f: {  	_ =	shalt  }
0x40: {  	_ =	shalt  }
0x41: {  	_ =	shalt  }
0x42: {  	_ =	shalt  }
0x43: {  	_ =	shalt  }
0x44: {  	_ =	shalt  }
0x45: {  	_ =	shalt  }
0x46: {  	_ =	shalt  }
0x47: {  	_ =	shalt  }
0x48: {  	_ =	shalt  }
0x49: {  	_ =	shalt  }
0x4a: {  	_ =	shalt  }
0x4b: {  	_ =	shalt  }
0x4c: {  	_ =	shalt  }
0x4d: {  	_ =	shalt  }
0x4e: {  	_ =	shalt  }
0x4f: {  	_ =	shalt  }
0x50: {  	_ =	shalt  }
0x51: {  	_ =	shalt  }
0x52: {  	_ =	shalt  }
0x53: {  	_ =	shalt  }
0x54: {  	_ =	shalt  }
0x55: {  	_ =	shalt  }
0x56: {  	_ =	shalt  }
0x57: {  	_ =	shalt  }
0x58: {  	_ =	shalt  }
0x59: {  	_ =	shalt  }
0x5a: {  	_ =	shalt  }
0x5b: {  	_ =	shalt  }
0x5c: {  	_ =	shalt  }
0x5d: {  	_ =	shalt  }
0x5e: {  	_ =	shalt  }
0x5f: {  	_ =	shalt  }
0x60: {  	_ =	shalt  }
0x61: {  	_ =	shalt  }
0x62: {  	_ =	shalt  }
0x63: {  	_ =	shalt  }
0x64: {  	_ =	shalt  }
0x65: {  	_ =	shalt  }
0x66: {  	_ =	shalt  }
0x67: {  	_ =	shalt  }
0x68: {  	_ =	shalt  }
0x69: {  	_ =	shalt  }
0x6a: {  	_ =	shalt  }
0x6b: {  	_ =	shalt  }
0x6c: {  	_ =	shalt  }
0x6d: {  	_ =	shalt  }
0x6e: {  	_ =	shalt  }
0x6f: {  	_ =	shalt  }
0x70: {  	_ =	shalt  }
0x71: {  	_ =	shalt  }
0x72: {  	_ =	shalt  }
0x73: {  	_ =	shalt  }
0x74: {  	_ =	shalt  }
0x75: {  	_ =	shalt  }
0x76: {  	_ =	shalt  }
0x77: {  	_ =	shalt  }
0x78: {  	_ =	shalt  }
0x79: {  	_ =	shalt  }
0x7a: {  	_ =	shalt  }
0x7b: {  	_ =	shalt  }
0x7c: {  	_ =	shalt  }
0x7d: {  	_ =	shalt  }
0x7e: {  	_ =	shalt  }
0x7f: {  	_ =	shalt  }
0x80: {  	_ =	shalt  }
0x81: {  	_ =	shalt  }
0x82: {  	_ =	shalt  }
0x83: {  	_ =	shalt  }
0x84: {  	_ =	shalt  }
0x85: {  	_ =	shalt  }
0x86: {  	_ =	shalt  }
0x87: {  	_ =	shalt  }
.Lfunc_end0:
.L_simem_size_0:
called_computation.1_lowered:
.L_overlay_start_0:
0x88: {  	s2 =	sld [smem:$0x3FD9]  }
0x89: {  	s3 =	sld [smem:$0x3FFE];
	_ =	sdelay $0x1  }
0x8a: {  	s1 =	srdreg.scid  }
0x8b: {  	s0 =	sand.u32 $0x1, s1  }
0x8c: {  	s17 =	sshll.u32 s0, $0xA;
	s2 =	sadd.s32 s3, s2  }
0x8d: {  	s2 =	sadd.s32 s2, s17  }
0x8e: {  	[smem:$0x3FBD] =	sst s2  }
0x8f: {  	_ = 	snop  }
0x90: {  	s18 =	sld [smem:$0x3FC9];
	(tm) =	ssettm $0x1  }
0x91: {  	s19 =	sld [smem:$0x3FFB];
	_ =	sdelay $0x3  }
0x92: {  	_ =	strace s19  }
0x93: {  	s2 =	sld [smem:$0x3FFC];
	_ =	sdelay $0x3  }
0x94: {  	_ =	strace s2  }
0x95: {  	s2 =	sld [smem:$0x3FFD];
	_ =	sdelay $0x3  }
0x96: {  	_ =	strace s2  }
0x97: {  	_ =	strace $0x8FFFFFFF  }
0x98: {  	s20 =	sld [smem:$0x3FDB];
	_ =	sdelay $0x1  }
0x99: {  	s4 =	simm.s32 $_scs_section_size  }
0x9a: {  	s5 =	simm.s32 $_size__tile_overlayer_lowered;
	s6 =	simm.s32 $_tile_overlayer_lowered  }
0x9b: {  	s7 =	simm.s32 $0x1BFF;
	s21 =	sshll.u32 s6, $0x1;
	s4 =	sadd.s32 s4, s20  }
0x9c: {  	s22 =	simm.s32 $0x0;
	s5 =	sshll.u32 s5, $0x1;
	s6 =	sadd.s32 s21, s4  }
0x9d: {  	[timem:s22], [sflag:s7] =	dma.local [hbm:s6], s5  }
0x9e: {  	_ =	swait.ge [sflag:s7], s5  }
0x9f: {  	s5 =	ssub.s32 $0x0, s5;
	[sflag:s7] =	ssyncset.done $0x0  }
0xa0: {  	[sflag:s7] =	ssyncadd.s32 s5;
	_ =	sdelay $0x1  }
0xa1: {  	s23 =	simm.s32 $0x1B8B  }
0xa2: {  	_ =	swait.ge [sflag:s23], $0x1  }
0xa3: {  	[sflag:s23] =	ssyncset.done $0x0  }
0xa4: {  	[sflag:s23] =	ssyncadd.s32 $0xFFFFFFFF  }
0xa5: {  	s5 =	sld [smem:$0x0]  }
0xa6: {  	s6 =	sand.u32 $0xFFFFFFFE, s1  }
0xa7: {  	p0 =	sne.s32 s1, s6  }
0xa8: {  	s6 =	sshll.u32 @p0 s6, $0xE  }
0xa9: {  	s6 =	sadd.s32 @p0 $0x11B8D, s6;
	s7 =	sshll.u32 @p0 s5, $0x11  }
0xaa: {  	s6 =	sor.u32 @p0 s7, s6  }
0xab: {  	[sflag:s6] =	ssyncadd.remote.s32 @p0 $0x1;
	_ =	sdelay $0x1  }
0xac: {  	s6 =	simm.s32 @p0 $0x1B8D  }
0xad: {  	_ =	swait.eq @p0 [sflag:s6], $0x1  }
0xae: {  	[sflag:s6] =	ssyncadd.s32 @p0 $0xFFFFFFFF  }
0xaf: {  	s7 =	sshll.u32 @!p0 s1, $0xE  }
0xb0: {  	s7 =	sor.u32 @!p0 $0x4000, s7;
	s6 =	simm.s32 @!p0 $0x1B8D  }
0xb1: {  	s5 =	sshll.u32 @!p0 s5, $0x11;
	s7 =	sadd.s32 @!p0 $0x11B8D, s7;
	_ =	swait.eq @!p0 [sflag:s6], $0x1  }
0xb2: {  	s5 =	sor.u32 @!p0 s5, s7;
	[sflag:s6] =	ssyncadd.s32 @!p0 $0xFFFFFFFF  }
0xb3: {  	s25 =	simm.s32 $0x1B8E;
	s24 =	sld [smem:$0x3FFE];
	[sflag:s5] =	ssyncadd.remote.s32 @!p0 $0x1  }
0xb4: {  	s26 =	simm.s32 $execute0_lowered;
	[smem:$0x3FD2] =	sst s25  }
0xb5: {  	s6 =	sshll.u32 s26, $0x1;
	_ =	strace $0x80000049;
	[dreg:$0x1] =	wrdreg $0xFFFFFFFF  }
0xb6: {  	s28 =	simm.s32 $_size_execute0_lowered;
	s4 =	sadd.s32 s4, s6;
	[dreg:$0x0] =	wrdreg $0x0  }
0xb7: {  	s6 =	sshll.u32 s28, $0x1;
	[dreg:$0x2] =	wrdreg s4  }
0xb8: {  	[dreg:$0x3] =	wrdreg s6  }
0xb9: {  	[dreg:$0x4] =	wrdreg $0xC0  }
0xba: {  	_ =	task [dreg:s22], $0x5FFFF  }
0xbb: {  	[dreg:$0x1] =	wrdreg $0xFFFFFFFF  }
0xbc: {  	[dreg:$0x0] =	wrdreg $0x60  }
0xbd: {  	[dreg:$0x2] =	wrdreg s18  }
0xbe: {  	[dreg:$0x3] =	wrdreg s24  }
0xbf: {  	[dreg:$0x4] =	wrdreg $0x0  }
0xc0: {  	[dreg:$0x5] =	wrdreg $0xA  }
0xc1: {  	_ =	task.clear_ibuf [dreg:s22], $0x6FFFF;
	_ =	strace $0x90000049  }
0xc2: {  	s29 =	simm.s32 $0xA;
	_ =	strace $0x8000004B  }
0xc3: {  	_ =	swait.ge [sflag:s29], $0x1  }
0xc4: {  	[sflag:s29] =	ssyncadd.s32 $0xFFFFFFFF  }
0xc5: {  	_ =	strace $0x9000004B  }
0xc6: {  	_ =	sfence  }
0xc7: {  	s30 =	sld [smem:$0x0];
	_ =	sdelay $0x2  }
0xc8: {  	s31 =	sshll.u32 s1, $0xD;
	s1 =	sshrl.u32 s1, $0x2  }
0xc9: {  	s4 =	sand.u32 $0x4000, s31;
	s1 =	sadd.s32 s1, s30  }
0xca: {  	s0 =	sor.u32 s4, s0;
	s1 =	sshll.u32 s1, $0x11  }
0xcb: {  	s0 =	sor.u32 s1, s0  }
0xcc: {  	s0 =	sadd.s32 $0x8F2B, s0  }
0xcd: {  	[sflag:s0] =	ssyncadd.remote.s32 $0x1  }
0xce: {  	_ =	sfence.sel $0xFFFF  }
0xcf: {  	[dreg:$0x0] =	wrdreg $0xFFFFFFFF;
	(pc) =	sbr.abs _section_cstart, $3  }
0xd0: {  	[dreg:$0x1] =	wrdreg $0xFFFFFFFF  }
0xd1: {  	_ =	task.clear_ibuf [dreg:s22], $0x2FFFF;
	_ =	strace $0x9FFFFFFF  }
0xd2: {  	(tm) =	ssettm $0x7FFFFFFF  }
0xd3: {  	_ =	shalt  }
tec
execute0_lowered:
.L_overlay_start_1:
0x0: {  	(tag) =	ssettag $0x1  }
0x1: {  	s2 =	rddreg [dreg:$0x0]  }
0x2: {  	s5 =	rddreg [dreg:$0x1]  }
0x3: {  	s3 =	rddreg [dreg:$0x2]  }
0x4: {  	s0 =	rddreg [dreg:$0x3]  }
0x5: {  	s1 =	stileid.u32;
	s4 =	simm.s32 $0x0;
	s7 =	srdreg.scid  }
0x6: {  	s16 =	simm.s32 $0x15800;
	s17 =	simm.s32 $0x64;
	s18 =	simm.s32 $0x17400  }
0x7: {  	s19 =	simm.s32 $0x1A800;
	s20 =	simm.s32 $0x1;
	s21 =	simm.s32 $0x2  }
0x8: {  	s22 =	simm.s32 $0x15480;
	s23 =	simm.s32 $0x17000;
	s24 =	simm.s32 $0x17080  }
0x9: {  	s25 =	simm.s32 $0x0;
	s6 =	smul.u32 $0x13C00, s1;
	[smem:$0x7FF] =	sst s4  }
0xa: {  	s7 =	sand.u32 $0x1, s7;
	s10 =	sadd.s32 $0x87800, s5;
	s11 =	sadd.s32 $0x3000, s5  }
0xb: {  	s26 =	smul.u32 $0x4F000, s1;
	s12 =	sshll.u32 s1, $0x1;
	s30 =	sshll.u32 s1, $0x6  }
0xc: {  	_ =	strace $0x8000004A;
	s9 =	smul.u32 $0x13C000, s7;
	s13 =	ssub.s32 $0x2, s7  }
0xd: {  	s7 =	sor.u32 s7, s12;
	s8 =	sshrl.u32 s6, $0x3;
	s28 =	sshrl.u32 s13, $0x1  }
0xe: {  	s7 =	smul.u32 $0x3800, s7;
	s8 =	sadd.s32 s8, s5;
	s6 =	sadd.s32 s6, s9  }
0xf: {  	s9 =	sshrl.u32 s26, $0x2;
	s12 =	ssub.s32 s13, s28;
	s6 =	sshrl.u32 s6, $0x3  }
0x10: {  	s29 =	sadd.s32 s9, s3;
	s31 =	sshrl.u32 s7, $0x3;
	s12 =	smax.u32 s12, $0x1  }
0x11: {  	s14 =	sadd.s32 s6, s5;
	s5 =	sadd.s32 $0x11000, s8;
	s6 =	sor.u32 $0x1C03, s30  }
0x12: {  	s7 =	sadd.s32 s10, s31;
	s15 =	sadd.s32 $0x380, s31;
	s8 =	sadd.s32 s11, s31  }
0x13: {  	s13 =	sshrl.u32 s29, $0x3;
	s9 =	sadd.s32 s10, s15;
	s10 =	sadd.s32 s11, s15  }
0x14: {  	s11 =	sadd.s32 $0x95800, s14;
	s14 =	simm.s32 $0x3;
	s15 =	simm.s32 $0x13C00  }
.LBB2_1:
0x15: {  	[spmem:s13], [sflag:s6] =	dma.local [hbm:s5], $0x2780  }
0x16: {  	_ =	swait.ge [sflag:s14], $0x2780  }
0x17: {  	[sflag:s14] =	ssyncset.done $0x0  }
0x18: {  	[sflag:s14] =	ssyncadd.s32 $0xFFFFD880  }
0x19: {  	[bflag:$0x0] =	sbarrier.arrive $0xFFFF  }
0x1a: {  	[tilespmem:s15], [sflag:$0x3] =	stream.linear.gather [hbm4b:s7+s4], $0x1900, $0x38;
	[tilespmem:$0x1DC00] =	vst v63  }
0x1b: {  	_ =	swait.ge [sflag:s14], $0x1900  }
0x1c: {  	[sflag:s14] =	ssyncset.done $0x0  }
0x1d: {  	[sflag:s14] =	ssyncadd.s32 $0xFFFFE700  }
0x1e: {  	[tilespmem:s16], [sflag:$0x3] =	stream.linear.gather [hbm4b:s8+s4], $0x1900, $0x38;
	[tilespmem:$0x1DC00] =	vst v63  }
0x1f: {  	_ =	swait.ge [sflag:s14], $0x1900  }
0x20: {  	[sflag:s14] =	ssyncset.done $0x0  }
0x21: {  	[sflag:s14] =	ssyncadd.s32 $0xFFFFE700  }
0x22: {  	[tilespmem:s18], [sflag:$0x1] =	stream.indirect.gather [hbm4b:s2+s17], $0x80, s15, s17, $0xb8;
	[tilespmem:$0x1DC00] =	vst v63  }
0x23: {  	s26 =	simm.s32 $0x13C80  }
0x24: {  	[tilespmem:s19], [sflag:$0x2] =	stream.indirect.gather [hbm4b:s2+s17], $0x80, s26, s17, $0xb8;
	[tilespmem:$0x1DC00] =	vst v63  }
0x25: {  	_ =	swait.ge [sflag:s20], $0x3200  }
0x26: {  	[sflag:s20] =	ssyncset.done $0x0  }
0x27: {  	s29 =	simm.s32 $0x15800;
	[sflag:s20] =	ssyncadd.s32 $0xFFFFCE00  }
0x28: {  	[spmem:s3] =	stream.indirect.scatter.add.f32 [tilespmem:s18], [sflag:$0x3], $0x80, s29, s17, $0xb8;
	[tilespmem:$0x1DC00] =	vst v63  }
0x29: {  	_ =	swait.ge [sflag:s14], $0x3200  }
0x2a: {  	[sflag:s14] =	ssyncset.done $0x0  }
0x2b: {  	s30 =	simm.s32 $0x13D00;
	[sflag:s14] =	ssyncadd.s32 $0xFFFFCE00  }
0x2c: {  	[tilespmem:s18], [sflag:$0x1] =	stream.indirect.gather [hbm4b:s2+s17], $0x80, s30, s17, $0xb8;
	[tilespmem:$0x1DC00] =	vst v63  }
0x2d: {  	_ =	swait.ge [sflag:s21], $0x3200  }
0x2e: {  	[sflag:s21] =	ssyncset.done $0x0  }
0x2f: {  	s31 =	simm.s32 $0x15880;
	[sflag:s21] =	ssyncadd.s32 $0xFFFFCE00  }
0x30: {  	[spmem:s3] =	stream.indirect.scatter.add.f32 [tilespmem:s19], [sflag:$0x3], $0x80, s31, s17, $0xb8;
	[tilespmem:$0x1DC00] =	vst v63  }
0x31: {  	_ =	swait.ge [sflag:s14], $0x3200  }
0x32: {  	s28 =	simm.s32 $0x800;
	s26 =	simm.s32 $0x100;
	[sflag:s14] =	ssyncset.done $0x0  }
.LBB2_2:
0x33: {  	s29 =	sadd.s32 $0x13C80, s26  }
0x34: {  	[sflag:s14] =	ssyncadd.s32 $0xFFFFCE00;
	s30 =	smov.u32 s28;
	s31 =	sadd.s32 $0x400, s28  }
0x35: {  	[tilespmem:s19], [sflag:$0x2] =	stream.indirect.gather [hbm4b:s2+s17], $0x80, s29, s17, $0xb8;
	[tilespmem:$0x1DC00] =	vst v63  }
0x36: {  	p0 =	sne.s32 s28, $0x5C00;
	_ =	swait.ge [sflag:s20], $0x3200  }
0x37: {  	[sflag:s20] =	ssyncset.done $0x0  }
0x38: {  	s28 =	sadd.s32 $0x15800, s26;
	[sflag:s20] =	ssyncadd.s32 $0xFFFFCE00  }
0x39: {  	[spmem:s3] =	stream.indirect.scatter.add.f32 [tilespmem:s18], [sflag:$0x3], $0x80, s28, s17, $0xb8;
	[tilespmem:$0x1DC00] =	vst v63  }
0x3a: {  	_ =	swait.ge [sflag:s14], $0x3200  }
0x3b: {  	[sflag:s14] =	ssyncset.done $0x0  }
0x3c: {  	s28 =	sadd.s32 $0x13D00, s26;
	[sflag:s14] =	ssyncadd.s32 $0xFFFFCE00  }
0x3d: {  	[tilespmem:s18], [sflag:$0x1] =	stream.indirect.gather [hbm4b:s2+s17], $0x80, s28, s17, $0xb8;
	[tilespmem:$0x1DC00] =	vst v63  }
0x3e: {  	_ =	swait.ge [sflag:s21], $0x3200  }
.Ltmp0:
0x3f: {  	[sflag:s21] =	ssyncset.done $0x0;
	(pc) =	sbr.rel @p0 .LBB2_2-.Ltmp0, $4  }
0x40: {  	s26 =	sadd.s32 $0x15880, s26;
	[sflag:s21] =	ssyncadd.s32 $0xFFFFCE00  }
0x41: {  	[spmem:s3] =	stream.indirect.scatter.add.f32 [tilespmem:s19], [sflag:$0x3], $0x80, s26, s17, $0xb8;
	[tilespmem:$0x1DC00] =	vst v63  }
0x42: {  	_ =	swait.ge [sflag:s14], $0x3200  }
0x43: {  	s28 =	smov.u32 s31;
	s26 =	sshra.s32 s30, $0x2;
	[sflag:s14] =	ssyncset.done $0x0  }
0x44: {  	s28 =	sadd.s32 $0x13C80, s26;
	[sflag:s14] =	ssyncadd.s32 $0xFFFFCE00  }
0x45: {  	[tilespmem:s19], [sflag:$0x2] =	stream.indirect.gather [hbm4b:s2+s17], $0x80, s28, s17, $0xb8;
	[tilespmem:$0x1DC00] =	vst v63  }
0x46: {  	_ =	swait.ge [sflag:s20], $0x3200  }
0x47: {  	[sflag:s20] =	ssyncset.done $0x0  }
0x48: {  	s28 =	sadd.s32 $0x15800, s26;
	[sflag:s20] =	ssyncadd.s32 $0xFFFFCE00  }
0x49: {  	[spmem:s3] =	stream.indirect.scatter.add.f32 [tilespmem:s18], [sflag:$0x3], $0x80, s28, s17, $0xb8;
	[tilespmem:$0x1DC00] =	vst v63  }
0x4a: {  	_ =	swait.ge [sflag:s14], $0x3200  }
0x4b: {  	[sflag:s14] =	ssyncset.done $0x0  }
0x4c: {  	s28 =	sadd.s32 $0x13D00, s26;
	[sflag:s14] =	ssyncadd.s32 $0xFFFFCE00  }
0x4d: {  	[tilespmem:s18], [sflag:$0x1] =	stream.indirect.gather [hbm4b:s2+s17], $0x80, s28, s17, $0xb8;
	[tilespmem:$0x1DC00] =	vst v63  }
0x4e: {  	_ =	swait.ge [sflag:s21], $0x3200  }
0x4f: {  	[sflag:s21] =	ssyncset.done $0x0  }
0x50: {  	s29 =	sadd.s32 $0x15880, s26;
	[sflag:s21] =	ssyncadd.s32 $0xFFFFCE00  }
0x51: {  	[spmem:s3] =	stream.indirect.scatter.add.f32 [tilespmem:s19], [sflag:$0x3], $0x80, s29, s17, $0xb8;
	[tilespmem:$0x1DC00] =	vst v63  }
0x52: {  	_ =	swait.ge [sflag:s14], $0x3200  }
0x53: {  	[sflag:s14] =	ssyncset.done $0x0  }
0x54: {  	[sflag:s14] =	ssyncadd.s32 $0xFFFFCE00  }
0x55: {  	[tilespmem:s19], [sflag:$0x2] =	stream.indirect.gather [hbm4b:s2+s17], $0x80, s22, s17, $0xb8;
	[tilespmem:$0x1DC00] =	vst v63  }
0x56: {  	_ =	swait.ge [sflag:s20], $0x3200  }
0x57: {  	[sflag:s20] =	ssyncset.done $0x0  }
0x58: {  	[sflag:s20] =	ssyncadd.s32 $0xFFFFCE00  }
0x59: {  	[spmem:s3] =	stream.indirect.scatter.add.f32 [tilespmem:s18], [sflag:$0x3], $0x80, s23, s17, $0xb8;
	[tilespmem:$0x1DC00] =	vst v63  }
0x5a: {  	_ =	swait.ge [sflag:s14], $0x3200  }
0x5b: {  	[sflag:s14] =	ssyncset.done $0x0  }
0x5c: {  	[sflag:s14] =	ssyncadd.s32 $0xFFFFCE00  }
0x5d: {  	_ =	swait.ge [sflag:s21], $0x3200  }
0x5e: {  	[sflag:s21] =	ssyncset.done $0x0  }
0x5f: {  	[sflag:s21] =	ssyncadd.s32 $0xFFFFCE00  }
0x60: {  	[spmem:s3] =	stream.indirect.scatter.add.f32 [tilespmem:s19], [sflag:$0x3], $0x80, s24, s17, $0xb8;
	[tilespmem:$0x1DC00] =	vst v63  }
0x61: {  	_ =	swait.ge [sflag:s14], $0x3200  }
0x62: {  	[sflag:s14] =	ssyncset.done $0x0  }
0x63: {  	s30 =	simm.s32 $0x0;
	[sflag:s14] =	ssyncadd.s32 $0xFFFFCE00  }
0x64: {  	[tilespmem:s15], [sflag:$0x3] =	stream.linear.gather [hbm4b:s9+s30], $0x1900, $0x38;
	[tilespmem:$0x1DC00] =	vst v63  }
0x65: {  	_ =	swait.ge [sflag:s14], $0x1900  }
0x66: {  	[sflag:s14] =	ssyncset.done $0x0  }
0x67: {  	[sflag:s14] =	ssyncadd.s32 $0xFFFFE700  }
0x68: {  	[tilespmem:s16], [sflag:$0x3] =	stream.linear.gather [hbm4b:s10+s30], $0x1900, $0x38;
	[tilespmem:$0x1DC00] =	vst v63  }
0x69: {  	_ =	swait.ge [sflag:s14], $0x1900  }
0x6a: {  	[sflag:s14] =	ssyncset.done $0x0  }
0x6b: {  	[sflag:s14] =	ssyncadd.s32 $0xFFFFE700  }
0x6c: {  	[tilespmem:s18], [sflag:$0x1] =	stream.indirect.gather [hbm4b:s2+s17], $0x80, s15, s17, $0xb8;
	[tilespmem:$0x1DC00] =	vst v63  }
0x6d: {  	s31 =	simm.s32 $0x13C80  }
0x6e: {  	[tilespmem:s19], [sflag:$0x2] =	stream.indirect.gather [hbm4b:s2+s17], $0x80, s31, s17, $0xb8;
	[tilespmem:$0x1DC00] =	vst v63  }
0x6f: {  	_ =	swait.ge [sflag:s20], $0x3200  }
0x70: {  	[sflag:s20] =	ssyncset.done $0x0  }
0x71: {  	s29 =	simm.s32 $0x15800;
	[sflag:s20] =	ssyncadd.s32 $0xFFFFCE00  }
0x72: {  	[spmem:s3] =	stream.indirect.scatter.add.f32 [tilespmem:s18], [sflag:$0x3], $0x80, s29, s17, $0xb8;
	[tilespmem:$0x1DC00] =	vst v63  }
0x73: {  	_ =	swait.ge [sflag:s14], $0x3200  }
0x74: {  	[sflag:s14] =	ssyncset.done $0x0  }
0x75: {  	s30 =	simm.s32 $0x13D00;
	[sflag:s14] =	ssyncadd.s32 $0xFFFFCE00  }
0x76: {  	[tilespmem:s18], [sflag:$0x1] =	stream.indirect.gather [hbm4b:s2+s17], $0x80, s30, s17, $0xb8;
	[tilespmem:$0x1DC00] =	vst v63  }
0x77: {  	_ =	swait.ge [sflag:s21], $0x3200  }
0x78: {  	[sflag:s21] =	ssyncset.done $0x0  }
0x79: {  	s31 =	simm.s32 $0x15880;
	[sflag:s21] =	ssyncadd.s32 $0xFFFFCE00  }
0x7a: {  	[spmem:s3] =	stream.indirect.scatter.add.f32 [tilespmem:s19], [sflag:$0x3], $0x80, s31, s17, $0xb8;
	[tilespmem:$0x1DC00] =	vst v63  }
0x7b: {  	_ =	swait.ge [sflag:s14], $0x3200  }
0x7c: {  	s26 =	simm.s32 $0x100;
	s28 =	simm.s32 $0x800;
	[sflag:s14] =	ssyncset.done $0x0  }
.LBB2_4:
0x7d: {  	s29 =	sadd.s32 $0x13C80, s26  }
0x7e: {  	[sflag:s14] =	ssyncadd.s32 $0xFFFFCE00;
	s30 =	smov.u32 s28;
	s31 =	sadd.s32 $0x400, s28  }
0x7f: {  	[tilespmem:s19], [sflag:$0x2] =	stream.indirect.gather [hbm4b:s2+s17], $0x80, s29, s17, $0xb8;
	[tilespmem:$0x1DC00] =	vst v63  }
0x80: {  	p0 =	sne.s32 s28, $0x5C00;
	_ =	swait.ge [sflag:s20], $0x3200  }
0x81: {  	[sflag:s20] =	ssyncset.done $0x0  }
0x82: {  	s28 =	sadd.s32 $0x15800, s26;
	[sflag:s20] =	ssyncadd.s32 $0xFFFFCE00  }
0x83: {  	[spmem:s3] =	stream.indirect.scatter.add.f32 [tilespmem:s18], [sflag:$0x3], $0x80, s28, s17, $0xb8;
	[tilespmem:$0x1DC00] =	vst v63  }
0x84: {  	_ =	swait.ge [sflag:s14], $0x3200  }
0x85: {  	[sflag:s14] =	ssyncset.done $0x0  }
0x86: {  	s28 =	sadd.s32 $0x13D00, s26;
	[sflag:s14] =	ssyncadd.s32 $0xFFFFCE00  }
0x87: {  	[tilespmem:s18], [sflag:$0x1] =	stream.indirect.gather [hbm4b:s2+s17], $0x80, s28, s17, $0xb8;
	[tilespmem:$0x1DC00] =	vst v63  }
0x88: {  	_ =	swait.ge [sflag:s21], $0x3200  }
.Ltmp1:
0x89: {  	[sflag:s21] =	ssyncset.done $0x0;
	(pc) =	sbr.rel @p0 .LBB2_4-.Ltmp1, $4  }
0x8a: {  	s26 =	sadd.s32 $0x15880, s26;
	[sflag:s21] =	ssyncadd.s32 $0xFFFFCE00  }
0x8b: {  	[spmem:s3] =	stream.indirect.scatter.add.f32 [tilespmem:s19], [sflag:$0x3], $0x80, s26, s17, $0xb8;
	[tilespmem:$0x1DC00] =	vst v63  }
0x8c: {  	_ =	swait.ge [sflag:s14], $0x3200  }
0x8d: {  	s28 =	smov.u32 s31;
	s26 =	sshra.s32 s30, $0x2;
	[sflag:s14] =	ssyncset.done $0x0  }
0x8e: {  	s28 =	sadd.s32 $0x13C80, s26;
	[sflag:s14] =	ssyncadd.s32 $0xFFFFCE00  }
0x8f: {  	[tilespmem:s19], [sflag:$0x2] =	stream.indirect.gather [hbm4b:s2+s17], $0x80, s28, s17, $0xb8;
	[tilespmem:$0x1DC00] =	vst v63  }
0x90: {  	_ =	swait.ge [sflag:s20], $0x3200  }
0x91: {  	[sflag:s20] =	ssyncset.done $0x0  }
0x92: {  	s29 =	sadd.s32 $0x15800, s26;
	[sflag:s20] =	ssyncadd.s32 $0xFFFFCE00  }
0x93: {  	[spmem:s3] =	stream.indirect.scatter.add.f32 [tilespmem:s18], [sflag:$0x3], $0x80, s29, s17, $0xb8;
	[tilespmem:$0x1DC00] =	vst v63  }
0x94: {  	_ =	swait.ge [sflag:s14], $0x3200  }
0x95: {  	[sflag:s14] =	ssyncset.done $0x0  }
0x96: {  	s30 =	sadd.s32 $0x13D00, s26;
	[sflag:s14] =	ssyncadd.s32 $0xFFFFCE00  }
0x97: {  	[tilespmem:s18], [sflag:$0x1] =	stream.indirect.gather [hbm4b:s2+s17], $0x80, s30, s17, $0xb8;
	[tilespmem:$0x1DC00] =	vst v63  }
0x98: {  	_ =	swait.ge [sflag:s21], $0x3200  }
0x99: {  	[sflag:s21] =	ssyncset.done $0x0  }
0x9a: {  	s31 =	sadd.s32 $0x15880, s26;
	[sflag:s21] =	ssyncadd.s32 $0xFFFFCE00  }
0x9b: {  	[spmem:s3] =	stream.indirect.scatter.add.f32 [tilespmem:s19], [sflag:$0x3], $0x80, s31, s17, $0xb8;
	[tilespmem:$0x1DC00] =	vst v63  }
0x9c: {  	_ =	swait.ge [sflag:s14], $0x3200  }
0x9d: {  	[sflag:s14] =	ssyncset.done $0x0  }
0x9e: {  	[sflag:s14] =	ssyncadd.s32 $0xFFFFCE00  }
0x9f: {  	[tilespmem:s19], [sflag:$0x2] =	stream.indirect.gather [hbm4b:s2+s17], $0x80, s22, s17, $0xb8;
	[tilespmem:$0x1DC00] =	vst v63  }
0xa0: {  	_ =	swait.ge [sflag:s20], $0x3200  }
0xa1: {  	[sflag:s20] =	ssyncset.done $0x0  }
0xa2: {  	[sflag:s20] =	ssyncadd.s32 $0xFFFFCE00  }
0xa3: {  	[spmem:s3] =	stream.indirect.scatter.add.f32 [tilespmem:s18], [sflag:$0x3], $0x80, s23, s17, $0xb8;
	[tilespmem:$0x1DC00] =	vst v63  }
0xa4: {  	_ =	swait.ge [sflag:s14], $0x3200  }
0xa5: {  	[sflag:s14] =	ssyncset.done $0x0  }
0xa6: {  	[sflag:s14] =	ssyncadd.s32 $0xFFFFCE00  }
0xa7: {  	_ =	swait.ge [sflag:s21], $0x3200  }
0xa8: {  	[sflag:s21] =	ssyncset.done $0x0  }
0xa9: {  	[sflag:s21] =	ssyncadd.s32 $0xFFFFCE00  }
0xaa: {  	[spmem:s3] =	stream.indirect.scatter.add.f32 [tilespmem:s19], [sflag:$0x3], $0x80, s24, s17, $0xb8;
	[tilespmem:$0x1DC00] =	vst v63  }
0xab: {  	_ =	swait.ge [sflag:s14], $0x3200  }
0xac: {  	s25 =	sadd.s32 $0x1, s25;
	[sflag:s14] =	ssyncset.done $0x0  }
0xad: {  	p0 =	sne.s32 s25, s12;
	[sflag:s14] =	ssyncadd.s32 $0xFFFFCE00  }
.Ltmp2:
0xae: {  	[bflag:$0x0] =	sbarrier.arrive $0xFFFF;
	(pc) =	sbr.rel @p0 .LBB2_1-.Ltmp2, $4  }
0xaf: {  	[hbm:s11], [sflag:s6] =	dma.local [spmem:s13], $0x2780  }
0xb0: {  	_ =	swait.ge [sflag:s14], $0x2780  }
0xb1: {  	[sflag:s14] =	ssyncset.done $0x0  }
0xb2: {  	[sflag:s14] =	ssyncadd.s32 $0xFFFFD880  }
0xb3: {  	_ =	sfence.sel $0x180000  }
0xb4: {  	[bflag:$0x0] =	sbarrier.arrive $0xFFFF  }
0xb5: {  	p0 =	sne.s32 s1, $0x0;
	_ =	strace $0x9000004A  }
0xb6: {  	s0 =	sadd.s32 @!p0 $0x100000, s0;
	[bflag:$0x2] =	sbarrier.arrive $0xFFFF  }
0xb7: {  	[sflag:s0] =	ssyncadd.tile.s32 @!p0 $0x1;
	_ =	shalt  }
.Lfunc_end2:
_tile_overlayer_lowered:
.L_overlay_start_2:
0xb8: {  	(tag) =	ssettag $0x2  }
0xb9: {  	s0 =	rddreg [dreg:$0x0];
	s2 =	stileid.u32  }
0xba: {  	s1 =	rddreg [dreg:$0x1];
	p0 =	sne.s32 s2, $0x0  }
0xbb: {  	s3 =	rddreg [dreg:$0x2];
	[bflag:$0x3] =	sbarrier.arrive $0xFFFF;
	s2 =	simm.s32 @!p0 $0x1C03  }
0xbc: {  	[timem:s3], [sflag:s2] =	dma.local @!p0 [hbm:s0], s1  }
0xbd: {  	s0 =	simm.s32 @!p0 $0x3  }
0xbe: {  	_ =	swait.ge @!p0 [sflag:s0], s1  }
0xbf: {  	s1 =	ssub.s32 @!p0 $0x0, s1;
	[sflag:s0] =	ssyncset.done @!p0 $0x0  }
0xc0: {  	[sflag:s0] =	ssyncadd.s32 @!p0 s1  }
0xc1: {  	[bflag:$0x3] =	sbarrier.arrive $0xFFFF  }
0xc2: {  	_ =	shalt  }

// kernel: kernel.15.cloned.1.call-start
scs
__scs_entry_jumppad:
0x0: {  	(pc) =	sbr.rel $0x88, $3  }
0x1: {  	(tag) =	ssettag $0x0;
	lr =	simm.s32 $0x1  }
0x2: {  	[smem:$0x3F96] =	sst lr;
	_ =	strace $0xD0000000  }
0x3: {  	_ = 	snop  }
0x4: {  	_ = 	snop  }
0x5: {  	_ = 	snop  }
0x6: {  	_ = 	snop  }
0x7: {  	_ = 	snop  }
__scs_overlays_trampoline_lowered:
0x8: {  	[smem:$0x3FA5] =	sst s0  }
0x9: {  	[smem:$0x3FA6] =	sst s1  }
0xa: {  	[smem:$0x3FA7] =	sst s2  }
0xb: {  	[smem:$0x3FA8] =	sst s3  }
0xc: {  	[smem:$0x3FA9] =	sst s4  }
0xd: {  	[smem:$0x3FAA] =	sst s5  }
0xe: {  	[smem:$0x3FAB] =	sst s6  }
0xf: {  	[smem:$0x3FAC] =	sst s7  }
0x10: {  	[smem:$0x3FAD] =	sst s8  }
0x11: {  	[smem:$0x3FAE] =	sst s9;
	s0 =	simm.s32 @!p0 $0x0  }
0x12: {  	s1 =	sld [smem:$0x3F94];
	s0 =	simm.s32 @p0 $0x1  }
0x13: {  	[smem:$0x3FAF] =	sst s0;
	s0 =	simm.s32 @!p1 $0x0  }
0x14: {  	s2 =	sld [smem:$0x3F93];
	s0 =	simm.s32 @p1 $0x1  }
0x15: {  	[smem:$0x3FB0] =	sst s0;
	s0 =	simm.s32 @!p2 $0x0  }
0x16: {  	s3 =	sld [smem:$0x3FDB];
	s0 =	simm.s32 @p2 $0x1  }
0x17: {  	s4 =	simm.s32 $0x1BF5;
	[smem:$0x3FB2] =	sst s0  }
0x18: {  	s0 =	sld [smem:$0x3F95];
	_ =	swait.ge [sflag:s4], $0x0  }
0x19: {  	s7 =	sld [smem:$0x3F96]  }
0x1a: {  	s8 =	sadd.s32 $0xFFFFE003, lr  }
0x1b: {  	s9 =	sadd.s32 $0xFFFFFEF7, lr;
	s5 =	simm.s32 $0xFFFFFFFF;
	p2 =	slt.u32 s8, $0xFFFFF086  }
0x1c: {  	p1 =	slt.u32 s9, $0xF7A;
	s5 =	simm.s32 @!p2 $0x0  }
0x1d: {  	s5 =	simm.s32 @p1 $0x1;
	p0 =	seq.s32 s7, s2  }
0x1e: {  	s7 =	smul.u32 @!p0 $0xF7A, s2;
	p2 =	seq.s32 @!p0 s5, $0x0  }
0x1f: {  	s9 =	smul.u32 $0xF7A, s1;
	s8 =	simm.s32 @!p0 $0x1BF5;
	p2 =	por !p2, p0  }
0x20: {  	[sflag:s8] =	ssyncset.s32 @!p0 $0xFFFFF086;
	s6 =	sadd.s32 @!p0 s3, s7;
	s7 =	simm.s32 @!p0 $0x108  }
0x21: {  	s3 =	sadd.s32 s3, s9;
	s6 =	sadd.s32 @!p0 $0x88, s6;
	s7 =	simm.s32 @p2 $0x1082  }
0x22: {  	[simem:s7], [sflag:s8] =	dma.local @!p0 [hbm:s6], $0xF7A  }
0x23: {  	s9 =	sor.u32 $0xD0000000, s2;
	s6 =	simm.s32 $0x108;
	_ =	swait.ge @!p0 [sflag:s8], $0x0  }
0x24: {  	s3 =	sadd.s32 $0x88, s3;
	s6 =	simm.s32 @!p1 $0x1082;
	[sflag:s4] =	ssyncset.s32 $0xFFFFF086  }
0x25: {  	[simem:s6], [sflag:s4] =	dma.local [hbm:s3], $0xF7A  }
0x26: {  	[smem:$0x3F96] =	sst s1;
	(tag) =	ssettag s2;
	_ =	strace s9  }
0x27: {  	s1 =	sld [smem:$0x3FA6]  }
0x28: {  	s2 =	sld [smem:$0x3FA7]  }
0x29: {  	s4 =	sld [smem:$0x3FA9]  }
0x2a: {  	p0 =	seq.s32 s5, $0x0;
	s5 =	sld [smem:$0x3FAA]  }
0x2b: {  	s6 =	sld [smem:$0x3FAB]  }
0x2c: {  	s7 =	sld [smem:$0x3FAC]  }
0x2d: {  	s3 =	simm.s32 $0x108;
	s8 =	sld [smem:$0x3FAD]  }
0x2e: {  	s3 =	simm.s32 @!p0 $0x1082;
	s9 =	sld [smem:$0x3FAE]  }
0x2f: {  	lr =	sadd.s32 s0, s3;
	s0 =	sld [smem:$0x3FA5]  }
0x30: {  	s3 =	sld [smem:$0x3FA8]  }
0x31: {  	[smem:$0x3FB1] =	sst s10  }
0x32: {  	s10 =	sld [smem:$0x3FAF];
	_ =	sdelay $0x3  }
0x33: {  	p0 =	seq.s32 s10, $0x1;
	s10 =	sld [smem:$0x3FB1];
	_ =	sdelay $0x3  }
0x34: {  	[smem:$0x3FB1] =	sst s10  }
0x35: {  	s10 =	sld [smem:$0x3FB0];
	_ =	sdelay $0x3  }
0x36: {  	p1 =	seq.s32 s10, $0x1;
	s10 =	sld [smem:$0x3FB1];
	_ =	sdelay $0x3  }
0x37: {  	[smem:$0x3FB1] =	sst s10  }
0x38: {  	s10 =	sld [smem:$0x3FB2]  }
0x39: {  	_ = 	snop;
	(pc) =	sbr.ind lr, $3  }
0x3a: {  	_ = 	snop  }
0x3b: {  	_ = 	snop  }
0x3c: {  	p2 =	seq.s32 s10, $0x1;
	s10 =	sld [smem:$0x3FB1]  }
0x3d: {  	_ =	shalt  }
0x3e: {  	_ =	shalt  }
0x3f: {  	_ =	shalt  }
0x40: {  	_ =	shalt  }
0x41: {  	_ =	shalt  }
0x42: {  	_ =	shalt  }
0x43: {  	_ =	shalt  }
0x44: {  	_ =	shalt  }
0x45: {  	_ =	shalt  }
0x46: {  	_ =	shalt  }
0x47: {  	_ =	shalt  }
0x48: {  	_ =	shalt  }
0x49: {  	_ =	shalt  }
0x4a: {  	_ =	shalt  }
0x4b: {  	_ =	shalt  }
0x4c: {  	_ =	shalt  }
0x4d: {  	_ =	shalt  }
0x4e: {  	_ =	shalt  }
0x4f: {  	_ =	shalt  }
0x50: {  	_ =	shalt  }
0x51: {  	_ =	shalt  }
0x52: {  	_ =	shalt  }
0x53: {  	_ =	shalt  }
0x54: {  	_ =	shalt  }
0x55: {  	_ =	shalt  }
0x56: {  	_ =	shalt  }
0x57: {  	_ =	shalt  }
0x58: {  	_ =	shalt  }
0x59: {  	_ =	shalt  }
0x5a: {  	_ =	shalt  }
0x5b: {  	_ =	shalt  }
0x5c: {  	_ =	shalt  }
0x5d: {  	_ =	shalt  }
0x5e: {  	_ =	shalt  }
0x5f: {  	_ =	shalt  }
0x60: {  	_ =	shalt  }
0x61: {  	_ =	shalt  }
0x62: {  	_ =	shalt  }
0x63: {  	_ =	shalt  }
0x64: {  	_ =	shalt  }
0x65: {  	_ =	shalt  }
0x66: {  	_ =	shalt  }
0x67: {  	_ =	shalt  }
0x68: {  	_ =	shalt  }
0x69: {  	_ =	shalt  }
0x6a: {  	_ =	shalt  }
0x6b: {  	_ =	shalt  }
0x6c: {  	_ =	shalt  }
0x6d: {  	_ =	shalt  }
0x6e: {  	_ =	shalt  }
0x6f: {  	_ =	shalt  }
0x70: {  	_ =	shalt  }
0x71: {  	_ =	shalt  }
0x72: {  	_ =	shalt  }
0x73: {  	_ =	shalt  }
0x74: {  	_ =	shalt  }
0x75: {  	_ =	shalt  }
0x76: {  	_ =	shalt  }
0x77: {  	_ =	shalt  }
0x78: {  	_ =	shalt  }
0x79: {  	_ =	shalt  }
0x7a: {  	_ =	shalt  }
0x7b: {  	_ =	shalt  }
0x7c: {  	_ =	shalt  }
0x7d: {  	_ =	shalt  }
0x7e: {  	_ =	shalt  }
0x7f: {  	_ =	shalt  }
0x80: {  	_ =	shalt  }
0x81: {  	_ =	shalt  }
0x82: {  	_ =	shalt  }
0x83: {  	_ =	shalt  }
0x84: {  	_ =	shalt  }
0x85: {  	_ =	shalt  }
0x86: {  	_ =	shalt  }
0x87: {  	_ =	shalt  }
.Lfunc_end0:
.L_simem_size_0:
called_computation.2_lowered:
.L_overlay_start_0:
0x88: {  	s2 =	sld [smem:$0x3FD9]  }
0x89: {  	s3 =	sld [smem:$0x3FFE];
	_ =	sdelay $0x1  }
0x8a: {  	s1 =	srdreg.scid  }
0x8b: {  	s0 =	sand.u32 $0x1, s1  }
0x8c: {  	s17 =	sshll.u32 s0, $0xA;
	s2 =	sadd.s32 s3, s2  }
0x8d: {  	s2 =	sadd.s32 s2, s17  }
0x8e: {  	[smem:$0x3FBD] =	sst s2  }
0x8f: {  	_ = 	snop  }
0x90: {  	s2 =	sld [smem:$0x3FD0];
	(tm) =	ssettm $0x1  }
0x91: {  	s18 =	sld [smem:$0x3FFB];
	_ =	sdelay $0x3  }
0x92: {  	_ =	strace s18  }
0x93: {  	s3 =	sld [smem:$0x3FFC];
	_ =	sdelay $0x3  }
0x94: {  	_ =	strace s3  }
0x95: {  	s3 =	sld [smem:$0x3FFD];
	_ =	sdelay $0x3  }
0x96: {  	_ =	strace s3  }
0x97: {  	_ =	strace $0x8FFFFFFF  }
0x98: {  	s19 =	sld [smem:$0x3FDB];
	_ =	sdelay $0x1  }
0x99: {  	s4 =	simm.s32 $_scs_section_size  }
0x9a: {  	s5 =	simm.s32 $_size__tile_overlayer_lowered;
	s6 =	simm.s32 $_tile_overlayer_lowered  }
0x9b: {  	s22 =	simm.s32 $0x1BFF;
	s21 =	sshll.u32 s6, $0x1;
	s3 =	sadd.s32 s4, s19  }
0x9c: {  	s7 =	simm.s32 $0x0;
	s20 =	sshll.u32 s5, $0x1;
	s5 =	sadd.s32 s21, s3  }
0x9d: {  	[timem:s7], [sflag:s22] =	dma.local [hbm:s5], s20  }
0x9e: {  	_ =	swait.ge [sflag:s22], s20  }
0x9f: {  	s4 =	ssub.s32 $0x0, s20;
	[sflag:s22] =	ssyncset.done $0x0  }
0xa0: {  	[sflag:s22] =	ssyncadd.s32 s4;
	_ =	sdelay $0x1  }
0xa1: {  	s23 =	simm.s32 $0x1B8B  }
0xa2: {  	_ =	swait.ge [sflag:s23], $0x1  }
0xa3: {  	[sflag:s23] =	ssyncset.done $0x0  }
0xa4: {  	s25 =	simm.s32 $0x1B8E;
	s24 =	sld [smem:$0x3FFE];
	[sflag:s23] =	ssyncadd.s32 $0xFFFFFFFF  }
0xa5: {  	s26 =	simm.s32 $execute0_lowered;
	[smem:$0x3FD2] =	sst s25  }
0xa6: {  	s5 =	sshll.u32 s26, $0x1;
	_ =	strace $0x8000004C;
	[dreg:$0x1] =	wrdreg $0xFFFFFFFF  }
0xa7: {  	s28 =	simm.s32 $_size_execute0_lowered;
	s3 =	sadd.s32 s3, s5;
	[dreg:$0x0] =	wrdreg $0x0  }
0xa8: {  	s5 =	sshll.u32 s28, $0x1;
	[dreg:$0x2] =	wrdreg s3  }
0xa9: {  	[dreg:$0x3] =	wrdreg s5  }
0xaa: {  	[dreg:$0x4] =	wrdreg $0xC0  }
0xab: {  	_ =	task [dreg:s7], $0x5FFFF  }
0xac: {  	[dreg:$0x1] =	wrdreg $0xFFFFFFFF  }
0xad: {  	[dreg:$0x0] =	wrdreg $0x60  }
0xae: {  	[dreg:$0x2] =	wrdreg s2  }
0xaf: {  	[dreg:$0x3] =	wrdreg s24  }
0xb0: {  	[dreg:$0x4] =	wrdreg $0x0  }
0xb1: {  	[dreg:$0x5] =	wrdreg $0x9  }
0xb2: {  	_ =	task.clear_ibuf [dreg:s7], $0x6FFFF;
	_ =	strace $0x9000004C  }
0xb3: {  	s29 =	simm.s32 $0x9;
	_ =	strace $0x8000004E  }
0xb4: {  	_ =	swait.ge [sflag:s29], $0x1  }
0xb5: {  	[sflag:s29] =	ssyncadd.s32 $0xFFFFFFFF  }
0xb6: {  	_ =	strace $0x9000004E  }
0xb7: {  	_ =	sfence  }
0xb8: {  	s30 =	sld [smem:$0x0];
	_ =	sdelay $0x2  }
0xb9: {  	s31 =	sshll.u32 s1, $0xD;
	s1 =	sshrl.u32 s1, $0x2  }
0xba: {  	s3 =	sand.u32 $0x4000, s31;
	s1 =	sadd.s32 s1, s30  }
0xbb: {  	s0 =	sor.u32 s3, s0;
	s1 =	sshll.u32 s1, $0x11  }
0xbc: {  	s0 =	sor.u32 s1, s0  }
0xbd: {  	s0 =	sadd.s32 $0x8F2B, s0  }
0xbe: {  	[sflag:s0] =	ssyncadd.remote.s32 $0x1  }
0xbf: {  	_ =	sfence.sel $0xFFFF  }
0xc0: {  	[dreg:$0x0] =	wrdreg $0xFFFFFFFF;
	(pc) =	sbr.abs _section_cstart, $3  }
0xc1: {  	[dreg:$0x1] =	wrdreg $0xFFFFFFFF  }
0xc2: {  	_ =	task.clear_ibuf [dreg:s7], $0x2FFFF;
	_ =	strace $0x9FFFFFFF  }
0xc3: {  	(tm) =	ssettm $0x7FFFFFFF  }
tec
execute0_lowered:
.L_overlay_start_1:
0x0: {  	(tag) =	ssettag $0x1  }
0x1: {  	s2 =	rddreg [dreg:$0x0]  }
0x2: {  	s5 =	rddreg [dreg:$0x1]  }
0x3: {  	s3 =	rddreg [dreg:$0x2]  }
0x4: {  	s0 =	rddreg [dreg:$0x3]  }
0x5: {  	s1 =	stileid.u32;
	s4 =	simm.s32 $0x0;
	s7 =	srdreg.scid  }
0x6: {  	s16 =	simm.s32 $0x15800;
	s17 =	simm.s32 $0x64;
	s18 =	simm.s32 $0x17400  }
0x7: {  	s19 =	simm.s32 $0x1A800;
	s20 =	simm.s32 $0x1;
	s21 =	simm.s32 $0x2  }
0x8: {  	s22 =	simm.s32 $0x15480;
	s23 =	simm.s32 $0x17000;
	s24 =	simm.s32 $0x17080  }
0x9: {  	s25 =	simm.s32 $0x0;
	s6 =	smul.u32 $0x13C00, s1;
	[smem:$0x7FF] =	sst s4  }
0xa: {  	s7 =	sand.u32 $0x1, s7;
	s10 =	sadd.s32 $0x87800, s5;
	s11 =	sadd.s32 $0x3000, s5  }
0xb: {  	s26 =	smul.u32 $0x4F000, s1;
	s12 =	sshll.u32 s1, $0x1;
	s30 =	sshll.u32 s1, $0x6  }
0xc: {  	_ =	strace $0x8000004D;
	s9 =	smul.u32 $0x13C000, s7;
	s13 =	ssub.s32 $0x2, s7  }
0xd: {  	s7 =	sor.u32 s7, s12;
	s8 =	sshrl.u32 s6, $0x3;
	s28 =	sshrl.u32 s13, $0x1  }
0xe: {  	s7 =	smul.u32 $0x3800, s7;
	s8 =	sadd.s32 s8, s5;
	s6 =	sadd.s32 s6, s9  }
0xf: {  	s9 =	sshrl.u32 s26, $0x2;
	s12 =	ssub.s32 s13, s28;
	s6 =	sshrl.u32 s6, $0x3  }
0x10: {  	s29 =	sadd.s32 s9, s3;
	s31 =	sshrl.u32 s7, $0x3;
	s12 =	smax.u32 s12, $0x1  }
0x11: {  	s14 =	sadd.s32 s6, s5;
	s5 =	sadd.s32 $0x11000, s8;
	s6 =	sor.u32 $0x1C03, s30  }
0x12: {  	s7 =	sadd.s32 s10, s31;
	s15 =	sadd.s32 $0x380, s31;
	s8 =	sadd.s32 s11, s31  }
0x13: {  	s13 =	sshrl.u32 s29, $0x3;
	s9 =	sadd.s32 s10, s15;
	s10 =	sadd.s32 s11, s15  }
0x14: {  	s11 =	sadd.s32 $0x95800, s14;
	s14 =	simm.s32 $0x3;
	s15 =	simm.s32 $0x13C00  }
.LBB2_1:
0x15: {  	[spmem:s13], [sflag:s6] =	dma.local [hbm:s5], $0x2780  }
0x16: {  	_ =	swait.ge [sflag:s14], $0x2780  }
0x17: {  	[sflag:s14] =	ssyncset.done $0x0  }
0x18: {  	[sflag:s14] =	ssyncadd.s32 $0xFFFFD880  }
0x19: {  	[bflag:$0x0] =	sbarrier.arrive $0xFFFF  }
0x1a: {  	[tilespmem:s15], [sflag:$0x3] =	stream.linear.gather [hbm4b:s7+s4], $0x1900, $0x38;
	[tilespmem:$0x1DC00] =	vst v63  }
0x1b: {  	_ =	swait.ge [sflag:s14], $0x1900  }
0x1c: {  	[sflag:s14] =	ssyncset.done $0x0  }
0x1d: {  	[sflag:s14] =	ssyncadd.s32 $0xFFFFE700  }
0x1e: {  	[tilespmem:s16], [sflag:$0x3] =	stream.linear.gather [hbm4b:s8+s4], $0x1900, $0x38;
	[tilespmem:$0x1DC00] =	vst v63  }
0x1f: {  	_ =	swait.ge [sflag:s14], $0x1900  }
0x20: {  	[sflag:s14] =	ssyncset.done $0x0  }
0x21: {  	[sflag:s14] =	ssyncadd.s32 $0xFFFFE700  }
0x22: {  	[tilespmem:s18], [sflag:$0x1] =	stream.indirect.gather [hbm4b:s2+s17], $0x80, s15, s17, $0xb8;
	[tilespmem:$0x1DC00] =	vst v63  }
0x23: {  	s26 =	simm.s32 $0x13C80  }
0x24: {  	[tilespmem:s19], [sflag:$0x2] =	stream.indirect.gather [hbm4b:s2+s17], $0x80, s26, s17, $0xb8;
	[tilespmem:$0x1DC00] =	vst v63  }
0x25: {  	_ =	swait.ge [sflag:s20], $0x3200  }
0x26: {  	[sflag:s20] =	ssyncset.done $0x0  }
0x27: {  	s29 =	simm.s32 $0x15800;
	[sflag:s20] =	ssyncadd.s32 $0xFFFFCE00  }
0x28: {  	[spmem:s3] =	stream.indirect.scatter.add.f32 [tilespmem:s18], [sflag:$0x3], $0x80, s29, s17, $0xb8;
	[tilespmem:$0x1DC00] =	vst v63  }
0x29: {  	_ =	swait.ge [sflag:s14], $0x3200  }
0x2a: {  	[sflag:s14] =	ssyncset.done $0x0  }
0x2b: {  	s30 =	simm.s32 $0x13D00;
	[sflag:s14] =	ssyncadd.s32 $0xFFFFCE00  }
0x2c: {  	[tilespmem:s18], [sflag:$0x1] =	stream.indirect.gather [hbm4b:s2+s17], $0x80, s30, s17, $0xb8;
	[tilespmem:$0x1DC00] =	vst v63  }
0x2d: {  	_ =	swait.ge [sflag:s21], $0x3200  }
0x2e: {  	[sflag:s21] =	ssyncset.done $0x0  }
0x2f: {  	s31 =	simm.s32 $0x15880;
	[sflag:s21] =	ssyncadd.s32 $0xFFFFCE00  }
0x30: {  	[spmem:s3] =	stream.indirect.scatter.add.f32 [tilespmem:s19], [sflag:$0x3], $0x80, s31, s17, $0xb8;
	[tilespmem:$0x1DC00] =	vst v63  }
0x31: {  	_ =	swait.ge [sflag:s14], $0x3200  }
0x32: {  	s28 =	simm.s32 $0x800;
	s26 =	simm.s32 $0x100;
	[sflag:s14] =	ssyncset.done $0x0  }
.LBB2_2:
0x33: {  	s29 =	sadd.s32 $0x13C80, s26  }
0x34: {  	[sflag:s14] =	ssyncadd.s32 $0xFFFFCE00;
	s30 =	smov.u32 s28;
	s31 =	sadd.s32 $0x400, s28  }
0x35: {  	[tilespmem:s19], [sflag:$0x2] =	stream.indirect.gather [hbm4b:s2+s17], $0x80, s29, s17, $0xb8;
	[tilespmem:$0x1DC00] =	vst v63  }
0x36: {  	p0 =	sne.s32 s28, $0x5C00;
	_ =	swait.ge [sflag:s20], $0x3200  }
0x37: {  	[sflag:s20] =	ssyncset.done $0x0  }
0x38: {  	s28 =	sadd.s32 $0x15800, s26;
	[sflag:s20] =	ssyncadd.s32 $0xFFFFCE00  }
0x39: {  	[spmem:s3] =	stream.indirect.scatter.add.f32 [tilespmem:s18], [sflag:$0x3], $0x80, s28, s17, $0xb8;
	[tilespmem:$0x1DC00] =	vst v63  }
0x3a: {  	_ =	swait.ge [sflag:s14], $0x3200  }
0x3b: {  	[sflag:s14] =	ssyncset.done $0x0  }
0x3c: {  	s28 =	sadd.s32 $0x13D00, s26;
	[sflag:s14] =	ssyncadd.s32 $0xFFFFCE00  }
0x3d: {  	[tilespmem:s18], [sflag:$0x1] =	stream.indirect.gather [hbm4b:s2+s17], $0x80, s28, s17, $0xb8;
	[tilespmem:$0x1DC00] =	vst v63  }
0x3e: {  	_ =	swait.ge [sflag:s21], $0x3200  }
.Ltmp0:
0x3f: {  	[sflag:s21] =	ssyncset.done $0x0;
	(pc) =	sbr.rel @p0 .LBB2_2-.Ltmp0, $4  }
0x40: {  	s26 =	sadd.s32 $0x15880, s26;
	[sflag:s21] =	ssyncadd.s32 $0xFFFFCE00  }
0x41: {  	[spmem:s3] =	stream.indirect.scatter.add.f32 [tilespmem:s19], [sflag:$0x3], $0x80, s26, s17, $0xb8;
	[tilespmem:$0x1DC00] =	vst v63  }
0x42: {  	_ =	swait.ge [sflag:s14], $0x3200  }
0x43: {  	s28 =	smov.u32 s31;
	s26 =	sshra.s32 s30, $0x2;
	[sflag:s14] =	ssyncset.done $0x0  }
0x44: {  	s28 =	sadd.s32 $0x13C80, s26;
	[sflag:s14] =	ssyncadd.s32 $0xFFFFCE00  }
0x45: {  	[tilespmem:s19], [sflag:$0x2] =	stream.indirect.gather [hbm4b:s2+s17], $0x80, s28, s17, $0xb8;
	[tilespmem:$0x1DC00] =	vst v63  }
0x46: {  	_ =	swait.ge [sflag:s20], $0x3200  }
0x47: {  	[sflag:s20] =	ssyncset.done $0x0  }
0x48: {  	s28 =	sadd.s32 $0x15800, s26;
	[sflag:s20] =	ssyncadd.s32 $0xFFFFCE00  }
0x49: {  	[spmem:s3] =	stream.indirect.scatter.add.f32 [tilespmem:s18], [sflag:$0x3], $0x80, s28, s17, $0xb8;
	[tilespmem:$0x1DC00] =	vst v63  }
0x4a: {  	_ =	swait.ge [sflag:s14], $0x3200  }
0x4b: {  	[sflag:s14] =	ssyncset.done $0x0  }
0x4c: {  	s28 =	sadd.s32 $0x13D00, s26;
	[sflag:s14] =	ssyncadd.s32 $0xFFFFCE00  }
0x4d: {  	[tilespmem:s18], [sflag:$0x1] =	stream.indirect.gather [hbm4b:s2+s17], $0x80, s28, s17, $0xb8;
	[tilespmem:$0x1DC00] =	vst v63  }
0x4e: {  	_ =	swait.ge [sflag:s21], $0x3200  }
0x4f: {  	[sflag:s21] =	ssyncset.done $0x0  }
0x50: {  	s29 =	sadd.s32 $0x15880, s26;
	[sflag:s21] =	ssyncadd.s32 $0xFFFFCE00  }
0x51: {  	[spmem:s3] =	stream.indirect.scatter.add.f32 [tilespmem:s19], [sflag:$0x3], $0x80, s29, s17, $0xb8;
	[tilespmem:$0x1DC00] =	vst v63  }
0x52: {  	_ =	swait.ge [sflag:s14], $0x3200  }
0x53: {  	[sflag:s14] =	ssyncset.done $0x0  }
0x54: {  	[sflag:s14] =	ssyncadd.s32 $0xFFFFCE00  }
0x55: {  	[tilespmem:s19], [sflag:$0x2] =	stream.indirect.gather [hbm4b:s2+s17], $0x80, s22, s17, $0xb8;
	[tilespmem:$0x1DC00] =	vst v63  }
0x56: {  	_ =	swait.ge [sflag:s20], $0x3200  }
0x57: {  	[sflag:s20] =	ssyncset.done $0x0  }
0x58: {  	[sflag:s20] =	ssyncadd.s32 $0xFFFFCE00  }
0x59: {  	[spmem:s3] =	stream.indirect.scatter.add.f32 [tilespmem:s18], [sflag:$0x3], $0x80, s23, s17, $0xb8;
	[tilespmem:$0x1DC00] =	vst v63  }
0x5a: {  	_ =	swait.ge [sflag:s14], $0x3200  }
0x5b: {  	[sflag:s14] =	ssyncset.done $0x0  }
0x5c: {  	[sflag:s14] =	ssyncadd.s32 $0xFFFFCE00  }
0x5d: {  	_ =	swait.ge [sflag:s21], $0x3200  }
0x5e: {  	[sflag:s21] =	ssyncset.done $0x0  }
0x5f: {  	[sflag:s21] =	ssyncadd.s32 $0xFFFFCE00  }
0x60: {  	[spmem:s3] =	stream.indirect.scatter.add.f32 [tilespmem:s19], [sflag:$0x3], $0x80, s24, s17, $0xb8;
	[tilespmem:$0x1DC00] =	vst v63  }
0x61: {  	_ =	swait.ge [sflag:s14], $0x3200  }
0x62: {  	[sflag:s14] =	ssyncset.done $0x0  }
0x63: {  	s30 =	simm.s32 $0x0;
	[sflag:s14] =	ssyncadd.s32 $0xFFFFCE00  }
0x64: {  	[tilespmem:s15], [sflag:$0x3] =	stream.linear.gather [hbm4b:s9+s30], $0x1900, $0x38;
	[tilespmem:$0x1DC00] =	vst v63  }
0x65: {  	_ =	swait.ge [sflag:s14], $0x1900  }
0x66: {  	[sflag:s14] =	ssyncset.done $0x0  }
0x67: {  	[sflag:s14] =	ssyncadd.s32 $0xFFFFE700  }
0x68: {  	[tilespmem:s16], [sflag:$0x3] =	stream.linear.gather [hbm4b:s10+s30], $0x1900, $0x38;
	[tilespmem:$0x1DC00] =	vst v63  }
0x69: {  	_ =	swait.ge [sflag:s14], $0x1900  }
0x6a: {  	[sflag:s14] =	ssyncset.done $0x0  }
0x6b: {  	[sflag:s14] =	ssyncadd.s32 $0xFFFFE700  }
0x6c: {  	[tilespmem:s18], [sflag:$0x1] =	stream.indirect.gather [hbm4b:s2+s17], $0x80, s15, s17, $0xb8;
	[tilespmem:$0x1DC00] =	vst v63  }
0x6d: {  	s31 =	simm.s32 $0x13C80  }
0x6e: {  	[tilespmem:s19], [sflag:$0x2] =	stream.indirect.gather [hbm4b:s2+s17], $0x80, s31, s17, $0xb8;
	[tilespmem:$0x1DC00] =	vst v63  }
0x6f: {  	_ =	swait.ge [sflag:s20], $0x3200  }
0x70: {  	[sflag:s20] =	ssyncset.done $0x0  }
0x71: {  	s29 =	simm.s32 $0x15800;
	[sflag:s20] =	ssyncadd.s32 $0xFFFFCE00  }
0x72: {  	[spmem:s3] =	stream.indirect.scatter.add.f32 [tilespmem:s18], [sflag:$0x3], $0x80, s29, s17, $0xb8;
	[tilespmem:$0x1DC00] =	vst v63  }
0x73: {  	_ =	swait.ge [sflag:s14], $0x3200  }
0x74: {  	[sflag:s14] =	ssyncset.done $0x0  }
0x75: {  	s30 =	simm.s32 $0x13D00;
	[sflag:s14] =	ssyncadd.s32 $0xFFFFCE00  }
0x76: {  	[tilespmem:s18], [sflag:$0x1] =	stream.indirect.gather [hbm4b:s2+s17], $0x80, s30, s17, $0xb8;
	[tilespmem:$0x1DC00] =	vst v63  }
0x77: {  	_ =	swait.ge [sflag:s21], $0x3200  }
0x78: {  	[sflag:s21] =	ssyncset.done $0x0  }
0x79: {  	s31 =	simm.s32 $0x15880;
	[sflag:s21] =	ssyncadd.s32 $0xFFFFCE00  }
0x7a: {  	[spmem:s3] =	stream.indirect.scatter.add.f32 [tilespmem:s19], [sflag:$0x3], $0x80, s31, s17, $0xb8;
	[tilespmem:$0x1DC00] =	vst v63  }
0x7b: {  	_ =	swait.ge [sflag:s14], $0x3200  }
0x7c: {  	s26 =	simm.s32 $0x100;
	s28 =	simm.s32 $0x800;
	[sflag:s14] =	ssyncset.done $0x0  }
.LBB2_4:
0x7d: {  	s29 =	sadd.s32 $0x13C80, s26  }
0x7e: {  	[sflag:s14] =	ssyncadd.s32 $0xFFFFCE00;
	s30 =	smov.u32 s28;
	s31 =	sadd.s32 $0x400, s28  }
0x7f: {  	[tilespmem:s19], [sflag:$0x2] =	stream.indirect.gather [hbm4b:s2+s17], $0x80, s29, s17, $0xb8;
	[tilespmem:$0x1DC00] =	vst v63  }
0x80: {  	p0 =	sne.s32 s28, $0x5C00;
	_ =	swait.ge [sflag:s20], $0x3200  }
0x81: {  	[sflag:s20] =	ssyncset.done $0x0  }
0x82: {  	s28 =	sadd.s32 $0x15800, s26;
	[sflag:s20] =	ssyncadd.s32 $0xFFFFCE00  }
0x83: {  	[spmem:s3] =	stream.indirect.scatter.add.f32 [tilespmem:s18], [sflag:$0x3], $0x80, s28, s17, $0xb8;
	[tilespmem:$0x1DC00] =	vst v63  }
0x84: {  	_ =	swait.ge [sflag:s14], $0x3200  }
0x85: {  	[sflag:s14] =	ssyncset.done $0x0  }
0x86: {  	s28 =	sadd.s32 $0x13D00, s26;
	[sflag:s14] =	ssyncadd.s32 $0xFFFFCE00  }
0x87: {  	[tilespmem:s18], [sflag:$0x1] =	stream.indirect.gather [hbm4b:s2+s17], $0x80, s28, s17, $0xb8;
	[tilespmem:$0x1DC00] =	vst v63  }
0x88: {  	_ =	swait.ge [sflag:s21], $0x3200  }
.Ltmp1:
0x89: {  	[sflag:s21] =	ssyncset.done $0x0;
	(pc) =	sbr.rel @p0 .LBB2_4-.Ltmp1, $4  }
0x8a: {  	s26 =	sadd.s32 $0x15880, s26;
	[sflag:s21] =	ssyncadd.s32 $0xFFFFCE00  }
0x8b: {  	[spmem:s3] =	stream.indirect.scatter.add.f32 [tilespmem:s19], [sflag:$0x3], $0x80, s26, s17, $0xb8;
	[tilespmem:$0x1DC00] =	vst v63  }
0x8c: {  	_ =	swait.ge [sflag:s14], $0x3200  }
0x8d: {  	s28 =	smov.u32 s31;
	s26 =	sshra.s32 s30, $0x2;
	[sflag:s14] =	ssyncset.done $0x0  }
0x8e: {  	s28 =	sadd.s32 $0x13C80, s26;
	[sflag:s14] =	ssyncadd.s32 $0xFFFFCE00  }
0x8f: {  	[tilespmem:s19], [sflag:$0x2] =	stream.indirect.gather [hbm4b:s2+s17], $0x80, s28, s17, $0xb8;
	[tilespmem:$0x1DC00] =	vst v63  }
0x90: {  	_ =	swait.ge [sflag:s20], $0x3200  }
0x91: {  	[sflag:s20] =	ssyncset.done $0x0  }
0x92: {  	s29 =	sadd.s32 $0x15800, s26;
	[sflag:s20] =	ssyncadd.s32 $0xFFFFCE00  }
0x93: {  	[spmem:s3] =	stream.indirect.scatter.add.f32 [tilespmem:s18], [sflag:$0x3], $0x80, s29, s17, $0xb8;
	[tilespmem:$0x1DC00] =	vst v63  }
0x94: {  	_ =	swait.ge [sflag:s14], $0x3200  }
0x95: {  	[sflag:s14] =	ssyncset.done $0x0  }
0x96: {  	s30 =	sadd.s32 $0x13D00, s26;
	[sflag:s14] =	ssyncadd.s32 $0xFFFFCE00  }
0x97: {  	[tilespmem:s18], [sflag:$0x1] =	stream.indirect.gather [hbm4b:s2+s17], $0x80, s30, s17, $0xb8;
	[tilespmem:$0x1DC00] =	vst v63  }
0x98: {  	_ =	swait.ge [sflag:s21], $0x3200  }
0x99: {  	[sflag:s21] =	ssyncset.done $0x0  }
0x9a: {  	s31 =	sadd.s32 $0x15880, s26;
	[sflag:s21] =	ssyncadd.s32 $0xFFFFCE00  }
0x9b: {  	[spmem:s3] =	stream.indirect.scatter.add.f32 [tilespmem:s19], [sflag:$0x3], $0x80, s31, s17, $0xb8;
	[tilespmem:$0x1DC00] =	vst v63  }
0x9c: {  	_ =	swait.ge [sflag:s14], $0x3200  }
0x9d: {  	[sflag:s14] =	ssyncset.done $0x0  }
0x9e: {  	[sflag:s14] =	ssyncadd.s32 $0xFFFFCE00  }
0x9f: {  	[tilespmem:s19], [sflag:$0x2] =	stream.indirect.gather [hbm4b:s2+s17], $0x80, s22, s17, $0xb8;
	[tilespmem:$0x1DC00] =	vst v63  }
0xa0: {  	_ =	swait.ge [sflag:s20], $0x3200  }
0xa1: {  	[sflag:s20] =	ssyncset.done $0x0  }
0xa2: {  	[sflag:s20] =	ssyncadd.s32 $0xFFFFCE00  }
0xa3: {  	[spmem:s3] =	stream.indirect.scatter.add.f32 [tilespmem:s18], [sflag:$0x3], $0x80, s23, s17, $0xb8;
	[tilespmem:$0x1DC00] =	vst v63  }
0xa4: {  	_ =	swait.ge [sflag:s14], $0x3200  }
0xa5: {  	[sflag:s14] =	ssyncset.done $0x0  }
0xa6: {  	[sflag:s14] =	ssyncadd.s32 $0xFFFFCE00  }
0xa7: {  	_ =	swait.ge [sflag:s21], $0x3200  }
0xa8: {  	[sflag:s21] =	ssyncset.done $0x0  }
0xa9: {  	[sflag:s21] =	ssyncadd.s32 $0xFFFFCE00  }
0xaa: {  	[spmem:s3] =	stream.indirect.scatter.add.f32 [tilespmem:s19], [sflag:$0x3], $0x80, s24, s17, $0xb8;
	[tilespmem:$0x1DC00] =	vst v63  }
0xab: {  	_ =	swait.ge [sflag:s14], $0x3200  }
0xac: {  	s25 =	sadd.s32 $0x1, s25;
	[sflag:s14] =	ssyncset.done $0x0  }
0xad: {  	p0 =	sne.s32 s25, s12;
	[sflag:s14] =	ssyncadd.s32 $0xFFFFCE00  }
.Ltmp2:
0xae: {  	[bflag:$0x0] =	sbarrier.arrive $0xFFFF;
	(pc) =	sbr.rel @p0 .LBB2_1-.Ltmp2, $4  }
0xaf: {  	[hbm:s11], [sflag:s6] =	dma.local [spmem:s13], $0x2780  }
0xb0: {  	_ =	swait.ge [sflag:s14], $0x2780  }
0xb1: {  	[sflag:s14] =	ssyncset.done $0x0  }
0xb2: {  	[sflag:s14] =	ssyncadd.s32 $0xFFFFD880  }
0xb3: {  	_ =	sfence.sel $0x180000  }
0xb4: {  	[bflag:$0x0] =	sbarrier.arrive $0xFFFF  }
0xb5: {  	p0 =	sne.s32 s1, $0x0;
	_ =	strace $0x9000004D  }
0xb6: {  	s0 =	sadd.s32 @!p0 $0x100000, s0;
	[bflag:$0x2] =	sbarrier.arrive $0xFFFF  }
0xb7: {  	[sflag:s0] =	ssyncadd.tile.s32 @!p0 $0x1;
	_ =	shalt  }
.Lfunc_end2:
_tile_overlayer_lowered:
.L_overlay_start_2:
0xb8: {  	(tag) =	ssettag $0x2  }
0xb9: {  	s0 =	rddreg [dreg:$0x0];
	s2 =	stileid.u32  }
0xba: {  	s1 =	rddreg [dreg:$0x1];
	p0 =	sne.s32 s2, $0x0  }
0xbb: {  	s3 =	rddreg [dreg:$0x2];
	[bflag:$0x3] =	sbarrier.arrive $0xFFFF;
	s2 =	simm.s32 @!p0 $0x1C03  }
0xbc: {  	[timem:s3], [sflag:s2] =	dma.local @!p0 [hbm:s0], s1  }
0xbd: {  	s0 =	simm.s32 @!p0 $0x3  }
0xbe: {  	_ =	swait.ge @!p0 [sflag:s0], s1  }
0xbf: {  	s1 =	ssub.s32 @!p0 $0x0, s1;
	[sflag:s0] =	ssyncset.done @!p0 $0x0  }
0xc0: {  	[sflag:s0] =	ssyncadd.s32 @!p0 s1  }
0xc1: {  	[bflag:$0x3] =	sbarrier.arrive $0xFFFF  }
0xc2: {  	_ =	shalt  }

// kernel: kernel.18.cloned.1.call-start
scs
__scs_entry_jumppad:
0x0: {  	(pc) =	sbr.rel $0x88, $3  }
0x1: {  	(tag) =	ssettag $0x0;
	lr =	simm.s32 $0x1  }
0x2: {  	[smem:$0x3F96] =	sst lr;
	_ =	strace $0xD0000000  }
0x3: {  	_ = 	snop  }
0x4: {  	_ = 	snop  }
0x5: {  	_ = 	snop  }
0x6: {  	_ = 	snop  }
0x7: {  	_ = 	snop  }
__scs_overlays_trampoline_lowered:
0x8: {  	[smem:$0x3FA5] =	sst s0  }
0x9: {  	[smem:$0x3FA6] =	sst s1  }
0xa: {  	[smem:$0x3FA7] =	sst s2  }
0xb: {  	[smem:$0x3FA8] =	sst s3  }
0xc: {  	[smem:$0x3FA9] =	sst s4  }
0xd: {  	[smem:$0x3FAA] =	sst s5  }
0xe: {  	[smem:$0x3FAB] =	sst s6  }
0xf: {  	[smem:$0x3FAC] =	sst s7  }
0x10: {  	[smem:$0x3FAD] =	sst s8  }
0x11: {  	[smem:$0x3FAE] =	sst s9;
	s0 =	simm.s32 @!p0 $0x0  }
0x12: {  	s1 =	sld [smem:$0x3F94];
	s0 =	simm.s32 @p0 $0x1  }
0x13: {  	[smem:$0x3FAF] =	sst s0;
	s0 =	simm.s32 @!p1 $0x0  }
0x14: {  	s2 =	sld [smem:$0x3F93];
	s0 =	simm.s32 @p1 $0x1  }
0x15: {  	[smem:$0x3FB0] =	sst s0;
	s0 =	simm.s32 @!p2 $0x0  }
0x16: {  	s3 =	sld [smem:$0x3FDB];
	s0 =	simm.s32 @p2 $0x1  }
0x17: {  	s4 =	simm.s32 $0x1BF5;
	[smem:$0x3FB2] =	sst s0  }
0x18: {  	s0 =	sld [smem:$0x3F95];
	_ =	swait.ge [sflag:s4], $0x0  }
0x19: {  	s7 =	sld [smem:$0x3F96]  }
0x1a: {  	s8 =	sadd.s32 $0xFFFFE003, lr  }
0x1b: {  	s9 =	sadd.s32 $0xFFFFFEF7, lr;
	s5 =	simm.s32 $0xFFFFFFFF;
	p2 =	slt.u32 s8, $0xFFFFF086  }
0x1c: {  	p1 =	slt.u32 s9, $0xF7A;
	s5 =	simm.s32 @!p2 $0x0  }
0x1d: {  	s5 =	simm.s32 @p1 $0x1;
	p0 =	seq.s32 s7, s2  }
0x1e: {  	s7 =	smul.u32 @!p0 $0xF7A, s2;
	p2 =	seq.s32 @!p0 s5, $0x0  }
0x1f: {  	s9 =	smul.u32 $0xF7A, s1;
	s8 =	simm.s32 @!p0 $0x1BF5;
	p2 =	por !p2, p0  }
0x20: {  	[sflag:s8] =	ssyncset.s32 @!p0 $0xFFFFF086;
	s6 =	sadd.s32 @!p0 s3, s7;
	s7 =	simm.s32 @!p0 $0x108  }
0x21: {  	s3 =	sadd.s32 s3, s9;
	s6 =	sadd.s32 @!p0 $0x88, s6;
	s7 =	simm.s32 @p2 $0x1082  }
0x22: {  	[simem:s7], [sflag:s8] =	dma.local @!p0 [hbm:s6], $0xF7A  }
0x23: {  	s9 =	sor.u32 $0xD0000000, s2;
	s6 =	simm.s32 $0x108;
	_ =	swait.ge @!p0 [sflag:s8], $0x0  }
0x24: {  	s3 =	sadd.s32 $0x88, s3;
	s6 =	simm.s32 @!p1 $0x1082;
	[sflag:s4] =	ssyncset.s32 $0xFFFFF086  }
0x25: {  	[simem:s6], [sflag:s4] =	dma.local [hbm:s3], $0xF7A  }
0x26: {  	[smem:$0x3F96] =	sst s1;
	(tag) =	ssettag s2;
	_ =	strace s9  }
0x27: {  	s1 =	sld [smem:$0x3FA6]  }
0x28: {  	s2 =	sld [smem:$0x3FA7]  }
0x29: {  	s4 =	sld [smem:$0x3FA9]  }
0x2a: {  	p0 =	seq.s32 s5, $0x0;
	s5 =	sld [smem:$0x3FAA]  }
0x2b: {  	s6 =	sld [smem:$0x3FAB]  }
0x2c: {  	s7 =	sld [smem:$0x3FAC]  }
0x2d: {  	s3 =	simm.s32 $0x108;
	s8 =	sld [smem:$0x3FAD]  }
0x2e: {  	s3 =	simm.s32 @!p0 $0x1082;
	s9 =	sld [smem:$0x3FAE]  }
0x2f: {  	lr =	sadd.s32 s0, s3;
	s0 =	sld [smem:$0x3FA5]  }
0x30: {  	s3 =	sld [smem:$0x3FA8]  }
0x31: {  	[smem:$0x3FB1] =	sst s10  }
0x32: {  	s10 =	sld [smem:$0x3FAF];
	_ =	sdelay $0x3  }
0x33: {  	p0 =	seq.s32 s10, $0x1;
	s10 =	sld [smem:$0x3FB1];
	_ =	sdelay $0x3  }
0x34: {  	[smem:$0x3FB1] =	sst s10  }
0x35: {  	s10 =	sld [smem:$0x3FB0];
	_ =	sdelay $0x3  }
0x36: {  	p1 =	seq.s32 s10, $0x1;
	s10 =	sld [smem:$0x3FB1];
	_ =	sdelay $0x3  }
0x37: {  	[smem:$0x3FB1] =	sst s10  }
0x38: {  	s10 =	sld [smem:$0x3FB2]  }
0x39: {  	_ = 	snop;
	(pc) =	sbr.ind lr, $3  }
0x3a: {  	_ = 	snop  }
0x3b: {  	_ = 	snop  }
0x3c: {  	p2 =	seq.s32 s10, $0x1;
	s10 =	sld [smem:$0x3FB1]  }
0x3d: {  	_ =	shalt  }
0x3e: {  	_ =	shalt  }
0x3f: {  	_ =	shalt  }
0x40: {  	_ =	shalt  }
0x41: {  	_ =	shalt  }
0x42: {  	_ =	shalt  }
0x43: {  	_ =	shalt  }
0x44: {  	_ =	shalt  }
0x45: {  	_ =	shalt  }
0x46: {  	_ =	shalt  }
0x47: {  	_ =	shalt  }
0x48: {  	_ =	shalt  }
0x49: {  	_ =	shalt  }
0x4a: {  	_ =	shalt  }
0x4b: {  	_ =	shalt  }
0x4c: {  	_ =	shalt  }
0x4d: {  	_ =	shalt  }
0x4e: {  	_ =	shalt  }
0x4f: {  	_ =	shalt  }
0x50: {  	_ =	shalt  }
0x51: {  	_ =	shalt  }
0x52: {  	_ =	shalt  }
0x53: {  	_ =	shalt  }
0x54: {  	_ =	shalt  }
0x55: {  	_ =	shalt  }
0x56: {  	_ =	shalt  }
0x57: {  	_ =	shalt  }
0x58: {  	_ =	shalt  }
0x59: {  	_ =	shalt  }
0x5a: {  	_ =	shalt  }
0x5b: {  	_ =	shalt  }
0x5c: {  	_ =	shalt  }
0x5d: {  	_ =	shalt  }
0x5e: {  	_ =	shalt  }
0x5f: {  	_ =	shalt  }
0x60: {  	_ =	shalt  }
0x61: {  	_ =	shalt  }
0x62: {  	_ =	shalt  }
0x63: {  	_ =	shalt  }
0x64: {  	_ =	shalt  }
0x65: {  	_ =	shalt  }
0x66: {  	_ =	shalt  }
0x67: {  	_ =	shalt  }
0x68: {  	_ =	shalt  }
0x69: {  	_ =	shalt  }
0x6a: {  	_ =	shalt  }
0x6b: {  	_ =	shalt  }
0x6c: {  	_ =	shalt  }
0x6d: {  	_ =	shalt  }
0x6e: {  	_ =	shalt  }
0x6f: {  	_ =	shalt  }
0x70: {  	_ =	shalt  }
0x71: {  	_ =	shalt  }
0x72: {  	_ =	shalt  }
0x73: {  	_ =	shalt  }
0x74: {  	_ =	shalt  }
0x75: {  	_ =	shalt  }
0x76: {  	_ =	shalt  }
0x77: {  	_ =	shalt  }
0x78: {  	_ =	shalt  }
0x79: {  	_ =	shalt  }
0x7a: {  	_ =	shalt  }
0x7b: {  	_ =	shalt  }
0x7c: {  	_ =	shalt  }
0x7d: {  	_ =	shalt  }
0x7e: {  	_ =	shalt  }
0x7f: {  	_ =	shalt  }
0x80: {  	_ =	shalt  }
0x81: {  	_ =	shalt  }
0x82: {  	_ =	shalt  }
0x83: {  	_ =	shalt  }
0x84: {  	_ =	shalt  }
0x85: {  	_ =	shalt  }
0x86: {  	_ =	shalt  }
0x87: {  	_ =	shalt  }
.Lfunc_end0:
.L_simem_size_0:
called_computation.3_lowered:
.L_overlay_start_0:
0x88: {  	s2 =	sld [smem:$0x3FD9]  }
0x89: {  	s3 =	sld [smem:$0x3FFE];
	_ =	sdelay $0x1  }
0x8a: {  	s1 =	srdreg.scid  }
0x8b: {  	s0 =	sand.u32 $0x1, s1  }
0x8c: {  	s17 =	sshll.u32 s0, $0xA;
	s2 =	sadd.s32 s3, s2  }
0x8d: {  	s2 =	sadd.s32 s2, s17  }
0x8e: {  	[smem:$0x3FBD] =	sst s2  }
0x8f: {  	_ = 	snop  }
0x90: {  	s2 =	sld [smem:$0x3FD0];
	(tm) =	ssettm $0x1  }
0x91: {  	s18 =	sld [smem:$0x3FFB];
	_ =	sdelay $0x3  }
0x92: {  	_ =	strace s18  }
0x93: {  	s3 =	sld [smem:$0x3FFC];
	_ =	sdelay $0x3  }
0x94: {  	_ =	strace s3  }
0x95: {  	s3 =	sld [smem:$0x3FFD];
	_ =	sdelay $0x3  }
0x96: {  	_ =	strace s3  }
0x97: {  	_ =	strace $0x8FFFFFFF  }
0x98: {  	s19 =	sld [smem:$0x3FDB];
	_ =	sdelay $0x1  }
0x99: {  	s4 =	simm.s32 $_scs_section_size  }
0x9a: {  	s5 =	simm.s32 $_size__tile_overlayer_lowered;
	s6 =	simm.s32 $_tile_overlayer_lowered  }
0x9b: {  	s22 =	simm.s32 $0x1BFF;
	s21 =	sshll.u32 s6, $0x1;
	s3 =	sadd.s32 s4, s19  }
0x9c: {  	s7 =	simm.s32 $0x0;
	s20 =	sshll.u32 s5, $0x1;
	s5 =	sadd.s32 s21, s3  }
0x9d: {  	[timem:s7], [sflag:s22] =	dma.local [hbm:s5], s20  }
0x9e: {  	_ =	swait.ge [sflag:s22], s20  }
0x9f: {  	s4 =	ssub.s32 $0x0, s20;
	[sflag:s22] =	ssyncset.done $0x0  }
0xa0: {  	[sflag:s22] =	ssyncadd.s32 s4;
	_ =	sdelay $0x1  }
0xa1: {  	s23 =	simm.s32 $0x1B8B  }
0xa2: {  	_ =	swait.ge [sflag:s23], $0x1  }
0xa3: {  	[sflag:s23] =	ssyncset.done $0x0  }
0xa4: {  	s25 =	simm.s32 $0x1B8E;
	s24 =	sld [smem:$0x3FFE];
	[sflag:s23] =	ssyncadd.s32 $0xFFFFFFFF  }
0xa5: {  	s26 =	simm.s32 $execute0_lowered;
	[smem:$0x3FD2] =	sst s25  }
0xa6: {  	s5 =	sshll.u32 s26, $0x1;
	_ =	strace $0x8000004F;
	[dreg:$0x1] =	wrdreg $0xFFFFFFFF  }
0xa7: {  	s28 =	simm.s32 $_size_execute0_lowered;
	s3 =	sadd.s32 s3, s5;
	[dreg:$0x0] =	wrdreg $0x0  }
0xa8: {  	s5 =	sshll.u32 s28, $0x1;
	[dreg:$0x2] =	wrdreg s3  }
0xa9: {  	[dreg:$0x3] =	wrdreg s5  }
0xaa: {  	[dreg:$0x4] =	wrdreg $0xC0  }
0xab: {  	_ =	task [dreg:s7], $0x5FFFF  }
0xac: {  	[dreg:$0x1] =	wrdreg $0xFFFFFFFF  }
0xad: {  	[dreg:$0x0] =	wrdreg $0x60  }
0xae: {  	[dreg:$0x2] =	wrdreg s2  }
0xaf: {  	[dreg:$0x3] =	wrdreg s24  }
0xb0: {  	[dreg:$0x4] =	wrdreg $0x0  }
0xb1: {  	[dreg:$0x5] =	wrdreg $0x9  }
0xb2: {  	_ =	task.clear_ibuf [dreg:s7], $0x6FFFF;
	_ =	strace $0x9000004F  }
0xb3: {  	s29 =	simm.s32 $0x9;
	_ =	strace $0x80000051  }
0xb4: {  	_ =	swait.ge [sflag:s29], $0x1  }
0xb5: {  	[sflag:s29] =	ssyncadd.s32 $0xFFFFFFFF  }
0xb6: {  	_ =	strace $0x90000051  }
0xb7: {  	_ =	sfence  }
0xb8: {  	s30 =	sld [smem:$0x0];
	_ =	sdelay $0x2  }
0xb9: {  	s31 =	sshll.u32 s1, $0xD;
	s1 =	sshrl.u32 s1, $0x2  }
0xba: {  	s3 =	sand.u32 $0x4000, s31;
	s1 =	sadd.s32 s1, s30  }
0xbb: {  	s0 =	sor.u32 s3, s0;
	s1 =	sshll.u32 s1, $0x11  }
0xbc: {  	s0 =	sor.u32 s1, s0  }
0xbd: {  	s0 =	sadd.s32 $0x8F2B, s0  }
0xbe: {  	[sflag:s0] =	ssyncadd.remote.s32 $0x1  }
0xbf: {  	_ =	sfence.sel $0xFFFF  }
0xc0: {  	[dreg:$0x0] =	wrdreg $0xFFFFFFFF;
	(pc) =	sbr.abs _section_cstart, $3  }
0xc1: {  	[dreg:$0x1] =	wrdreg $0xFFFFFFFF  }
0xc2: {  	_ =	task.clear_ibuf [dreg:s7], $0x2FFFF;
	_ =	strace $0x9FFFFFFF  }
0xc3: {  	(tm) =	ssettm $0x7FFFFFFF  }
tec
execute0_lowered:
.L_overlay_start_1:
0x0: {  	(tag) =	ssettag $0x1  }
0x1: {  	s2 =	rddreg [dreg:$0x0]  }
0x2: {  	s5 =	rddreg [dreg:$0x1]  }
0x3: {  	s3 =	rddreg [dreg:$0x2]  }
0x4: {  	s0 =	rddreg [dreg:$0x3]  }
0x5: {  	s1 =	stileid.u32;
	s4 =	simm.s32 $0x0;
	s7 =	srdreg.scid  }
0x6: {  	s16 =	simm.s32 $0x15800;
	s17 =	simm.s32 $0x64;
	s18 =	simm.s32 $0x17400  }
0x7: {  	s19 =	simm.s32 $0x1A800;
	s20 =	simm.s32 $0x1;
	s21 =	simm.s32 $0x2  }
0x8: {  	s22 =	simm.s32 $0x15480;
	s23 =	simm.s32 $0x17000;
	s24 =	simm.s32 $0x17080  }
0x9: {  	s25 =	simm.s32 $0x0;
	s6 =	smul.u32 $0x13C00, s1;
	[smem:$0x7FF] =	sst s4  }
0xa: {  	s7 =	sand.u32 $0x1, s7;
	s10 =	sadd.s32 $0x87800, s5;
	s11 =	sadd.s32 $0x3000, s5  }
0xb: {  	s26 =	smul.u32 $0x4F000, s1;
	s12 =	sshll.u32 s1, $0x1;
	s30 =	sshll.u32 s1, $0x6  }
0xc: {  	_ =	strace $0x80000050;
	s9 =	smul.u32 $0x13C000, s7;
	s13 =	ssub.s32 $0x2, s7  }
0xd: {  	s7 =	sor.u32 s7, s12;
	s8 =	sshrl.u32 s6, $0x3;
	s28 =	sshrl.u32 s13, $0x1  }
0xe: {  	s7 =	smul.u32 $0x3800, s7;
	s8 =	sadd.s32 s8, s5;
	s6 =	sadd.s32 s6, s9  }
0xf: {  	s9 =	sshrl.u32 s26, $0x2;
	s12 =	ssub.s32 s13, s28;
	s6 =	sshrl.u32 s6, $0x3  }
0x10: {  	s29 =	sadd.s32 s9, s3;
	s31 =	sshrl.u32 s7, $0x3;
	s12 =	smax.u32 s12, $0x1  }
0x11: {  	s14 =	sadd.s32 s6, s5;
	s5 =	sadd.s32 $0x11000, s8;
	s6 =	sor.u32 $0x1C03, s30  }
0x12: {  	s7 =	sadd.s32 s10, s31;
	s15 =	sadd.s32 $0x380, s31;
	s8 =	sadd.s32 s11, s31  }
0x13: {  	s13 =	sshrl.u32 s29, $0x3;
	s9 =	sadd.s32 s10, s15;
	s10 =	sadd.s32 s11, s15  }
0x14: {  	s11 =	sadd.s32 $0x95800, s14;
	s14 =	simm.s32 $0x3;
	s15 =	simm.s32 $0x13C00  }
.LBB2_1:
0x15: {  	[spmem:s13], [sflag:s6] =	dma.local [hbm:s5], $0x2780  }
0x16: {  	_ =	swait.ge [sflag:s14], $0x2780  }
0x17: {  	[sflag:s14] =	ssyncset.done $0x0  }
0x18: {  	[sflag:s14] =	ssyncadd.s32 $0xFFFFD880  }
0x19: {  	[bflag:$0x0] =	sbarrier.arrive $0xFFFF  }
0x1a: {  	[tilespmem:s15], [sflag:$0x3] =	stream.linear.gather [hbm4b:s7+s4], $0x1900, $0x38;
	[tilespmem:$0x1DC00] =	vst v63  }
0x1b: {  	_ =	swait.ge [sflag:s14], $0x1900  }
0x1c: {  	[sflag:s14] =	ssyncset.done $0x0  }
0x1d: {  	[sflag:s14] =	ssyncadd.s32 $0xFFFFE700  }
0x1e: {  	[tilespmem:s16], [sflag:$0x3] =	stream.linear.gather [hbm4b:s8+s4], $0x1900, $0x38;
	[tilespmem:$0x1DC00] =	vst v63  }
0x1f: {  	_ =	swait.ge [sflag:s14], $0x1900  }
0x20: {  	[sflag:s14] =	ssyncset.done $0x0  }
0x21: {  	[sflag:s14] =	ssyncadd.s32 $0xFFFFE700  }
0x22: {  	[tilespmem:s18], [sflag:$0x1] =	stream.indirect.gather [hbm4b:s2+s17], $0x80, s15, s17, $0xb8;
	[tilespmem:$0x1DC00] =	vst v63  }
0x23: {  	s26 =	simm.s32 $0x13C80  }
0x24: {  	[tilespmem:s19], [sflag:$0x2] =	stream.indirect.gather [hbm4b:s2+s17], $0x80, s26, s17, $0xb8;
	[tilespmem:$0x1DC00] =	vst v63  }
0x25: {  	_ =	swait.ge [sflag:s20], $0x3200  }
0x26: {  	[sflag:s20] =	ssyncset.done $0x0  }
0x27: {  	s29 =	simm.s32 $0x15800;
	[sflag:s20] =	ssyncadd.s32 $0xFFFFCE00  }
0x28: {  	[spmem:s3] =	stream.indirect.scatter.add.f32 [tilespmem:s18], [sflag:$0x3], $0x80, s29, s17, $0xb8;
	[tilespmem:$0x1DC00] =	vst v63  }
0x29: {  	_ =	swait.ge [sflag:s14], $0x3200  }
0x2a: {  	[sflag:s14] =	ssyncset.done $0x0  }
0x2b: {  	s30 =	simm.s32 $0x13D00;
	[sflag:s14] =	ssyncadd.s32 $0xFFFFCE00  }
0x2c: {  	[tilespmem:s18], [sflag:$0x1] =	stream.indirect.gather [hbm4b:s2+s17], $0x80, s30, s17, $0xb8;
	[tilespmem:$0x1DC00] =	vst v63  }
0x2d: {  	_ =	swait.ge [sflag:s21], $0x3200  }
0x2e: {  	[sflag:s21] =	ssyncset.done $0x0  }
0x2f: {  	s31 =	simm.s32 $0x15880;
	[sflag:s21] =	ssyncadd.s32 $0xFFFFCE00  }
0x30: {  	[spmem:s3] =	stream.indirect.scatter.add.f32 [tilespmem:s19], [sflag:$0x3], $0x80, s31, s17, $0xb8;
	[tilespmem:$0x1DC00] =	vst v63  }
0x31: {  	_ =	swait.ge [sflag:s14], $0x3200  }
0x32: {  	s28 =	simm.s32 $0x800;
	s26 =	simm.s32 $0x100;
	[sflag:s14] =	ssyncset.done $0x0  }
.LBB2_2:
0x33: {  	s29 =	sadd.s32 $0x13C80, s26  }
0x34: {  	[sflag:s14] =	ssyncadd.s32 $0xFFFFCE00;
	s30 =	smov.u32 s28;
	s31 =	sadd.s32 $0x400, s28  }
0x35: {  	[tilespmem:s19], [sflag:$0x2] =	stream.indirect.gather [hbm4b:s2+s17], $0x80, s29, s17, $0xb8;
	[tilespmem:$0x1DC00] =	vst v63  }
0x36: {  	p0 =	sne.s32 s28, $0x5C00;
	_ =	swait.ge [sflag:s20], $0x3200  }
0x37: {  	[sflag:s20] =	ssyncset.done $0x0  }
0x38: {  	s28 =	sadd.s32 $0x15800, s26;
	[sflag:s20] =	ssyncadd.s32 $0xFFFFCE00  }
0x39: {  	[spmem:s3] =	stream.indirect.scatter.add.f32 [tilespmem:s18], [sflag:$0x3], $0x80, s28, s17, $0xb8;
	[tilespmem:$0x1DC00] =	vst v63  }
0x3a: {  	_ =	swait.ge [sflag:s14], $0x3200  }
0x3b: {  	[sflag:s14] =	ssyncset.done $0x0  }
0x3c: {  	s28 =	sadd.s32 $0x13D00, s26;
	[sflag:s14] =	ssyncadd.s32 $0xFFFFCE00  }
0x3d: {  	[tilespmem:s18], [sflag:$0x1] =	stream.indirect.gather [hbm4b:s2+s17], $0x80, s28, s17, $0xb8;
	[tilespmem:$0x1DC00] =	vst v63  }
0x3e: {  	_ =	swait.ge [sflag:s21], $0x3200  }
.Ltmp0:
0x3f: {  	[sflag:s21] =	ssyncset.done $0x0;
	(pc) =	sbr.rel @p0 .LBB2_2-.Ltmp0, $4  }
0x40: {  	s26 =	sadd.s32 $0x15880, s26;
	[sflag:s21] =	ssyncadd.s32 $0xFFFFCE00  }
0x41: {  	[spmem:s3] =	stream.indirect.scatter.add.f32 [tilespmem:s19], [sflag:$0x3], $0x80, s26, s17, $0xb8;
	[tilespmem:$0x1DC00] =	vst v63  }
0x42: {  	_ =	swait.ge [sflag:s14], $0x3200  }
0x43: {  	s28 =	smov.u32 s31;
	s26 =	sshra.s32 s30, $0x2;
	[sflag:s14] =	ssyncset.done $0x0  }
0x44: {  	s28 =	sadd.s32 $0x13C80, s26;
	[sflag:s14] =	ssyncadd.s32 $0xFFFFCE00  }
0x45: {  	[tilespmem:s19], [sflag:$0x2] =	stream.indirect.gather [hbm4b:s2+s17], $0x80, s28, s17, $0xb8;
	[tilespmem:$0x1DC00] =	vst v63  }
0x46: {  	_ =	swait.ge [sflag:s20], $0x3200  }
0x47: {  	[sflag:s20] =	ssyncset.done $0x0  }
0x48: {  	s28 =	sadd.s32 $0x15800, s26;
	[sflag:s20] =	ssyncadd.s32 $0xFFFFCE00  }
0x49: {  	[spmem:s3] =	stream.indirect.scatter.add.f32 [tilespmem:s18], [sflag:$0x3], $0x80, s28, s17, $0xb8;
	[tilespmem:$0x1DC00] =	vst v63  }
0x4a: {  	_ =	swait.ge [sflag:s14], $0x3200  }
0x4b: {  	[sflag:s14] =	ssyncset.done $0x0  }
0x4c: {  	s28 =	sadd.s32 $0x13D00, s26;
	[sflag:s14] =	ssyncadd.s32 $0xFFFFCE00  }
0x4d: {  	[tilespmem:s18], [sflag:$0x1] =	stream.indirect.gather [hbm4b:s2+s17], $0x80, s28, s17, $0xb8;
	[tilespmem:$0x1DC00] =	vst v63  }
0x4e: {  	_ =	swait.ge [sflag:s21], $0x3200  }
0x4f: {  	[sflag:s21] =	ssyncset.done $0x0  }
0x50: {  	s29 =	sadd.s32 $0x15880, s26;
	[sflag:s21] =	ssyncadd.s32 $0xFFFFCE00  }
0x51: {  	[spmem:s3] =	stream.indirect.scatter.add.f32 [tilespmem:s19], [sflag:$0x3], $0x80, s29, s17, $0xb8;
	[tilespmem:$0x1DC00] =	vst v63  }
0x52: {  	_ =	swait.ge [sflag:s14], $0x3200  }
0x53: {  	[sflag:s14] =	ssyncset.done $0x0  }
0x54: {  	[sflag:s14] =	ssyncadd.s32 $0xFFFFCE00  }
0x55: {  	[tilespmem:s19], [sflag:$0x2] =	stream.indirect.gather [hbm4b:s2+s17], $0x80, s22, s17, $0xb8;
	[tilespmem:$0x1DC00] =	vst v63  }
0x56: {  	_ =	swait.ge [sflag:s20], $0x3200  }
0x57: {  	[sflag:s20] =	ssyncset.done $0x0  }
0x58: {  	[sflag:s20] =	ssyncadd.s32 $0xFFFFCE00  }
0x59: {  	[spmem:s3] =	stream.indirect.scatter.add.f32 [tilespmem:s18], [sflag:$0x3], $0x80, s23, s17, $0xb8;
	[tilespmem:$0x1DC00] =	vst v63  }
0x5a: {  	_ =	swait.ge [sflag:s14], $0x3200  }
0x5b: {  	[sflag:s14] =	ssyncset.done $0x0  }
0x5c: {  	[sflag:s14] =	ssyncadd.s32 $0xFFFFCE00  }
0x5d: {  	_ =	swait.ge [sflag:s21], $0x3200  }
0x5e: {  	[sflag:s21] =	ssyncset.done $0x0  }
0x5f: {  	[sflag:s21] =	ssyncadd.s32 $0xFFFFCE00  }
0x60: {  	[spmem:s3] =	stream.indirect.scatter.add.f32 [tilespmem:s19], [sflag:$0x3], $0x80, s24, s17, $0xb8;
	[tilespmem:$0x1DC00] =	vst v63  }
0x61: {  	_ =	swait.ge [sflag:s14], $0x3200  }
0x62: {  	[sflag:s14] =	ssyncset.done $0x0  }
0x63: {  	s30 =	simm.s32 $0x0;
	[sflag:s14] =	ssyncadd.s32 $0xFFFFCE00  }
0x64: {  	[tilespmem:s15], [sflag:$0x3] =	stream.linear.gather [hbm4b:s9+s30], $0x1900, $0x38;
	[tilespmem:$0x1DC00] =	vst v63  }
0x65: {  	_ =	swait.ge [sflag:s14], $0x1900  }
0x66: {  	[sflag:s14] =	ssyncset.done $0x0  }
0x67: {  	[sflag:s14] =	ssyncadd.s32 $0xFFFFE700  }
0x68: {  	[tilespmem:s16], [sflag:$0x3] =	stream.linear.gather [hbm4b:s10+s30], $0x1900, $0x38;
	[tilespmem:$0x1DC00] =	vst v63  }
0x69: {  	_ =	swait.ge [sflag:s14], $0x1900  }
0x6a: {  	[sflag:s14] =	ssyncset.done $0x0  }
0x6b: {  	[sflag:s14] =	ssyncadd.s32 $0xFFFFE700  }
0x6c: {  	[tilespmem:s18], [sflag:$0x1] =	stream.indirect.gather [hbm4b:s2+s17], $0x80, s15, s17, $0xb8;
	[tilespmem:$0x1DC00] =	vst v63  }
0x6d: {  	s31 =	simm.s32 $0x13C80  }
0x6e: {  	[tilespmem:s19], [sflag:$0x2] =	stream.indirect.gather [hbm4b:s2+s17], $0x80, s31, s17, $0xb8;
	[tilespmem:$0x1DC00] =	vst v63  }
0x6f: {  	_ =	swait.ge [sflag:s20], $0x3200  }
0x70: {  	[sflag:s20] =	ssyncset.done $0x0  }
0x71: {  	s29 =	simm.s32 $0x15800;
	[sflag:s20] =	ssyncadd.s32 $0xFFFFCE00  }
0x72: {  	[spmem:s3] =	stream.indirect.scatter.add.f32 [tilespmem:s18], [sflag:$0x3], $0x80, s29, s17, $0xb8;
	[tilespmem:$0x1DC00] =	vst v63  }
0x73: {  	_ =	swait.ge [sflag:s14], $0x3200  }
0x74: {  	[sflag:s14] =	ssyncset.done $0x0  }
0x75: {  	s30 =	simm.s32 $0x13D00;
	[sflag:s14] =	ssyncadd.s32 $0xFFFFCE00  }
0x76: {  	[tilespmem:s18], [sflag:$0x1] =	stream.indirect.gather [hbm4b:s2+s17], $0x80, s30, s17, $0xb8;
	[tilespmem:$0x1DC00] =	vst v63  }
0x77: {  	_ =	swait.ge [sflag:s21], $0x3200  }
0x78: {  	[sflag:s21] =	ssyncset.done $0x0  }
0x79: {  	s31 =	simm.s32 $0x15880;
	[sflag:s21] =	ssyncadd.s32 $0xFFFFCE00  }
0x7a: {  	[spmem:s3] =	stream.indirect.scatter.add.f32 [tilespmem:s19], [sflag:$0x3], $0x80, s31, s17, $0xb8;
	[tilespmem:$0x1DC00] =	vst v63  }
0x7b: {  	_ =	swait.ge [sflag:s14], $0x3200  }
0x7c: {  	s26 =	simm.s32 $0x100;
	s28 =	simm.s32 $0x800;
	[sflag:s14] =	ssyncset.done $0x0  }
.LBB2_4:
0x7d: {  	s29 =	sadd.s32 $0x13C80, s26  }
0x7e: {  	[sflag:s14] =	ssyncadd.s32 $0xFFFFCE00;
	s30 =	smov.u32 s28;
	s31 =	sadd.s32 $0x400, s28  }
0x7f: {  	[tilespmem:s19], [sflag:$0x2] =	stream.indirect.gather [hbm4b:s2+s17], $0x80, s29, s17, $0xb8;
	[tilespmem:$0x1DC00] =	vst v63  }
0x80: {  	p0 =	sne.s32 s28, $0x5C00;
	_ =	swait.ge [sflag:s20], $0x3200  }
0x81: {  	[sflag:s20] =	ssyncset.done $0x0  }
0x82: {  	s28 =	sadd.s32 $0x15800, s26;
	[sflag:s20] =	ssyncadd.s32 $0xFFFFCE00  }
0x83: {  	[spmem:s3] =	stream.indirect.scatter.add.f32 [tilespmem:s18], [sflag:$0x3], $0x80, s28, s17, $0xb8;
	[tilespmem:$0x1DC00] =	vst v63  }
0x84: {  	_ =	swait.ge [sflag:s14], $0x3200  }
0x85: {  	[sflag:s14] =	ssyncset.done $0x0  }
0x86: {  	s28 =	sadd.s32 $0x13D00, s26;
	[sflag:s14] =	ssyncadd.s32 $0xFFFFCE00  }
0x87: {  	[tilespmem:s18], [sflag:$0x1] =	stream.indirect.gather [hbm4b:s2+s17], $0x80, s28, s17, $0xb8;
	[tilespmem:$0x1DC00] =	vst v63  }
0x88: {  	_ =	swait.ge [sflag:s21], $0x3200  }
.Ltmp1:
0x89: {  	[sflag:s21] =	ssyncset.done $0x0;
	(pc) =	sbr.rel @p0 .LBB2_4-.Ltmp1, $4  }
0x8a: {  	s26 =	sadd.s32 $0x15880, s26;
	[sflag:s21] =	ssyncadd.s32 $0xFFFFCE00  }
0x8b: {  	[spmem:s3] =	stream.indirect.scatter.add.f32 [tilespmem:s19], [sflag:$0x3], $0x80, s26, s17, $0xb8;
	[tilespmem:$0x1DC00] =	vst v63  }
0x8c: {  	_ =	swait.ge [sflag:s14], $0x3200  }
0x8d: {  	s28 =	smov.u32 s31;
	s26 =	sshra.s32 s30, $0x2;
	[sflag:s14] =	ssyncset.done $0x0  }
0x8e: {  	s28 =	sadd.s32 $0x13C80, s26;
	[sflag:s14] =	ssyncadd.s32 $0xFFFFCE00  }
0x8f: {  	[tilespmem:s19], [sflag:$0x2] =	stream.indirect.gather [hbm4b:s2+s17], $0x80, s28, s17, $0xb8;
	[tilespmem:$0x1DC00] =	vst v63  }
0x90: {  	_ =	swait.ge [sflag:s20], $0x3200  }
0x91: {  	[sflag:s20] =	ssyncset.done $0x0  }
0x92: {  	s29 =	sadd.s32 $0x15800, s26;
	[sflag:s20] =	ssyncadd.s32 $0xFFFFCE00  }
0x93: {  	[spmem:s3] =	stream.indirect.scatter.add.f32 [tilespmem:s18], [sflag:$0x3], $0x80, s29, s17, $0xb8;
	[tilespmem:$0x1DC00] =	vst v63  }
0x94: {  	_ =	swait.ge [sflag:s14], $0x3200  }
0x95: {  	[sflag:s14] =	ssyncset.done $0x0  }
0x96: {  	s30 =	sadd.s32 $0x13D00, s26;
	[sflag:s14] =	ssyncadd.s32 $0xFFFFCE00  }
0x97: {  	[tilespmem:s18], [sflag:$0x1] =	stream.indirect.gather [hbm4b:s2+s17], $0x80, s30, s17, $0xb8;
	[tilespmem:$0x1DC00] =	vst v63  }
0x98: {  	_ =	swait.ge [sflag:s21], $0x3200  }
0x99: {  	[sflag:s21] =	ssyncset.done $0x0  }
0x9a: {  	s31 =	sadd.s32 $0x15880, s26;
	[sflag:s21] =	ssyncadd.s32 $0xFFFFCE00  }
0x9b: {  	[spmem:s3] =	stream.indirect.scatter.add.f32 [tilespmem:s19], [sflag:$0x3], $0x80, s31, s17, $0xb8;
	[tilespmem:$0x1DC00] =	vst v63  }
0x9c: {  	_ =	swait.ge [sflag:s14], $0x3200  }
0x9d: {  	[sflag:s14] =	ssyncset.done $0x0  }
0x9e: {  	[sflag:s14] =	ssyncadd.s32 $0xFFFFCE00  }
0x9f: {  	[tilespmem:s19], [sflag:$0x2] =	stream.indirect.gather [hbm4b:s2+s17], $0x80, s22, s17, $0xb8;
	[tilespmem:$0x1DC00] =	vst v63  }
0xa0: {  	_ =	swait.ge [sflag:s20], $0x3200  }
0xa1: {  	[sflag:s20] =	ssyncset.done $0x0  }
0xa2: {  	[sflag:s20] =	ssyncadd.s32 $0xFFFFCE00  }
0xa3: {  	[spmem:s3] =	stream.indirect.scatter.add.f32 [tilespmem:s18], [sflag:$0x3], $0x80, s23, s17, $0xb8;
	[tilespmem:$0x1DC00] =	vst v63  }
0xa4: {  	_ =	swait.ge [sflag:s14], $0x3200  }
0xa5: {  	[sflag:s14] =	ssyncset.done $0x0  }
0xa6: {  	[sflag:s14] =	ssyncadd.s32 $0xFFFFCE00  }
0xa7: {  	_ =	swait.ge [sflag:s21], $0x3200  }
0xa8: {  	[sflag:s21] =	ssyncset.done $0x0  }
0xa9: {  	[sflag:s21] =	ssyncadd.s32 $0xFFFFCE00  }
0xaa: {  	[spmem:s3] =	stream.indirect.scatter.add.f32 [tilespmem:s19], [sflag:$0x3], $0x80, s24, s17, $0xb8;
	[tilespmem:$0x1DC00] =	vst v63  }
0xab: {  	_ =	swait.ge [sflag:s14], $0x3200  }
0xac: {  	s25 =	sadd.s32 $0x1, s25;
	[sflag:s14] =	ssyncset.done $0x0  }
0xad: {  	p0 =	sne.s32 s25, s12;
	[sflag:s14] =	ssyncadd.s32 $0xFFFFCE00  }
.Ltmp2:
0xae: {  	[bflag:$0x0] =	sbarrier.arrive $0xFFFF;
	(pc) =	sbr.rel @p0 .LBB2_1-.Ltmp2, $4  }
0xaf: {  	[hbm:s11], [sflag:s6] =	dma.local [spmem:s13], $0x2780  }
0xb0: {  	_ =	swait.ge [sflag:s14], $0x2780  }
0xb1: {  	[sflag:s14] =	ssyncset.done $0x0  }
0xb2: {  	[sflag:s14] =	ssyncadd.s32 $0xFFFFD880  }
0xb3: {  	_ =	sfence.sel $0x180000  }
0xb4: {  	[bflag:$0x0] =	sbarrier.arrive $0xFFFF  }
0xb5: {  	p0 =	sne.s32 s1, $0x0;
	_ =	strace $0x90000050  }
0xb6: {  	s0 =	sadd.s32 @!p0 $0x100000, s0;
	[bflag:$0x2] =	sbarrier.arrive $0xFFFF  }
0xb7: {  	[sflag:s0] =	ssyncadd.tile.s32 @!p0 $0x1;
	_ =	shalt  }
.Lfunc_end2:
_tile_overlayer_lowered:
.L_overlay_start_2:
0xb8: {  	(tag) =	ssettag $0x2  }
0xb9: {  	s0 =	rddreg [dreg:$0x0];
	s2 =	stileid.u32  }
0xba: {  	s1 =	rddreg [dreg:$0x1];
	p0 =	sne.s32 s2, $0x0  }
0xbb: {  	s3 =	rddreg [dreg:$0x2];
	[bflag:$0x3] =	sbarrier.arrive $0xFFFF;
	s2 =	simm.s32 @!p0 $0x1C03  }
0xbc: {  	[timem:s3], [sflag:s2] =	dma.local @!p0 [hbm:s0], s1  }
0xbd: {  	s0 =	simm.s32 @!p0 $0x3  }
0xbe: {  	_ =	swait.ge @!p0 [sflag:s0], s1  }
0xbf: {  	s1 =	ssub.s32 @!p0 $0x0, s1;
	[sflag:s0] =	ssyncset.done @!p0 $0x0  }
0xc0: {  	[sflag:s0] =	ssyncadd.s32 @!p0 s1  }
0xc1: {  	[bflag:$0x3] =	sbarrier.arrive $0xFFFF  }
0xc2: {  	_ =	shalt  }

// kernel: kernel.9.cloned.1.call-start
scs
__scs_entry_jumppad:
0x0: {  	(pc) =	sbr.rel $0x88, $3  }
0x1: {  	(tag) =	ssettag $0x0;
	lr =	simm.s32 $0x1  }
0x2: {  	[smem:$0x3F96] =	sst lr;
	_ =	strace $0xD0000000  }
0x3: {  	_ = 	snop  }
0x4: {  	_ = 	snop  }
0x5: {  	_ = 	snop  }
0x6: {  	_ = 	snop  }
0x7: {  	_ = 	snop  }
__scs_overlays_trampoline_lowered:
0x8: {  	[smem:$0x3FA5] =	sst s0  }
0x9: {  	[smem:$0x3FA6] =	sst s1  }
0xa: {  	[smem:$0x3FA7] =	sst s2  }
0xb: {  	[smem:$0x3FA8] =	sst s3  }
0xc: {  	[smem:$0x3FA9] =	sst s4  }
0xd: {  	[smem:$0x3FAA] =	sst s5  }
0xe: {  	[smem:$0x3FAB] =	sst s6  }
0xf: {  	[smem:$0x3FAC] =	sst s7  }
0x10: {  	[smem:$0x3FAD] =	sst s8  }
0x11: {  	[smem:$0x3FAE] =	sst s9;
	s0 =	simm.s32 @!p0 $0x0  }
0x12: {  	s1 =	sld [smem:$0x3F94];
	s0 =	simm.s32 @p0 $0x1  }
0x13: {  	[smem:$0x3FAF] =	sst s0;
	s0 =	simm.s32 @!p1 $0x0  }
0x14: {  	s2 =	sld [smem:$0x3F93];
	s0 =	simm.s32 @p1 $0x1  }
0x15: {  	[smem:$0x3FB0] =	sst s0;
	s0 =	simm.s32 @!p2 $0x0  }
0x16: {  	s3 =	sld [smem:$0x3FDB];
	s0 =	simm.s32 @p2 $0x1  }
0x17: {  	s4 =	simm.s32 $0x1BF5;
	[smem:$0x3FB2] =	sst s0  }
0x18: {  	s0 =	sld [smem:$0x3F95];
	_ =	swait.ge [sflag:s4], $0x0  }
0x19: {  	s7 =	sld [smem:$0x3F96]  }
0x1a: {  	s8 =	sadd.s32 $0xFFFFE003, lr  }
0x1b: {  	s9 =	sadd.s32 $0xFFFFFEF7, lr;
	s5 =	simm.s32 $0xFFFFFFFF;
	p2 =	slt.u32 s8, $0xFFFFF086  }
0x1c: {  	p1 =	slt.u32 s9, $0xF7A;
	s5 =	simm.s32 @!p2 $0x0  }
0x1d: {  	s5 =	simm.s32 @p1 $0x1;
	p0 =	seq.s32 s7, s2  }
0x1e: {  	s7 =	smul.u32 @!p0 $0xF7A, s2;
	p2 =	seq.s32 @!p0 s5, $0x0  }
0x1f: {  	s9 =	smul.u32 $0xF7A, s1;
	s8 =	simm.s32 @!p0 $0x1BF5;
	p2 =	por !p2, p0  }
0x20: {  	[sflag:s8] =	ssyncset.s32 @!p0 $0xFFFFF086;
	s6 =	sadd.s32 @!p0 s3, s7;
	s7 =	simm.s32 @!p0 $0x108  }
0x21: {  	s3 =	sadd.s32 s3, s9;
	s6 =	sadd.s32 @!p0 $0x88, s6;
	s7 =	simm.s32 @p2 $0x1082  }
0x22: {  	[simem:s7], [sflag:s8] =	dma.local @!p0 [hbm:s6], $0xF7A  }
0x23: {  	s9 =	sor.u32 $0xD0000000, s2;
	s6 =	simm.s32 $0x108;
	_ =	swait.ge @!p0 [sflag:s8], $0x0  }
0x24: {  	s3 =	sadd.s32 $0x88, s3;
	s6 =	simm.s32 @!p1 $0x1082;
	[sflag:s4] =	ssyncset.s32 $0xFFFFF086  }
0x25: {  	[simem:s6], [sflag:s4] =	dma.local [hbm:s3], $0xF7A  }
0x26: {  	[smem:$0x3F96] =	sst s1;
	(tag) =	ssettag s2;
	_ =	strace s9  }
0x27: {  	s1 =	sld [smem:$0x3FA6]  }
0x28: {  	s2 =	sld [smem:$0x3FA7]  }
0x29: {  	s4 =	sld [smem:$0x3FA9]  }
0x2a: {  	p0 =	seq.s32 s5, $0x0;
	s5 =	sld [smem:$0x3FAA]  }
0x2b: {  	s6 =	sld [smem:$0x3FAB]  }
0x2c: {  	s7 =	sld [smem:$0x3FAC]  }
0x2d: {  	s3 =	simm.s32 $0x108;
	s8 =	sld [smem:$0x3FAD]  }
0x2e: {  	s3 =	simm.s32 @!p0 $0x1082;
	s9 =	sld [smem:$0x3FAE]  }
0x2f: {  	lr =	sadd.s32 s0, s3;
	s0 =	sld [smem:$0x3FA5]  }
0x30: {  	s3 =	sld [smem:$0x3FA8]  }
0x31: {  	[smem:$0x3FB1] =	sst s10  }
0x32: {  	s10 =	sld [smem:$0x3FAF];
	_ =	sdelay $0x3  }
0x33: {  	p0 =	seq.s32 s10, $0x1;
	s10 =	sld [smem:$0x3FB1];
	_ =	sdelay $0x3  }
0x34: {  	[smem:$0x3FB1] =	sst s10  }
0x35: {  	s10 =	sld [smem:$0x3FB0];
	_ =	sdelay $0x3  }
0x36: {  	p1 =	seq.s32 s10, $0x1;
	s10 =	sld [smem:$0x3FB1];
	_ =	sdelay $0x3  }
0x37: {  	[smem:$0x3FB1] =	sst s10  }
0x38: {  	s10 =	sld [smem:$0x3FB2]  }
0x39: {  	_ = 	snop;
	(pc) =	sbr.ind lr, $3  }
0x3a: {  	_ = 	snop  }
0x3b: {  	_ = 	snop  }
0x3c: {  	p2 =	seq.s32 s10, $0x1;
	s10 =	sld [smem:$0x3FB1]  }
0x3d: {  	_ =	shalt  }
0x3e: {  	_ =	shalt  }
0x3f: {  	_ =	shalt  }
0x40: {  	_ =	shalt  }
0x41: {  	_ =	shalt  }
0x42: {  	_ =	shalt  }
0x43: {  	_ =	shalt  }
0x44: {  	_ =	shalt  }
0x45: {  	_ =	shalt  }
0x46: {  	_ =	shalt  }
0x47: {  	_ =	shalt  }
0x48: {  	_ =	shalt  }
0x49: {  	_ =	shalt  }
0x4a: {  	_ =	shalt  }
0x4b: {  	_ =	shalt  }
0x4c: {  	_ =	shalt  }
0x4d: {  	_ =	shalt  }
0x4e: {  	_ =	shalt  }
0x4f: {  	_ =	shalt  }
0x50: {  	_ =	shalt  }
0x51: {  	_ =	shalt  }
0x52: {  	_ =	shalt  }
0x53: {  	_ =	shalt  }
0x54: {  	_ =	shalt  }
0x55: {  	_ =	shalt  }
0x56: {  	_ =	shalt  }
0x57: {  	_ =	shalt  }
0x58: {  	_ =	shalt  }
0x59: {  	_ =	shalt  }
0x5a: {  	_ =	shalt  }
0x5b: {  	_ =	shalt  }
0x5c: {  	_ =	shalt  }
0x5d: {  	_ =	shalt  }
0x5e: {  	_ =	shalt  }
0x5f: {  	_ =	shalt  }
0x60: {  	_ =	shalt  }
0x61: {  	_ =	shalt  }
0x62: {  	_ =	shalt  }
0x63: {  	_ =	shalt  }
0x64: {  	_ =	shalt  }
0x65: {  	_ =	shalt  }
0x66: {  	_ =	shalt  }
0x67: {  	_ =	shalt  }
0x68: {  	_ =	shalt  }
0x69: {  	_ =	shalt  }
0x6a: {  	_ =	shalt  }
0x6b: {  	_ =	shalt  }
0x6c: {  	_ =	shalt  }
0x6d: {  	_ =	shalt  }
0x6e: {  	_ =	shalt  }
0x6f: {  	_ =	shalt  }
0x70: {  	_ =	shalt  }
0x71: {  	_ =	shalt  }
0x72: {  	_ =	shalt  }
0x73: {  	_ =	shalt  }
0x74: {  	_ =	shalt  }
0x75: {  	_ =	shalt  }
0x76: {  	_ =	shalt  }
0x77: {  	_ =	shalt  }
0x78: {  	_ =	shalt  }
0x79: {  	_ =	shalt  }
0x7a: {  	_ =	shalt  }
0x7b: {  	_ =	shalt  }
0x7c: {  	_ =	shalt  }
0x7d: {  	_ =	shalt  }
0x7e: {  	_ =	shalt  }
0x7f: {  	_ =	shalt  }
0x80: {  	_ =	shalt  }
0x81: {  	_ =	shalt  }
0x82: {  	_ =	shalt  }
0x83: {  	_ =	shalt  }
0x84: {  	_ =	shalt  }
0x85: {  	_ =	shalt  }
0x86: {  	_ =	shalt  }
0x87: {  	_ =	shalt  }
.Lfunc_end0:
.L_simem_size_0:
called_computation_lowered:
.L_overlay_start_0:
0x88: {  	s2 =	sld [smem:$0x3FD9]  }
0x89: {  	s3 =	sld [smem:$0x3FFE];
	_ =	sdelay $0x1  }
0x8a: {  	s1 =	srdreg.scid  }
0x8b: {  	s0 =	sand.u32 $0x1, s1  }
0x8c: {  	s17 =	sshll.u32 s0, $0xA;
	s2 =	sadd.s32 s3, s2  }
0x8d: {  	s2 =	sadd.s32 s2, s17  }
0x8e: {  	[smem:$0x3FBD] =	sst s2  }
0x8f: {  	_ = 	snop  }
0x90: {  	s2 =	sld [smem:$0x3FD0];
	(tm) =	ssettm $0x1  }
0x91: {  	s18 =	sld [smem:$0x3FFB];
	_ =	sdelay $0x3  }
0x92: {  	_ =	strace s18  }
0x93: {  	s3 =	sld [smem:$0x3FFC];
	_ =	sdelay $0x3  }
0x94: {  	_ =	strace s3  }
0x95: {  	s3 =	sld [smem:$0x3FFD];
	_ =	sdelay $0x3  }
0x96: {  	_ =	strace s3  }
0x97: {  	_ =	strace $0x8FFFFFFF  }
0x98: {  	s19 =	sld [smem:$0x3FDB];
	_ =	sdelay $0x1  }
0x99: {  	s4 =	simm.s32 $_scs_section_size  }
0x9a: {  	s5 =	simm.s32 $_size__tile_overlayer_lowered;
	s6 =	simm.s32 $_tile_overlayer_lowered  }
0x9b: {  	s22 =	simm.s32 $0x1BFF;
	s21 =	sshll.u32 s6, $0x1;
	s3 =	sadd.s32 s4, s19  }
0x9c: {  	s7 =	simm.s32 $0x0;
	s20 =	sshll.u32 s5, $0x1;
	s5 =	sadd.s32 s21, s3  }
0x9d: {  	[timem:s7], [sflag:s22] =	dma.local [hbm:s5], s20  }
0x9e: {  	_ =	swait.ge [sflag:s22], s20  }
0x9f: {  	s4 =	ssub.s32 $0x0, s20;
	[sflag:s22] =	ssyncset.done $0x0  }
0xa0: {  	[sflag:s22] =	ssyncadd.s32 s4;
	_ =	sdelay $0x1  }
0xa1: {  	s23 =	simm.s32 $0x1B8B  }
0xa2: {  	_ =	swait.ge [sflag:s23], $0x1  }
0xa3: {  	[sflag:s23] =	ssyncset.done $0x0  }
0xa4: {  	s25 =	simm.s32 $0x1B8E;
	s24 =	sld [smem:$0x3FFE];
	[sflag:s23] =	ssyncadd.s32 $0xFFFFFFFF  }
0xa5: {  	s26 =	simm.s32 $execute0_lowered;
	[smem:$0x3FD2] =	sst s25  }
0xa6: {  	s5 =	sshll.u32 s26, $0x1;
	_ =	strace $0x80000046;
	[dreg:$0x1] =	wrdreg $0xFFFFFFFF  }
0xa7: {  	s28 =	simm.s32 $_size_execute0_lowered;
	s3 =	sadd.s32 s3, s5;
	[dreg:$0x0] =	wrdreg $0x0  }
0xa8: {  	s5 =	sshll.u32 s28, $0x1;
	[dreg:$0x2] =	wrdreg s3  }
0xa9: {  	[dreg:$0x3] =	wrdreg s5  }
0xaa: {  	[dreg:$0x4] =	wrdreg $0xC0  }
0xab: {  	_ =	task [dreg:s7], $0x5FFFF  }
0xac: {  	[dreg:$0x1] =	wrdreg $0xFFFFFFFF  }
0xad: {  	[dreg:$0x0] =	wrdreg $0x60  }
0xae: {  	[dreg:$0x2] =	wrdreg s24  }
0xaf: {  	[dreg:$0x3] =	wrdreg s2  }
0xb0: {  	[dreg:$0x4] =	wrdreg $0x0  }
0xb1: {  	[dreg:$0x5] =	wrdreg $0x9  }
0xb2: {  	_ =	task.clear_ibuf [dreg:s7], $0x6FFFF;
	_ =	strace $0x90000046  }
0xb3: {  	s29 =	simm.s32 $0x9;
	_ =	strace $0x80000048  }
0xb4: {  	_ =	swait.ge [sflag:s29], $0x1  }
0xb5: {  	[sflag:s29] =	ssyncadd.s32 $0xFFFFFFFF  }
0xb6: {  	_ =	strace $0x90000048  }
0xb7: {  	_ =	sfence  }
0xb8: {  	s30 =	sld [smem:$0x0];
	_ =	sdelay $0x2  }
0xb9: {  	s31 =	sshll.u32 s1, $0xD;
	s1 =	sshrl.u32 s1, $0x2  }
0xba: {  	s3 =	sand.u32 $0x4000, s31;
	s1 =	sadd.s32 s1, s30  }
0xbb: {  	s0 =	sor.u32 s3, s0;
	s1 =	sshll.u32 s1, $0x11  }
0xbc: {  	s0 =	sor.u32 s1, s0  }
0xbd: {  	s0 =	sadd.s32 $0x8F2B, s0  }
0xbe: {  	[sflag:s0] =	ssyncadd.remote.s32 $0x1  }
0xbf: {  	_ =	sfence.sel $0xFFFF  }
0xc0: {  	[dreg:$0x0] =	wrdreg $0xFFFFFFFF;
	(pc) =	sbr.abs _section_cstart, $3  }
0xc1: {  	[dreg:$0x1] =	wrdreg $0xFFFFFFFF  }
0xc2: {  	_ =	task.clear_ibuf [dreg:s7], $0x2FFFF;
	_ =	strace $0x9FFFFFFF  }
0xc3: {  	(tm) =	ssettm $0x7FFFFFFF  }
tec
execute0_lowered:
.L_overlay_start_1:
0x0: {  	(tag) =	ssettag $0x1  }
0x1: {  	s1 =	srdreg.scid;
	s5 =	rddreg [dreg:$0x0]  }
0x2: {  	s0 =	stileid.u32;
	s2 =	rddreg [dreg:$0x1]  }
0x3: {  	s3 =	rddreg [dreg:$0x2];
	s4 =	simm.s32 $0x0;
	s14 =	simm.s32 $0x13C00  }
0x4: {  	s15 =	simm.s32 $0x64;
	s16 =	simm.s32 $0x1;
	s17 =	simm.s32 $0x2  }
0x5: {  	s18 =	simm.s32 $0x0;
	s6 =	sand.u32 $0x1, s1;
	s8 =	smul.u32 $0x13C00, s0  }
0x6: {  	s25 =	sshll.u32 s0, $0x1;
	[smem:$0x7FF] =	sst s4;
	s28 =	smul.u32 $0x4F000, s0  }
0x7: {  	s31 =	sshll.u32 s0, $0x6;
	s1 =	sor.u32 s6, s25;
	s9 =	smul.u32 $0x13C000, s6  }
0x8: {  	s6 =	ssub.s32 $0x2, s6;
	s7 =	smul.u32 $0x3800, s1;
	s1 =	rddreg [dreg:$0x3]  }
0x9: {  	_ =	strace $0x80000047;
	s26 =	sshrl.u32 s8, $0x3;
	s29 =	sshrl.u32 s6, $0x1  }
0xa: {  	s30 =	sshrl.u32 s28, $0x2;
	s8 =	sadd.s32 s8, s9;
	s12 =	ssub.s32 s6, s29  }
0xb: {  	s13 =	sadd.s32 s30, s3;
	s6 =	sor.u32 $0x1C03, s31;
	s7 =	sshrl.u32 s7, $0x3  }
0xc: {  	s8 =	sshrl.u32 s8, $0x3;
	s10 =	sadd.s32 s7, s5;
	s7 =	sadd.s32 s26, s5  }
0xd: {  	s11 =	sadd.s32 s8, s5;
	s5 =	sadd.s32 $0x11000, s7;
	s7 =	sadd.s32 $0x3000, s10  }
0xe: {  	s8 =	sadd.s32 $0x3380, s10;
	s9 =	sadd.s32 $0x38800, s11;
	s10 =	smax.u32 s12, $0x1  }
0xf: {  	s11 =	sshrl.u32 s13, $0x3;
	s12 =	simm.s32 $0x3;
	s13 =	simm.s32 $0x15800  }
.LBB2_1:
0x10: {  	[spmem:s11], [sflag:s6] =	dma.local [hbm:s5], $0x2780  }
0x11: {  	_ =	swait.ge [sflag:s12], $0x2780  }
0x12: {  	[sflag:s12] =	ssyncset.done $0x0  }
0x13: {  	[sflag:s12] =	ssyncadd.s32 $0xFFFFD880  }
0x14: {  	[tilespmem:s13], [sflag:$0x3] =	stream.linear.gather [hbm4b:s2+s4], $0x3200, $0x38;
	[tilespmem:$0x18C00] =	vst v63  }
0x15: {  	_ =	swait.ge [sflag:s12], $0x3200  }
0x16: {  	[sflag:s12] =	ssyncset.done $0x0  }
0x17: {  	[sflag:s12] =	ssyncadd.s32 $0xFFFFCE00  }
0x18: {  	[bflag:$0x0] =	sbarrier.arrive $0xFFFF  }
0x19: {  	[tilespmem:s14], [sflag:$0x3] =	stream.linear.gather [hbm4b:s7+s4], $0x1900, $0x38;
	[tilespmem:$0x18C00] =	vst v63  }
0x1a: {  	_ =	swait.ge [sflag:s12], $0x1900  }
0x1b: {  	[sflag:s12] =	ssyncset.done $0x0  }
0x1c: {  	s19 =	simm.s32 $0x13C00;
	[sflag:s12] =	ssyncadd.s32 $0xFFFFE700  }
0x1d: {  	[spmem:s3] =	stream.indirect.scatter.add.f32 [tilespmem:s13], [sflag:$0x1], $0x80, s19, s15, $0xb8;
	[tilespmem:$0x18C00] =	vst v63  }
0x1e: {  	s31 =	simm.s32 $0x13C80  }
0x1f: {  	[spmem:s3] =	stream.indirect.scatter.add.f32 [tilespmem:s13], [sflag:$0x2], $0x80, s31, s15, $0xb8;
	[tilespmem:$0x18C00] =	vst v63  }
0x20: {  	_ =	swait.ge [sflag:s16], $0x3200  }
0x21: {  	[sflag:s16] =	ssyncset.done $0x0  }
0x22: {  	[sflag:s16] =	ssyncadd.s32 $0xFFFFCE00  }
0x23: {  	_ =	swait.ge [sflag:s17], $0x3200  }
0x24: {  	s20 =	simm.s32 $0x800;
	s19 =	simm.s32 $0x100;
	[sflag:s17] =	ssyncset.done $0x0  }
.LBB2_2:
0x25: {  	s21 =	sadd.s32 $0x13C00, s19  }
0x26: {  	[sflag:s17] =	ssyncadd.s32 $0xFFFFCE00;
	s22 =	smov.u32 s20;
	s23 =	sadd.s32 $0x400, s20  }
0x27: {  	[spmem:s3] =	stream.indirect.scatter.add.f32 [tilespmem:s13], [sflag:$0x1], $0x80, s21, s15, $0xb8;
	[tilespmem:$0x18C00] =	vst v63  }
0x28: {  	p0 =	sne.s32 s20, $0x6000;
	s19 =	sadd.s32 $0x13C80, s19  }
0x29: {  	[spmem:s3] =	stream.indirect.scatter.add.f32 [tilespmem:s13], [sflag:$0x2], $0x80, s19, s15, $0xb8;
	[tilespmem:$0x18C00] =	vst v63  }
.Ltmp0:
0x2a: {  	_ =	swait.ge [sflag:s16], $0x3200;
	(pc) =	sbr.rel @p0 .LBB2_2-.Ltmp0, $4  }
0x2b: {  	[sflag:s16] =	ssyncset.done $0x0  }
0x2c: {  	[sflag:s16] =	ssyncadd.s32 $0xFFFFCE00  }
0x2d: {  	_ =	swait.ge [sflag:s17], $0x3200  }
0x2e: {  	s20 =	smov.u32 s23;
	s19 =	sshra.s32 s22, $0x2;
	[sflag:s17] =	ssyncset.done $0x0  }
0x2f: {  	s20 =	sadd.s32 $0x13C00, s19;
	[sflag:s17] =	ssyncadd.s32 $0xFFFFCE00  }
0x30: {  	[spmem:s3] =	stream.indirect.scatter.add.f32 [tilespmem:s13], [sflag:$0x1], $0x80, s20, s15, $0xb8;
	[tilespmem:$0x18C00] =	vst v63  }
0x31: {  	s28 =	sadd.s32 $0x13C80, s19  }
0x32: {  	[spmem:s3] =	stream.indirect.scatter.add.f32 [tilespmem:s13], [sflag:$0x2], $0x80, s28, s15, $0xb8;
	[tilespmem:$0x18C00] =	vst v63  }
0x33: {  	_ =	swait.ge [sflag:s16], $0x3200  }
0x34: {  	[sflag:s16] =	ssyncset.done $0x0  }
0x35: {  	[sflag:s16] =	ssyncadd.s32 $0xFFFFCE00  }
0x36: {  	_ =	swait.ge [sflag:s17], $0x3200  }
0x37: {  	[sflag:s17] =	ssyncset.done $0x0  }
0x38: {  	s29 =	simm.s32 $0x0;
	[sflag:s17] =	ssyncadd.s32 $0xFFFFCE00  }
0x39: {  	[tilespmem:s14], [sflag:$0x3] =	stream.linear.gather [hbm4b:s8+s29], $0x1900, $0x38;
	[tilespmem:$0x18C00] =	vst v63  }
0x3a: {  	_ =	swait.ge [sflag:s12], $0x1900  }
0x3b: {  	[sflag:s12] =	ssyncset.done $0x0  }
0x3c: {  	s30 =	simm.s32 $0x13C00;
	[sflag:s12] =	ssyncadd.s32 $0xFFFFE700  }
0x3d: {  	[spmem:s3] =	stream.indirect.scatter.add.f32 [tilespmem:s13], [sflag:$0x1], $0x80, s30, s15, $0xb8;
	[tilespmem:$0x18C00] =	vst v63  }
0x3e: {  	s31 =	simm.s32 $0x13C80  }
0x3f: {  	[spmem:s3] =	stream.indirect.scatter.add.f32 [tilespmem:s13], [sflag:$0x2], $0x80, s31, s15, $0xb8;
	[tilespmem:$0x18C00] =	vst v63  }
0x40: {  	_ =	swait.ge [sflag:s16], $0x3200  }
0x41: {  	[sflag:s16] =	ssyncset.done $0x0  }
0x42: {  	[sflag:s16] =	ssyncadd.s32 $0xFFFFCE00  }
0x43: {  	_ =	swait.ge [sflag:s17], $0x3200  }
0x44: {  	s19 =	simm.s32 $0x100;
	s20 =	simm.s32 $0x800;
	[sflag:s17] =	ssyncset.done $0x0  }
.LBB2_4:
0x45: {  	s21 =	sadd.s32 $0x13C00, s19  }
0x46: {  	[sflag:s17] =	ssyncadd.s32 $0xFFFFCE00;
	s22 =	smov.u32 s20;
	s23 =	sadd.s32 $0x400, s20  }
0x47: {  	[spmem:s3] =	stream.indirect.scatter.add.f32 [tilespmem:s13], [sflag:$0x1], $0x80, s21, s15, $0xb8;
	[tilespmem:$0x18C00] =	vst v63  }
0x48: {  	p0 =	sne.s32 s20, $0x6000;
	s19 =	sadd.s32 $0x13C80, s19  }
0x49: {  	[spmem:s3] =	stream.indirect.scatter.add.f32 [tilespmem:s13], [sflag:$0x2], $0x80, s19, s15, $0xb8;
	[tilespmem:$0x18C00] =	vst v63  }
.Ltmp1:
0x4a: {  	_ =	swait.ge [sflag:s16], $0x3200;
	(pc) =	sbr.rel @p0 .LBB2_4-.Ltmp1, $4  }
0x4b: {  	[sflag:s16] =	ssyncset.done $0x0  }
0x4c: {  	[sflag:s16] =	ssyncadd.s32 $0xFFFFCE00  }
0x4d: {  	_ =	swait.ge [sflag:s17], $0x3200  }
0x4e: {  	s20 =	smov.u32 s23;
	s19 =	sshra.s32 s22, $0x2;
	[sflag:s17] =	ssyncset.done $0x0  }
0x4f: {  	s20 =	sadd.s32 $0x13C00, s19;
	[sflag:s17] =	ssyncadd.s32 $0xFFFFCE00  }
0x50: {  	[spmem:s3] =	stream.indirect.scatter.add.f32 [tilespmem:s13], [sflag:$0x1], $0x80, s20, s15, $0xb8;
	[tilespmem:$0x18C00] =	vst v63  }
0x51: {  	s31 =	sadd.s32 $0x13C80, s19  }
0x52: {  	[spmem:s3] =	stream.indirect.scatter.add.f32 [tilespmem:s13], [sflag:$0x2], $0x80, s31, s15, $0xb8;
	[tilespmem:$0x18C00] =	vst v63  }
0x53: {  	_ =	swait.ge [sflag:s16], $0x3200  }
0x54: {  	[sflag:s16] =	ssyncset.done $0x0  }
0x55: {  	[sflag:s16] =	ssyncadd.s32 $0xFFFFCE00  }
0x56: {  	_ =	swait.ge [sflag:s17], $0x3200  }
0x57: {  	s18 =	sadd.s32 $0x1, s18;
	[sflag:s17] =	ssyncset.done $0x0  }
0x58: {  	p0 =	sne.s32 s18, s10;
	[sflag:s17] =	ssyncadd.s32 $0xFFFFCE00  }
.Ltmp2:
0x59: {  	[bflag:$0x0] =	sbarrier.arrive $0xFFFF;
	(pc) =	sbr.rel @p0 .LBB2_1-.Ltmp2, $4  }
0x5a: {  	[hbm:s9], [sflag:s6] =	dma.local [spmem:s11], $0x2780  }
0x5b: {  	_ =	swait.ge [sflag:s12], $0x2780  }
0x5c: {  	[sflag:s12] =	ssyncset.done $0x0  }
0x5d: {  	[sflag:s12] =	ssyncadd.s32 $0xFFFFD880  }
0x5e: {  	_ =	sfence.sel $0x180000  }
0x5f: {  	[bflag:$0x0] =	sbarrier.arrive $0xFFFF  }
0x60: {  	p0 =	sne.s32 s0, $0x0;
	_ =	strace $0x90000047  }
0x61: {  	s0 =	sadd.s32 @!p0 $0x100000, s1;
	[bflag:$0x2] =	sbarrier.arrive $0xFFFF  }
0x62: {  	[sflag:s0] =	ssyncadd.tile.s32 @!p0 $0x1;
	_ =	shalt  }
.Lfunc_end2:
_tile_overlayer_lowered:
.L_overlay_start_2:
0x63: {  	(tag) =	ssettag $0x2  }
0x64: {  	s0 =	rddreg [dreg:$0x0];
	s2 =	stileid.u32  }
0x65: {  	s1 =	rddreg [dreg:$0x1];
	p0 =	sne.s32 s2, $0x0  }
0x66: {  	s3 =	rddreg [dreg:$0x2];
	[bflag:$0x3] =	sbarrier.arrive $0xFFFF;
	s2 =	simm.s32 @!p0 $0x1C03  }
0x67: {  	[timem:s3], [sflag:s2] =	dma.local @!p0 [hbm:s0], s1  }
0x68: {  	s0 =	simm.s32 @!p0 $0x3  }
0x69: {  	_ =	swait.ge @!p0 [sflag:s0], s1  }
0x6a: {  	s1 =	ssub.s32 @!p0 $0x0, s1;
	[sflag:s0] =	ssyncset.done @!p0 $0x0  }
0x6b: {  	[sflag:s0] =	ssyncadd.s32 @!p0 s1  }
0x6c: {  	[bflag:$0x3] =	sbarrier.arrive $0xFFFF  }
0x6d: {  	_ =	shalt  }

</sc_bundles>
